<compile_context>
chip_gen: v7x
topology: tpu7x:2x2x1
jax: 0.10.2.dev20260603
libtpu: 0.0.44.dev20260713+nightly
codegen_flags: <defaults>
</compile_context>

<pallas_src>
import functools

import jax
import jax.numpy as jnp
from jax import lax
from jax.experimental import pallas as pl
from jax.experimental.pallas import tpu as pltpu
from jax.experimental.pallas import tpu_sc as plsc

NU = 5000
N = 10000
D = 128
E = 320000
NC = 2
NS = 16
RPB = 128
EP = 327680
RP = EP // RPB
R_T32 = RP // (NC * NS)
NPAD = 10240
RT = NPAD // NS

_sc_mesh = plsc.VectorSubcoreMesh(core_axis_name="c", subcore_axis_name="s")


@functools.partial(
    pl.kernel,
    out_type=jax.ShapeDtypeStruct((NC * NPAD, D), jnp.float32),
    mesh=_sc_mesh,
    scratch_types=(
        pltpu.VMEM((RPB,), jnp.int32),
        pltpu.VMEM((RPB,), jnp.int32),
        pltpu.VMEM((RPB,), jnp.int32),
        pltpu.VMEM((RPB,), jnp.int32),
        pltpu.VMEM((RPB,), jnp.int32),
        pltpu.VMEM((RPB,), jnp.int32),
        pltpu.VMEM((RPB,), jnp.int32),
        pltpu.VMEM((RPB,), jnp.int32),
        pltpu.VMEM((RPB, D), jnp.float32),
        pltpu.VMEM((RPB, D), jnp.float32),
        pltpu.VMEM_SHARED((NPAD, D), jnp.float32),
        pltpu.SemaphoreType.DMA,
        pltpu.SemaphoreType.DMA,
        pltpu.SemaphoreType.DMA,
        pltpu.SemaphoreType.DMA,
        pltpu.SemaphoreType.DMA,
        pltpu.SemaphoreType.DMA,
        pltpu.SemaphoreType.DMA,
        pltpu.SemaphoreType.DMA,
        pltpu.SemaphoreType.DMA,
        pltpu.SemaphoreType.DMA,
    ),
)
def _sc_gcn(t_hbm, src_hbm, dst_hbm, zblk_hbm, out,
            sidx0, sidx1, sidx2, sidx3, didx0, didx1, didx2, didx3,
            rows0, rows1, acc,
            ss0, ss1, ss2, ss3, ds0, ds1, ds2, ds3, g0, g1):
    c = lax.axis_index("c")
    s = lax.axis_index("s")
    wid = s * NC + c
    base = wid * R_T32 * RPB
    sidx = (sidx0, sidx1, sidx2, sidx3)
    didx = (didx0, didx1, didx2, didx3)
    rows = (rows0, rows1)
    ssem = (ss0, ss1, ss2, ss3)
    dsem = (ds0, ds1, ds2, ds3)
    gsem = (g0, g1)
    pltpu.sync_copy(zblk_hbm, acc.at[pl.ds(s * RT, RT)])
    plsc.subcore_barrier()

    def issue_idx(koff, q):
        pltpu.async_copy(src_hbm.at[pl.ds(base + koff, RPB)], sidx[q], ssem[q])
        pltpu.async_copy(dst_hbm.at[pl.ds(base + koff, RPB)], didx[q], dsem[q])

    def issue_gather(q, p):
        pltpu.async_copy(t_hbm.at[sidx[q]], rows[p], gsem[p])

    for i in range(4):
        issue_idx(i * RPB, i)
    for i in range(2):
        pltpu.make_async_copy(src_hbm.at[pl.ds(base + i * RPB, RPB)],
                              sidx[i], ssem[i]).wait()
        issue_gather(i, i)

    def step(koff, k_static):
        p = k_static % 2
        q = k_static % 4
        q2 = (k_static + 2) % 4
        pltpu.make_async_copy(t_hbm.at[sidx[q]], rows[p], gsem[p]).wait()
        pltpu.make_async_copy(dst_hbm.at[pl.ds(base + koff, RPB)],
                              didx[q], dsem[q]).wait()
        pltpu.sync_copy(rows[p], acc.at[didx[q]], add=True)
        issue_idx(koff + 4 * RPB, q)
        pltpu.make_async_copy(src_hbm.at[pl.ds(base + koff + 2 * RPB, RPB)],
                              sidx[q2], ssem[q2]).wait()
        issue_gather(q2, p)

    def body(j, carry):
        b0 = j * (4 * RPB)
        for i in range(4):
            step(b0 + i * RPB, i)
        return carry

    NBLK = (R_T32 - 4) // 4
    lax.fori_loop(0, NBLK, body, 0)

    eb = (R_T32 - 4) * RPB
    for i in range(2):
        k = R_T32 - 4 + i
        p, q, q2 = k % 2, k % 4, (k + 2) % 4
        pltpu.make_async_copy(t_hbm.at[sidx[q]], rows[p], gsem[p]).wait()
        pltpu.make_async_copy(dst_hbm.at[pl.ds(eb + i * RPB, RPB)],
                              didx[q], dsem[q]).wait()
        pltpu.sync_copy(rows[p], acc.at[didx[q]], add=True)
        pltpu.make_async_copy(src_hbm.at[pl.ds(eb + (i + 2) * RPB, RPB)],
                              sidx[q2], ssem[q2]).wait()
        issue_gather(q2, p)
    for i in range(2, 4):
        k = R_T32 - 4 + i
        p, q = k % 2, k % 4
        pltpu.make_async_copy(t_hbm.at[sidx[q]], rows[p], gsem[p]).wait()
        pltpu.make_async_copy(dst_hbm.at[pl.ds(eb + i * RPB, RPB)],
                              didx[q], dsem[q]).wait()
        pltpu.sync_copy(rows[p], acc.at[didx[q]], add=True)

    plsc.subcore_barrier()
    pltpu.sync_copy(acc.at[pl.ds(s * RT, RT)],
                    out.at[pl.ds(c * NPAD + s * RT, RT)])


_BLK1 = 128


def _tc_xform_body(x_ref, wut_ref, wit_ref, bu_ref, bi_ref, oi_ref,
                   node_ref, t_ref):
    i = pl.program_id(0)
    x = x_ref[...]
    yu = jnp.dot(x, wut_ref[...], preferred_element_type=jnp.float32)
    yi = jnp.dot(x, wit_ref[...], preferred_element_type=jnp.float32)
    row = i * _BLK1 + lax.broadcasted_iota(jnp.int32, (_BLK1, 1), 0)
    y = jnp.where(row < NU, yu + bu_ref[...], yi + bi_ref[...])
    n = jnp.maximum(y, 0.0)
    node_ref[...] = n
    t_ref[...] = n * oi_ref[...]


def _tc_xform(x_pad, wut, wit, bu, bi, oi_col):
    return pl.pallas_call(
        _tc_xform_body,
        grid=(NPAD // _BLK1,),
        in_specs=[
            pl.BlockSpec((_BLK1, D), lambda i: (i, 0)),
            pl.BlockSpec((D, D), lambda i: (0, 0)),
            pl.BlockSpec((D, D), lambda i: (0, 0)),
            pl.BlockSpec((1, D), lambda i: (0, 0)),
            pl.BlockSpec((1, D), lambda i: (0, 0)),
            pl.BlockSpec((_BLK1, 1), lambda i: (i, 0)),
        ],
        out_specs=[
            pl.BlockSpec((_BLK1, D), lambda i: (i, 0)),
            pl.BlockSpec((_BLK1, D), lambda i: (i, 0)),
        ],
        out_shape=[
            jax.ShapeDtypeStruct((NPAD, D), jnp.float32),
            jax.ShapeDtypeStruct((NPAD, D), jnp.float32),
        ],
    )(x_pad, wut, wit, bu, bi, oi_col)


_BLK2 = 1280


def _tc_mid_body(pa_ref, pb_ref, ii_ref, oi_ref, emb_ref, t_ref):
    e = (pa_ref[0] + pb_ref[0]) * ii_ref[...]
    emb_ref[...] = e
    t_ref[...] = e * oi_ref[...]


def _tc_mid(p3d, ii_col, oi_col):
    return pl.pallas_call(
        _tc_mid_body,
        grid=(NPAD // _BLK2,),
        in_specs=[
            pl.BlockSpec((1, _BLK2, D), lambda i: (0, i, 0)),
            pl.BlockSpec((1, _BLK2, D), lambda i: (1, i, 0)),
            pl.BlockSpec((_BLK2, 1), lambda i: (i, 0)),
            pl.BlockSpec((_BLK2, 1), lambda i: (i, 0)),
        ],
        out_specs=[
            pl.BlockSpec((_BLK2, D), lambda i: (i, 0)),
            pl.BlockSpec((_BLK2, D), lambda i: (i, 0)),
        ],
        out_shape=[
            jax.ShapeDtypeStruct((NPAD, D), jnp.float32),
            jax.ShapeDtypeStruct((NPAD, D), jnp.float32),
        ],
    )(p3d, p3d, ii_col, oi_col)


def _tc_out_user_body(node_ref, emb0_ref, pa_ref, pb_ref, ii_ref, o_ref):
    emb1 = (pa_ref[0] + pb_ref[0]) * ii_ref[...]
    o_ref[...] = node_ref[...] + emb0_ref[...] * 0.5 + emb1 * (1.0 / 3.0)


def _tc_out_item_body(node_ref, emb0_ref, pa_ref, pb_ref, ii_ref, side_ref,
                      o_ref):
    emb1 = (pa_ref[0] + pb_ref[0]) * ii_ref[...]
    o_ref[...] = (node_ref[...] + emb0_ref[...] * 0.5 + emb1 * (1.0 / 3.0)
                  + side_ref[...])


def _tc_out(node0, emb0, p3d, ii_col, side):
    user = pl.pallas_call(
        _tc_out_user_body,
        grid=(1,),
        in_specs=[
            pl.BlockSpec((NU, D), lambda i: (0, 0)),
            pl.BlockSpec((NU, D), lambda i: (0, 0)),
            pl.BlockSpec((1, NU, D), lambda i: (0, 0, 0)),
            pl.BlockSpec((1, NU, D), lambda i: (1, 0, 0)),
            pl.BlockSpec((NU, 1), lambda i: (0, 0)),
        ],
        out_specs=pl.BlockSpec((NU, D), lambda i: (0, 0)),
        out_shape=jax.ShapeDtypeStruct((NU, D), jnp.float32),
    )(node0, emb0, p3d, p3d, ii_col)
    item = pl.pallas_call(
        _tc_out_item_body,
        grid=(1,),
        in_specs=[
            pl.BlockSpec((NU, D), lambda i: (1, 0)),
            pl.BlockSpec((NU, D), lambda i: (1, 0)),
            pl.BlockSpec((1, NU, D), lambda i: (0, 1, 0)),
            pl.BlockSpec((1, NU, D), lambda i: (1, 1, 0)),
            pl.BlockSpec((NU, 1), lambda i: (1, 0)),
            pl.BlockSpec((NU, D), lambda i: (0, 0)),
        ],
        out_specs=pl.BlockSpec((NU, D), lambda i: (0, 0)),
        out_shape=jax.ShapeDtypeStruct((NU, D), jnp.float32),
    )(node0, emb0, p3d, p3d, ii_col, side)
    return user, item


def kernel(origin_user_embedding, origin_item_embedding, item_side_feat,
           Wu, bu, Wi, bi, edge_index):
    src = edge_index[0]
    dst = edge_index[1]
    pad = EP - E
    pad_src = (jnp.arange(pad, dtype=jnp.int32) % 128) + N
    pad_dst = (jnp.arange(pad, dtype=jnp.int32) % 112) + N + 128
    srcp = jnp.concatenate([src, pad_src])
    dstp = jnp.concatenate([dst, pad_dst])
    zblk = jnp.zeros((RT, D), jnp.float32)

    out_deg = jnp.maximum(
        jnp.bincount(src, length=N).astype(jnp.float32), 1.0
    )
    in_deg = jnp.maximum(
        jnp.bincount(dst, length=N).astype(jnp.float32), 1.0
    )
    oi_col = jnp.pad(lax.rsqrt(out_deg), (0, NPAD - N),
                     constant_values=1.0)[:, None]
    ii_col = jnp.pad(lax.rsqrt(in_deg), (0, NPAD - N),
                     constant_values=1.0)[:, None]

    x_pad = jnp.concatenate(
        [origin_user_embedding, origin_item_embedding,
         jnp.zeros((NPAD - N, D), jnp.float32)], axis=0)
    node0, t0 = _tc_xform(x_pad, Wu.T, Wi.T, bu[None, :], bi[None, :], oi_col)

    p0 = _sc_gcn(t0, srcp, dstp, zblk).reshape(NC, NPAD, D)
    emb0, t1 = _tc_mid(p0, ii_col, oi_col)

    p1 = _sc_gcn(t1, srcp, dstp, zblk).reshape(NC, NPAD, D)
    return _tc_out(node0, emb0, p1, ii_col, item_side_feat)

# --- scband reference (transcript-rebuilt; emitter-appended) ---
"""Pipeline reference for scband-encoder-15375982920181 (READ-ONLY COPY).

The authoritative reference and input builder live on the scoring server;
editing this copy changes nothing except your own understanding.
"""

import jax, jax.numpy as jnp
import numpy as np

N_USERS = 5000
N_ITEMS = 5000
N_NODES = N_USERS + N_ITEMS
D = 128
E = 320000
LAYER_NUM = 2


def setup_inputs(seed: int = 0) -> dict:
    key = jax.random.key(seed)
    ks = jax.random.split(key, 8)
    scale = 1.0 / np.sqrt(D)
    return {
        "origin_user_embedding": jax.random.normal(ks[0], (N_USERS, D), dtype=jnp.float32),
        "origin_item_embedding": jax.random.normal(ks[1], (N_ITEMS, D), dtype=jnp.float32),
        "item_side_feat": jax.random.normal(ks[2], (N_ITEMS, D), dtype=jnp.float32),
        "Wu": jax.random.normal(ks[3], (D, D), dtype=jnp.float32) * scale,
        "bu": jnp.zeros((D,), dtype=jnp.float32),
        "Wi": jax.random.normal(ks[4], (D, D), dtype=jnp.float32) * scale,
        "bi": jnp.zeros((D,), dtype=jnp.float32),
        "edge_index": jax.random.randint(ks[5], (2, E), 0, N_NODES, dtype=jnp.int32),
    }


def _gcn_layer(node_f, src, dst):
    # out-degree symmetric normalization on source side
    out_deg = jnp.maximum(jnp.bincount(src, length=N_NODES).astype(jnp.float32), 1.0)
    node_f = node_f * (out_deg ** -0.5)[:, None]
    # copy_src + sum reduce == scatter-add of gathered src features at dst
    agg = jax.ops.segment_sum(node_f[src], dst, num_segments=N_NODES)
    in_deg = jnp.maximum(jnp.bincount(dst, length=N_NODES).astype(jnp.float32), 1.0)
    return agg * (in_deg ** -0.5)[:, None]


def reference(origin_user_embedding, origin_item_embedding, item_side_feat, Wu, bu, Wi, bi, edge_index):
    src = edge_index[0]
    dst = edge_index[1]
    user_embedding = jax.nn.relu(origin_user_embedding @ Wu.T + bu)
    item_embedding = jax.nn.relu(origin_item_embedding @ Wi.T + bi)
    emb = None
    for i in range(LAYER_NUM):
        if i == 0:
            node_f = jnp.concatenate([user_embedding, item_embedding], axis=0)
        else:
            node_f = emb  # cat(emb[:userNum], emb[userNum:]) == emb
        # feat_drop is identity in inference mode
        emb = _gcn_layer(node_f, src, dst)
        item_embedding = item_embedding + emb[N_USERS:] * (1.0 / (i + 2))
        user_embedding = user_embedding + emb[:N_USERS] * (1.0 / (i + 2))
    item_embedding = item_embedding + item_side_feat
    return (user_embedding, item_embedding)

if __name__ == "__main__":
    import jax
    _d = setup_inputs()
    print(jax.jit(kernel)(*tuple(_d.values())))

</pallas_src>

<mosaic_0001>
#map = affine_map<(d0, d1) -> (0, 0)>
#map1 = affine_map<(d0, d1) -> (0)>
module attributes {stable_mosaic.version = 14 : i64} {
  func.func @_sc_gcn(%arg0: i32, %arg1: i32, %arg2: memref<10240x128xf32, #tpu.memory_space<hbm>>, %arg3: memref<327680xi32, #tpu.memory_space<hbm>>, %arg4: memref<327680xi32, #tpu.memory_space<hbm>>, %arg5: memref<640x128xf32, #tpu.memory_space<hbm>>, %arg6: memref<20480x128xf32, #tpu.memory_space<hbm>>, %arg7: memref<128xi32, #tpu.memory_space<vmem>>, %arg8: memref<128xi32, #tpu.memory_space<vmem>>, %arg9: memref<128xi32, #tpu.memory_space<vmem>>, %arg10: memref<128xi32, #tpu.memory_space<vmem>>, %arg11: memref<128xi32, #tpu.memory_space<vmem>>, %arg12: memref<128xi32, #tpu.memory_space<vmem>>, %arg13: memref<128xi32, #tpu.memory_space<vmem>>, %arg14: memref<128xi32, #tpu.memory_space<vmem>>, %arg15: memref<128x128xf32, #tpu.memory_space<vmem>>, %arg16: memref<128x128xf32, #tpu.memory_space<vmem>>, %arg17: memref<10240x128xf32, #tpu.memory_space<vmem_shared>>, %arg18: memref<!tpu.dma_semaphore, #tpu.memory_space<semaphore_mem>>, %arg19: memref<!tpu.dma_semaphore, #tpu.memory_space<semaphore_mem>>, %arg20: memref<!tpu.dma_semaphore, #tpu.memory_space<semaphore_mem>>, %arg21: memref<!tpu.dma_semaphore, #tpu.memory_space<semaphore_mem>>, %arg22: memref<!tpu.dma_semaphore, #tpu.memory_space<semaphore_mem>>, %arg23: memref<!tpu.dma_semaphore, #tpu.memory_space<semaphore_mem>>, %arg24: memref<!tpu.dma_semaphore, #tpu.memory_space<semaphore_mem>>, %arg25: memref<!tpu.dma_semaphore, #tpu.memory_space<semaphore_mem>>, %arg26: memref<!tpu.dma_semaphore, #tpu.memory_space<semaphore_mem>>, %arg27: memref<!tpu.dma_semaphore, #tpu.memory_space<semaphore_mem>>) attributes {dimension_semantics = [#tpu.dimension_semantics<core_parallel>, #tpu.dimension_semantics<subcore_parallel>], iteration_bounds = array<i64: 2, 16>, scalar_prefetch = 0 : i64, scratch_operands = 21 : i64, tpu.core_type = #tpu.core_type<sc_vector_subcore>, window_params = [{transform_indices = #map}, {transform_indices = #map1}, {transform_indices = #map1}, {transform_indices = #map}, {transform_indices = #map}]} {
    %mul3A = arith.constant 2 : i32
    %mul3A_0 = arith.muli %arg1, %mul3A : i32
    %add3A = arith.addi %mul3A_0, %arg0 : i32
    %mul3A_1 = arith.constant 80 : i32
    %mul3A_2 = arith.muli %add3A, %mul3A_1 : i32
    %mul3A_3 = arith.constant 128 : i32
    %mul3A_4 = arith.muli %mul3A_2, %mul3A_3 : i32
    %mul3A_5 = arith.constant 640 : i32
    %mul3A_6 = arith.muli %arg1, %mul3A_5 : i32
    "tpu.region"() ({
      %run_scoped3A = tpu.sem_alloc : memref<!tpu.dma_semaphore, #tpu.memory_space<semaphore_mem>>
      %dma_start3A_106 = arith.constant 0 : i32
      %dma_start3A_107 = tpu.memref_slice %arg17[%mul3A_6, %dma_start3A_106] : memref<10240x128xf32, #tpu.memory_space<vmem_shared>> -> memref<640x128xf32, #tpu.memory_space<vmem_shared>>
      tpu.enqueue_dma source(%arg5 : memref<640x128xf32, #tpu.memory_space<hbm>>) target(%dma_start3A_107 : memref<640x128xf32, #tpu.memory_space<vmem_shared>>) target_semaphore(%run_scoped3A : memref<!tpu.dma_semaphore, #tpu.memory_space<semaphore_mem>>)
      %dma_wait3A_108 = arith.constant 0 : i32
      %dma_wait3A_109 = tpu.memref_slice %arg17[%mul3A_6, %dma_wait3A_108] : memref<10240x128xf32, #tpu.memory_space<vmem_shared>> -> memref<640x128xf32, #tpu.memory_space<vmem_shared>>
      tpu.wait_dma2 semaphore(%run_scoped3A : memref<!tpu.dma_semaphore, #tpu.memory_space<semaphore_mem>>) src(%arg5 : memref<640x128xf32, #tpu.memory_space<hbm>>) dst(%dma_wait3A_109 : memref<640x128xf32, #tpu.memory_space<vmem_shared>>)
      tpu.yield
    }) : () -> ()
    %barrier3A = arith.constant 0 : index
    tpu.barrier barrier_id(%barrier3A)
    %add3A_7 = arith.constant 0 : i32
    %add3A_8 = arith.addi %mul3A_4, %add3A_7 : i32
    %dma_start3A = tpu.memref_slice %arg3[%add3A_8] : memref<327680xi32, #tpu.memory_space<hbm>> -> memref<128xi32, #tpu.memory_space<hbm>>
    %dma_start3A_9 = tpu.memref_slice %arg3[%add3A_8] : memref<327680xi32, #tpu.memory_space<hbm>> -> memref<128xi32, #tpu.memory_space<hbm>>
    tpu.enqueue_dma source(%dma_start3A_9 : memref<128xi32, #tpu.memory_space<hbm>>) target(%arg7 : memref<128xi32, #tpu.memory_space<vmem>>) target_semaphore(%arg18 : memref<!tpu.dma_semaphore, #tpu.memory_space<semaphore_mem>>)
    %add3A_10 = arith.constant 0 : i32
    %add3A_11 = arith.addi %mul3A_4, %add3A_10 : i32
    %dma_start3A_12 = tpu.memref_slice %arg4[%add3A_11] : memref<327680xi32, #tpu.memory_space<hbm>> -> memref<128xi32, #tpu.memory_space<hbm>>
    %dma_start3A_13 = tpu.memref_slice %arg4[%add3A_11] : memref<327680xi32, #tpu.memory_space<hbm>> -> memref<128xi32, #tpu.memory_space<hbm>>
    tpu.enqueue_dma source(%dma_start3A_13 : memref<128xi32, #tpu.memory_space<hbm>>) target(%arg11 : memref<128xi32, #tpu.memory_space<vmem>>) target_semaphore(%arg22 : memref<!tpu.dma_semaphore, #tpu.memory_space<semaphore_mem>>)
    %add3A_14 = arith.constant 128 : i32
    %add3A_15 = arith.addi %mul3A_4, %add3A_14 : i32
    %dma_start3A_16 = tpu.memref_slice %arg3[%add3A_15] : memref<327680xi32, #tpu.memory_space<hbm>> -> memref<128xi32, #tpu.memory_space<hbm>>
    %dma_start3A_17 = tpu.memref_slice %arg3[%add3A_15] : memref<327680xi32, #tpu.memory_space<hbm>> -> memref<128xi32, #tpu.memory_space<hbm>>
    tpu.enqueue_dma source(%dma_start3A_17 : memref<128xi32, #tpu.memory_space<hbm>>) target(%arg8 : memref<128xi32, #tpu.memory_space<vmem>>) target_semaphore(%arg19 : memref<!tpu.dma_semaphore, #tpu.memory_space<semaphore_mem>>)
    %add3A_18 = arith.constant 128 : i32
    %add3A_19 = arith.addi %mul3A_4, %add3A_18 : i32
    %dma_start3A_20 = tpu.memref_slice %arg4[%add3A_19] : memref<327680xi32, #tpu.memory_space<hbm>> -> memref<128xi32, #tpu.memory_space<hbm>>
    %dma_start3A_21 = tpu.memref_slice %arg4[%add3A_19] : memref<327680xi32, #tpu.memory_space<hbm>> -> memref<128xi32, #tpu.memory_space<hbm>>
    tpu.enqueue_dma source(%dma_start3A_21 : memref<128xi32, #tpu.memory_space<hbm>>) target(%arg12 : memref<128xi32, #tpu.memory_space<vmem>>) target_semaphore(%arg23 : memref<!tpu.dma_semaphore, #tpu.memory_space<semaphore_mem>>)
    %add3A_22 = arith.constant 256 : i32
    %add3A_23 = arith.addi %mul3A_4, %add3A_22 : i32
    %dma_start3A_24 = tpu.memref_slice %arg3[%add3A_23] : memref<327680xi32, #tpu.memory_space<hbm>> -> memref<128xi32, #tpu.memory_space<hbm>>
    %dma_start3A_25 = tpu.memref_slice %arg3[%add3A_23] : memref<327680xi32, #tpu.memory_space<hbm>> -> memref<128xi32, #tpu.memory_space<hbm>>
    tpu.enqueue_dma source(%dma_start3A_25 : memref<128xi32, #tpu.memory_space<hbm>>) target(%arg9 : memref<128xi32, #tpu.memory_space<vmem>>) target_semaphore(%arg20 : memref<!tpu.dma_semaphore, #tpu.memory_space<semaphore_mem>>)
    %add3A_26 = arith.constant 256 : i32
    %add3A_27 = arith.addi %mul3A_4, %add3A_26 : i32
    %dma_start3A_28 = tpu.memref_slice %arg4[%add3A_27] : memref<327680xi32, #tpu.memory_space<hbm>> -> memref<128xi32, #tpu.memory_space<hbm>>
    %dma_start3A_29 = tpu.memref_slice %arg4[%add3A_27] : memref<327680xi32, #tpu.memory_space<hbm>> -> memref<128xi32, #tpu.memory_space<hbm>>
    tpu.enqueue_dma source(%dma_start3A_29 : memref<128xi32, #tpu.memory_space<hbm>>) target(%arg13 : memref<128xi32, #tpu.memory_space<vmem>>) target_semaphore(%arg24 : memref<!tpu.dma_semaphore, #tpu.memory_space<semaphore_mem>>)
    %add3A_30 = arith.constant 384 : i32
    %add3A_31 = arith.addi %mul3A_4, %add3A_30 : i32
    %dma_start3A_32 = tpu.memref_slice %arg3[%add3A_31] : memref<327680xi32, #tpu.memory_space<hbm>> -> memref<128xi32, #tpu.memory_space<hbm>>
    %dma_start3A_33 = tpu.memref_slice %arg3[%add3A_31] : memref<327680xi32, #tpu.memory_space<hbm>> -> memref<128xi32, #tpu.memory_space<hbm>>
    tpu.enqueue_dma source(%dma_start3A_33 : memref<128xi32, #tpu.memory_space<hbm>>) target(%arg10 : memref<128xi32, #tpu.memory_space<vmem>>) target_semaphore(%arg21 : memref<!tpu.dma_semaphore, #tpu.memory_space<semaphore_mem>>)
    %add3A_34 = arith.constant 384 : i32
    %add3A_35 = arith.addi %mul3A_4, %add3A_34 : i32
    %dma_start3A_36 = tpu.memref_slice %arg4[%add3A_35] : memref<327680xi32, #tpu.memory_space<hbm>> -> memref<128xi32, #tpu.memory_space<hbm>>
    %dma_start3A_37 = tpu.memref_slice %arg4[%add3A_35] : memref<327680xi32, #tpu.memory_space<hbm>> -> memref<128xi32, #tpu.memory_space<hbm>>
    tpu.enqueue_dma source(%dma_start3A_37 : memref<128xi32, #tpu.memory_space<hbm>>) target(%arg14 : memref<128xi32, #tpu.memory_space<vmem>>) target_semaphore(%arg25 : memref<!tpu.dma_semaphore, #tpu.memory_space<semaphore_mem>>)
    %add3A_38 = arith.constant 0 : i32
    %add3A_39 = arith.addi %mul3A_4, %add3A_38 : i32
    %dma_wait3A = tpu.memref_slice %arg3[%add3A_39] : memref<327680xi32, #tpu.memory_space<hbm>> -> memref<128xi32, #tpu.memory_space<hbm>>
    %dma_wait3A_40 = tpu.memref_slice %arg3[%add3A_39] : memref<327680xi32, #tpu.memory_space<hbm>> -> memref<128xi32, #tpu.memory_space<hbm>>
    tpu.wait_dma2 semaphore(%arg18 : memref<!tpu.dma_semaphore, #tpu.memory_space<semaphore_mem>>) src(%dma_wait3A_40 : memref<128xi32, #tpu.memory_space<hbm>>) dst(%arg7 : memref<128xi32, #tpu.memory_space<vmem>>)
    %dma_start3A_41 = arith.constant 0 : i32
    %dma_start3A_42 = arith.constant 0 : i32
    %dma_start3A_43 = tpu.memref_slice %arg2[%dma_start3A_41, %dma_start3A_42] : memref<10240x128xf32, #tpu.memory_space<hbm>> -> memref<10240x128xf32, #tpu.memory_space<hbm>>
    tpu.enqueue_indirect_dma source(%dma_start3A_43 : memref<10240x128xf32, #tpu.memory_space<hbm>>) target(%arg15 : memref<128x128xf32, #tpu.memory_space<vmem>>) offsets(%arg7 : memref<128xi32, #tpu.memory_space<vmem>>) semaphore(%arg26 : memref<!tpu.dma_semaphore, #tpu.memory_space<semaphore_mem>>)
    %add3A_44 = arith.constant 128 : i32
    %add3A_45 = arith.addi %mul3A_4, %add3A_44 : i32
    %dma_wait3A_46 = tpu.memref_slice %arg3[%add3A_45] : memref<327680xi32, #tpu.memory_space<hbm>> -> memref<128xi32, #tpu.memory_space<hbm>>
    %dma_wait3A_47 = tpu.memref_slice %arg3[%add3A_45] : memref<327680xi32, #tpu.memory_space<hbm>> -> memref<128xi32, #tpu.memory_space<hbm>>
    tpu.wait_dma2 semaphore(%arg19 : memref<!tpu.dma_semaphore, #tpu.memory_space<semaphore_mem>>) src(%dma_wait3A_47 : memref<128xi32, #tpu.memory_space<hbm>>) dst(%arg8 : memref<128xi32, #tpu.memory_space<vmem>>)
    %dma_start3A_48 = arith.constant 0 : i32
    %dma_start3A_49 = arith.constant 0 : i32
    %dma_start3A_50 = tpu.memref_slice %arg2[%dma_start3A_48, %dma_start3A_49] : memref<10240x128xf32, #tpu.memory_space<hbm>> -> memref<10240x128xf32, #tpu.memory_space<hbm>>
    tpu.enqueue_indirect_dma source(%dma_start3A_50 : memref<10240x128xf32, #tpu.memory_space<hbm>>) target(%arg16 : memref<128x128xf32, #tpu.memory_space<vmem>>) offsets(%arg8 : memref<128xi32, #tpu.memory_space<vmem>>) semaphore(%arg27 : memref<!tpu.dma_semaphore, #tpu.memory_space<semaphore_mem>>)
    %scan3A = arith.constant 0 : i32
    %scan3A_51 = arith.constant 0 : i32
    %scan3A_52 = arith.constant 19 : i32
    %scan3A_53 = arith.addi %scan3A_51, %scan3A_52 : i32
    %scan3A_54 = arith.constant 1 : i32
    scf.for %scan3A_106 = %scan3A_51 to %scan3A_53 step %scan3A_54  : i32 {
      %mul3A_107 = arith.constant 512 : i32
      %mul3A_108 = arith.muli %scan3A_106, %mul3A_107 : i32
      %add3A_109 = arith.constant 0 : i32
      %add3A_110 = arith.addi %mul3A_108, %add3A_109 : i32
      %dma_wait3A_111 = arith.constant 0 : i32
      %dma_wait3A_112 = arith.constant 0 : i32
      %dma_wait3A_113 = tpu.memref_slice %arg2[%dma_wait3A_111, %dma_wait3A_112] : memref<10240x128xf32, #tpu.memory_space<hbm>> -> memref<10240x128xf32, #tpu.memory_space<hbm>>
      tpu.wait_indirect_dma semaphore(%arg26 : memref<!tpu.dma_semaphore, #tpu.memory_space<semaphore_mem>>) src(%dma_wait3A_113 : memref<10240x128xf32, #tpu.memory_space<hbm>>) dst(%arg15 : memref<128x128xf32, #tpu.memory_space<vmem>>)
      %add3A_114 = arith.addi %mul3A_4, %add3A_110 : i32
      %dma_wait3A_115 = tpu.memref_slice %arg4[%add3A_114] : memref<327680xi32, #tpu.memory_space<hbm>> -> memref<128xi32, #tpu.memory_space<hbm>>
      %dma_wait3A_116 = tpu.memref_slice %arg4[%add3A_114] : memref<327680xi32, #tpu.memory_space<hbm>> -> memref<128xi32, #tpu.memory_space<hbm>>
      tpu.wait_dma2 semaphore(%arg22 : memref<!tpu.dma_semaphore, #tpu.memory_space<semaphore_mem>>) src(%dma_wait3A_116 : memref<128xi32, #tpu.memory_space<hbm>>) dst(%arg11 : memref<128xi32, #tpu.memory_space<vmem>>)
      "tpu.region"() ({
        %run_scoped3A = tpu.sem_alloc : memref<!tpu.dma_semaphore, #tpu.memory_space<semaphore_mem>>
        %dma_start3A_205 = arith.constant 0 : i32
        %dma_start3A_206 = arith.constant 0 : i32
        %dma_start3A_207 = tpu.memref_slice %arg17[%dma_start3A_205, %dma_start3A_206] : memref<10240x128xf32, #tpu.memory_space<vmem_shared>> -> memref<10240x128xf32, #tpu.memory_space<vmem_shared>>
        tpu.enqueue_indirect_dma source(%arg15 : memref<128x128xf32, #tpu.memory_space<vmem>>) target(%dma_start3A_207 : memref<10240x128xf32, #tpu.memory_space<vmem_shared>>) offsets(%arg11 : memref<128xi32, #tpu.memory_space<vmem>>) semaphore(%run_scoped3A : memref<!tpu.dma_semaphore, #tpu.memory_space<semaphore_mem>>) {add = true}
        %dma_wait3A_208 = arith.constant 0 : i32
        %dma_wait3A_209 = arith.constant 0 : i32
        %dma_wait3A_210 = tpu.memref_slice %arg17[%dma_wait3A_208, %dma_wait3A_209] : memref<10240x128xf32, #tpu.memory_space<vmem_shared>> -> memref<10240x128xf32, #tpu.memory_space<vmem_shared>>
        tpu.wait_indirect_dma semaphore(%run_scoped3A : memref<!tpu.dma_semaphore, #tpu.memory_space<semaphore_mem>>) src(%arg15 : memref<128x128xf32, #tpu.memory_space<vmem>>) dst(%dma_wait3A_210 : memref<10240x128xf32, #tpu.memory_space<vmem_shared>>)
        tpu.yield
      }) : () -> ()
      %add3A_117 = arith.constant 512 : i32
      %add3A_118 = arith.addi %add3A_110, %add3A_117 : i32
      %add3A_119 = arith.addi %mul3A_4, %add3A_118 : i32
      %dma_start3A_120 = tpu.memref_slice %arg3[%add3A_119] : memref<327680xi32, #tpu.memory_space<hbm>> -> memref<128xi32, #tpu.memory_space<hbm>>
      %dma_start3A_121 = tpu.memref_slice %arg3[%add3A_119] : memref<327680xi32, #tpu.memory_space<hbm>> -> memref<128xi32, #tpu.memory_space<hbm>>
      tpu.enqueue_dma source(%dma_start3A_121 : memref<128xi32, #tpu.memory_space<hbm>>) target(%arg7 : memref<128xi32, #tpu.memory_space<vmem>>) target_semaphore(%arg18 : memref<!tpu.dma_semaphore, #tpu.memory_space<semaphore_mem>>)
      %add3A_122 = arith.addi %mul3A_4, %add3A_118 : i32
      %dma_start3A_123 = tpu.memref_slice %arg4[%add3A_122] : memref<327680xi32, #tpu.memory_space<hbm>> -> memref<128xi32, #tpu.memory_space<hbm>>
      %dma_start3A_124 = tpu.memref_slice %arg4[%add3A_122] : memref<327680xi32, #tpu.memory_space<hbm>> -> memref<128xi32, #tpu.memory_space<hbm>>
      tpu.enqueue_dma source(%dma_start3A_124 : memref<128xi32, #tpu.memory_space<hbm>>) target(%arg11 : memref<128xi32, #tpu.memory_space<vmem>>) target_semaphore(%arg22 : memref<!tpu.dma_semaphore, #tpu.memory_space<semaphore_mem>>)
      %add3A_125 = arith.addi %mul3A_4, %add3A_110 : i32
      %add3A_126 = arith.constant 256 : i32
      %add3A_127 = arith.addi %add3A_125, %add3A_126 : i32
      %dma_wait3A_128 = tpu.memref_slice %arg3[%add3A_127] : memref<327680xi32, #tpu.memory_space<hbm>> -> memref<128xi32, #tpu.memory_space<hbm>>
      %dma_wait3A_129 = tpu.memref_slice %arg3[%add3A_127] : memref<327680xi32, #tpu.memory_space<hbm>> -> memref<128xi32, #tpu.memory_space<hbm>>
      tpu.wait_dma2 semaphore(%arg20 : memref<!tpu.dma_semaphore, #tpu.memory_space<semaphore_mem>>) src(%dma_wait3A_129 : memref<128xi32, #tpu.memory_space<hbm>>) dst(%arg9 : memref<128xi32, #tpu.memory_space<vmem>>)
      %dma_start3A_130 = arith.constant 0 : i32
      %dma_start3A_131 = arith.constant 0 : i32
      %dma_start3A_132 = tpu.memref_slice %arg2[%dma_start3A_130, %dma_start3A_131] : memref<10240x128xf32, #tpu.memory_space<hbm>> -> memref<10240x128xf32, #tpu.memory_space<hbm>>
      tpu.enqueue_indirect_dma source(%dma_start3A_132 : memref<10240x128xf32, #tpu.memory_space<hbm>>) target(%arg15 : memref<128x128xf32, #tpu.memory_space<vmem>>) offsets(%arg9 : memref<128xi32, #tpu.memory_space<vmem>>) semaphore(%arg26 : memref<!tpu.dma_semaphore, #tpu.memory_space<semaphore_mem>>)
      %add3A_133 = arith.constant 128 : i32
      %add3A_134 = arith.addi %mul3A_108, %add3A_133 : i32
      %dma_wait3A_135 = arith.constant 0 : i32
      %dma_wait3A_136 = arith.constant 0 : i32
      %dma_wait3A_137 = tpu.memref_slice %arg2[%dma_wait3A_135, %dma_wait3A_136] : memref<10240x128xf32, #tpu.memory_space<hbm>> -> memref<10240x128xf32, #tpu.memory_space<hbm>>
      tpu.wait_indirect_dma semaphore(%arg27 : memref<!tpu.dma_semaphore, #tpu.memory_space<semaphore_mem>>) src(%dma_wait3A_137 : memref<10240x128xf32, #tpu.memory_space<hbm>>) dst(%arg16 : memref<128x128xf32, #tpu.memory_space<vmem>>)
      %add3A_138 = arith.addi %mul3A_4, %add3A_134 : i32
      %dma_wait3A_139 = tpu.memref_slice %arg4[%add3A_138] : memref<327680xi32, #tpu.memory_space<hbm>> -> memref<128xi32, #tpu.memory_space<hbm>>
      %dma_wait3A_140 = tpu.memref_slice %arg4[%add3A_138] : memref<327680xi32, #tpu.memory_space<hbm>> -> memref<128xi32, #tpu.memory_space<hbm>>
      tpu.wait_dma2 semaphore(%arg23 : memref<!tpu.dma_semaphore, #tpu.memory_space<semaphore_mem>>) src(%dma_wait3A_140 : memref<128xi32, #tpu.memory_space<hbm>>) dst(%arg12 : memref<128xi32, #tpu.memory_space<vmem>>)
      "tpu.region"() ({
        %run_scoped3A = tpu.sem_alloc : memref<!tpu.dma_semaphore, #tpu.memory_space<semaphore_mem>>
        %dma_start3A_205 = arith.constant 0 : i32
        %dma_start3A_206 = arith.constant 0 : i32
        %dma_start3A_207 = tpu.memref_slice %arg17[%dma_start3A_205, %dma_start3A_206] : memref<10240x128xf32, #tpu.memory_space<vmem_shared>> -> memref<10240x128xf32, #tpu.memory_space<vmem_shared>>
        tpu.enqueue_indirect_dma source(%arg16 : memref<128x128xf32, #tpu.memory_space<vmem>>) target(%dma_start3A_207 : memref<10240x128xf32, #tpu.memory_space<vmem_shared>>) offsets(%arg12 : memref<128xi32, #tpu.memory_space<vmem>>) semaphore(%run_scoped3A : memref<!tpu.dma_semaphore, #tpu.memory_space<semaphore_mem>>) {add = true}
        %dma_wait3A_208 = arith.constant 0 : i32
        %dma_wait3A_209 = arith.constant 0 : i32
        %dma_wait3A_210 = tpu.memref_slice %arg17[%dma_wait3A_208, %dma_wait3A_209] : memref<10240x128xf32, #tpu.memory_space<vmem_shared>> -> memref<10240x128xf32, #tpu.memory_space<vmem_shared>>
        tpu.wait_indirect_dma semaphore(%run_scoped3A : memref<!tpu.dma_semaphore, #tpu.memory_space<semaphore_mem>>) src(%arg16 : memref<128x128xf32, #tpu.memory_space<vmem>>) dst(%dma_wait3A_210 : memref<10240x128xf32, #tpu.memory_space<vmem_shared>>)
        tpu.yield
      }) : () -> ()
      %add3A_141 = arith.constant 512 : i32
      %add3A_142 = arith.addi %add3A_134, %add3A_141 : i32
      %add3A_143 = arith.addi %mul3A_4, %add3A_142 : i32
      %dma_start3A_144 = tpu.memref_slice %arg3[%add3A_143] : memref<327680xi32, #tpu.memory_space<hbm>> -> memref<128xi32, #tpu.memory_space<hbm>>
      %dma_start3A_145 = tpu.memref_slice %arg3[%add3A_143] : memref<327680xi32, #tpu.memory_space<hbm>> -> memref<128xi32, #tpu.memory_space<hbm>>
      tpu.enqueue_dma source(%dma_start3A_145 : memref<128xi32, #tpu.memory_space<hbm>>) target(%arg8 : memref<128xi32, #tpu.memory_space<vmem>>) target_semaphore(%arg19 : memref<!tpu.dma_semaphore, #tpu.memory_space<semaphore_mem>>)
      %add3A_146 = arith.addi %mul3A_4, %add3A_142 : i32
      %dma_start3A_147 = tpu.memref_slice %arg4[%add3A_146] : memref<327680xi32, #tpu.memory_space<hbm>> -> memref<128xi32, #tpu.memory_space<hbm>>
      %dma_start3A_148 = tpu.memref_slice %arg4[%add3A_146] : memref<327680xi32, #tpu.memory_space<hbm>> -> memref<128xi32, #tpu.memory_space<hbm>>
      tpu.enqueue_dma source(%dma_start3A_148 : memref<128xi32, #tpu.memory_space<hbm>>) target(%arg12 : memref<128xi32, #tpu.memory_space<vmem>>) target_semaphore(%arg23 : memref<!tpu.dma_semaphore, #tpu.memory_space<semaphore_mem>>)
      %add3A_149 = arith.addi %mul3A_4, %add3A_134 : i32
      %add3A_150 = arith.constant 256 : i32
      %add3A_151 = arith.addi %add3A_149, %add3A_150 : i32
      %dma_wait3A_152 = tpu.memref_slice %arg3[%add3A_151] : memref<327680xi32, #tpu.memory_space<hbm>> -> memref<128xi32, #tpu.memory_space<hbm>>
      %dma_wait3A_153 = tpu.memref_slice %arg3[%add3A_151] : memref<327680xi32, #tpu.memory_space<hbm>> -> memref<128xi32, #tpu.memory_space<hbm>>
      tpu.wait_dma2 semaphore(%arg21 : memref<!tpu.dma_semaphore, #tpu.memory_space<semaphore_mem>>) src(%dma_wait3A_153 : memref<128xi32, #tpu.memory_space<hbm>>) dst(%arg10 : memref<128xi32, #tpu.memory_space<vmem>>)
      %dma_start3A_154 = arith.constant 0 : i32
      %dma_start3A_155 = arith.constant 0 : i32
      %dma_start3A_156 = tpu.memref_slice %arg2[%dma_start3A_154, %dma_start3A_155] : memref<10240x128xf32, #tpu.memory_space<hbm>> -> memref<10240x128xf32, #tpu.memory_space<hbm>>
      tpu.enqueue_indirect_dma source(%dma_start3A_156 : memref<10240x128xf32, #tpu.memory_space<hbm>>) target(%arg16 : memref<128x128xf32, #tpu.memory_space<vmem>>) offsets(%arg10 : memref<128xi32, #tpu.memory_space<vmem>>) semaphore(%arg27 : memref<!tpu.dma_semaphore, #tpu.memory_space<semaphore_mem>>)
      %add3A_157 = arith.constant 256 : i32
      %add3A_158 = arith.addi %mul3A_108, %add3A_157 : i32
      %dma_wait3A_159 = arith.constant 0 : i32
      %dma_wait3A_160 = arith.constant 0 : i32
      %dma_wait3A_161 = tpu.memref_slice %arg2[%dma_wait3A_159, %dma_wait3A_160] : memref<10240x128xf32, #tpu.memory_space<hbm>> -> memref<10240x128xf32, #tpu.memory_space<hbm>>
      tpu.wait_indirect_dma semaphore(%arg26 : memref<!tpu.dma_semaphore, #tpu.memory_space<semaphore_mem>>) src(%dma_wait3A_161 : memref<10240x128xf32, #tpu.memory_space<hbm>>) dst(%arg15 : memref<128x128xf32, #tpu.memory_space<vmem>>)
      %add3A_162 = arith.addi %mul3A_4, %add3A_158 : i32
      %dma_wait3A_163 = tpu.memref_slice %arg4[%add3A_162] : memref<327680xi32, #tpu.memory_space<hbm>> -> memref<128xi32, #tpu.memory_space<hbm>>
      %dma_wait3A_164 = tpu.memref_slice %arg4[%add3A_162] : memref<327680xi32, #tpu.memory_space<hbm>> -> memref<128xi32, #tpu.memory_space<hbm>>
      tpu.wait_dma2 semaphore(%arg24 : memref<!tpu.dma_semaphore, #tpu.memory_space<semaphore_mem>>) src(%dma_wait3A_164 : memref<128xi32, #tpu.memory_space<hbm>>) dst(%arg13 : memref<128xi32, #tpu.memory_space<vmem>>)
      "tpu.region"() ({
        %run_scoped3A = tpu.sem_alloc : memref<!tpu.dma_semaphore, #tpu.memory_space<semaphore_mem>>
        %dma_start3A_205 = arith.constant 0 : i32
        %dma_start3A_206 = arith.constant 0 : i32
        %dma_start3A_207 = tpu.memref_slice %arg17[%dma_start3A_205, %dma_start3A_206] : memref<10240x128xf32, #tpu.memory_space<vmem_shared>> -> memref<10240x128xf32, #tpu.memory_space<vmem_shared>>
        tpu.enqueue_indirect_dma source(%arg15 : memref<128x128xf32, #tpu.memory_space<vmem>>) target(%dma_start3A_207 : memref<10240x128xf32, #tpu.memory_space<vmem_shared>>) offsets(%arg13 : memref<128xi32, #tpu.memory_space<vmem>>) semaphore(%run_scoped3A : memref<!tpu.dma_semaphore, #tpu.memory_space<semaphore_mem>>) {add = true}
        %dma_wait3A_208 = arith.constant 0 : i32
        %dma_wait3A_209 = arith.constant 0 : i32
        %dma_wait3A_210 = tpu.memref_slice %arg17[%dma_wait3A_208, %dma_wait3A_209] : memref<10240x128xf32, #tpu.memory_space<vmem_shared>> -> memref<10240x128xf32, #tpu.memory_space<vmem_shared>>
        tpu.wait_indirect_dma semaphore(%run_scoped3A : memref<!tpu.dma_semaphore, #tpu.memory_space<semaphore_mem>>) src(%arg15 : memref<128x128xf32, #tpu.memory_space<vmem>>) dst(%dma_wait3A_210 : memref<10240x128xf32, #tpu.memory_space<vmem_shared>>)
        tpu.yield
      }) : () -> ()
      %add3A_165 = arith.constant 512 : i32
      %add3A_166 = arith.addi %add3A_158, %add3A_165 : i32
      %add3A_167 = arith.addi %mul3A_4, %add3A_166 : i32
      %dma_start3A_168 = tpu.memref_slice %arg3[%add3A_167] : memref<327680xi32, #tpu.memory_space<hbm>> -> memref<128xi32, #tpu.memory_space<hbm>>
      %dma_start3A_169 = tpu.memref_slice %arg3[%add3A_167] : memref<327680xi32, #tpu.memory_space<hbm>> -> memref<128xi32, #tpu.memory_space<hbm>>
      tpu.enqueue_dma source(%dma_start3A_169 : memref<128xi32, #tpu.memory_space<hbm>>) target(%arg9 : memref<128xi32, #tpu.memory_space<vmem>>) target_semaphore(%arg20 : memref<!tpu.dma_semaphore, #tpu.memory_space<semaphore_mem>>)
      %add3A_170 = arith.addi %mul3A_4, %add3A_166 : i32
      %dma_start3A_171 = tpu.memref_slice %arg4[%add3A_170] : memref<327680xi32, #tpu.memory_space<hbm>> -> memref<128xi32, #tpu.memory_space<hbm>>
      %dma_start3A_172 = tpu.memref_slice %arg4[%add3A_170] : memref<327680xi32, #tpu.memory_space<hbm>> -> memref<128xi32, #tpu.memory_space<hbm>>
      tpu.enqueue_dma source(%dma_start3A_172 : memref<128xi32, #tpu.memory_space<hbm>>) target(%arg13 : memref<128xi32, #tpu.memory_space<vmem>>) target_semaphore(%arg24 : memref<!tpu.dma_semaphore, #tpu.memory_space<semaphore_mem>>)
      %add3A_173 = arith.addi %mul3A_4, %add3A_158 : i32
      %add3A_174 = arith.constant 256 : i32
      %add3A_175 = arith.addi %add3A_173, %add3A_174 : i32
      %dma_wait3A_176 = tpu.memref_slice %arg3[%add3A_175] : memref<327680xi32, #tpu.memory_space<hbm>> -> memref<128xi32, #tpu.memory_space<hbm>>
      %dma_wait3A_177 = tpu.memref_slice %arg3[%add3A_175] : memref<327680xi32, #tpu.memory_space<hbm>> -> memref<128xi32, #tpu.memory_space<hbm>>
      tpu.wait_dma2 semaphore(%arg18 : memref<!tpu.dma_semaphore, #tpu.memory_space<semaphore_mem>>) src(%dma_wait3A_177 : memref<128xi32, #tpu.memory_space<hbm>>) dst(%arg7 : memref<128xi32, #tpu.memory_space<vmem>>)
      %dma_start3A_178 = arith.constant 0 : i32
      %dma_start3A_179 = arith.constant 0 : i32
      %dma_start3A_180 = tpu.memref_slice %arg2[%dma_start3A_178, %dma_start3A_179] : memref<10240x128xf32, #tpu.memory_space<hbm>> -> memref<10240x128xf32, #tpu.memory_space<hbm>>
      tpu.enqueue_indirect_dma source(%dma_start3A_180 : memref<10240x128xf32, #tpu.memory_space<hbm>>) target(%arg15 : memref<128x128xf32, #tpu.memory_space<vmem>>) offsets(%arg7 : memref<128xi32, #tpu.memory_space<vmem>>) semaphore(%arg26 : memref<!tpu.dma_semaphore, #tpu.memory_space<semaphore_mem>>)
      %add3A_181 = arith.constant 384 : i32
      %add3A_182 = arith.addi %mul3A_108, %add3A_181 : i32
      %dma_wait3A_183 = arith.constant 0 : i32
      %dma_wait3A_184 = arith.constant 0 : i32
      %dma_wait3A_185 = tpu.memref_slice %arg2[%dma_wait3A_183, %dma_wait3A_184] : memref<10240x128xf32, #tpu.memory_space<hbm>> -> memref<10240x128xf32, #tpu.memory_space<hbm>>
      tpu.wait_indirect_dma semaphore(%arg27 : memref<!tpu.dma_semaphore, #tpu.memory_space<semaphore_mem>>) src(%dma_wait3A_185 : memref<10240x128xf32, #tpu.memory_space<hbm>>) dst(%arg16 : memref<128x128xf32, #tpu.memory_space<vmem>>)
      %add3A_186 = arith.addi %mul3A_4, %add3A_182 : i32
      %dma_wait3A_187 = tpu.memref_slice %arg4[%add3A_186] : memref<327680xi32, #tpu.memory_space<hbm>> -> memref<128xi32, #tpu.memory_space<hbm>>
      %dma_wait3A_188 = tpu.memref_slice %arg4[%add3A_186] : memref<327680xi32, #tpu.memory_space<hbm>> -> memref<128xi32, #tpu.memory_space<hbm>>
      tpu.wait_dma2 semaphore(%arg25 : memref<!tpu.dma_semaphore, #tpu.memory_space<semaphore_mem>>) src(%dma_wait3A_188 : memref<128xi32, #tpu.memory_space<hbm>>) dst(%arg14 : memref<128xi32, #tpu.memory_space<vmem>>)
      "tpu.region"() ({
        %run_scoped3A = tpu.sem_alloc : memref<!tpu.dma_semaphore, #tpu.memory_space<semaphore_mem>>
        %dma_start3A_205 = arith.constant 0 : i32
        %dma_start3A_206 = arith.constant 0 : i32
        %dma_start3A_207 = tpu.memref_slice %arg17[%dma_start3A_205, %dma_start3A_206] : memref<10240x128xf32, #tpu.memory_space<vmem_shared>> -> memref<10240x128xf32, #tpu.memory_space<vmem_shared>>
        tpu.enqueue_indirect_dma source(%arg16 : memref<128x128xf32, #tpu.memory_space<vmem>>) target(%dma_start3A_207 : memref<10240x128xf32, #tpu.memory_space<vmem_shared>>) offsets(%arg14 : memref<128xi32, #tpu.memory_space<vmem>>) semaphore(%run_scoped3A : memref<!tpu.dma_semaphore, #tpu.memory_space<semaphore_mem>>) {add = true}
        %dma_wait3A_208 = arith.constant 0 : i32
        %dma_wait3A_209 = arith.constant 0 : i32
        %dma_wait3A_210 = tpu.memref_slice %arg17[%dma_wait3A_208, %dma_wait3A_209] : memref<10240x128xf32, #tpu.memory_space<vmem_shared>> -> memref<10240x128xf32, #tpu.memory_space<vmem_shared>>
        tpu.wait_indirect_dma semaphore(%run_scoped3A : memref<!tpu.dma_semaphore, #tpu.memory_space<semaphore_mem>>) src(%arg16 : memref<128x128xf32, #tpu.memory_space<vmem>>) dst(%dma_wait3A_210 : memref<10240x128xf32, #tpu.memory_space<vmem_shared>>)
        tpu.yield
      }) : () -> ()
      %add3A_189 = arith.constant 512 : i32
      %add3A_190 = arith.addi %add3A_182, %add3A_189 : i32
      %add3A_191 = arith.addi %mul3A_4, %add3A_190 : i32
      %dma_start3A_192 = tpu.memref_slice %arg3[%add3A_191] : memref<327680xi32, #tpu.memory_space<hbm>> -> memref<128xi32, #tpu.memory_space<hbm>>
      %dma_start3A_193 = tpu.memref_slice %arg3[%add3A_191] : memref<327680xi32, #tpu.memory_space<hbm>> -> memref<128xi32, #tpu.memory_space<hbm>>
      tpu.enqueue_dma source(%dma_start3A_193 : memref<128xi32, #tpu.memory_space<hbm>>) target(%arg10 : memref<128xi32, #tpu.memory_space<vmem>>) target_semaphore(%arg21 : memref<!tpu.dma_semaphore, #tpu.memory_space<semaphore_mem>>)
      %add3A_194 = arith.addi %mul3A_4, %add3A_190 : i32
      %dma_start3A_195 = tpu.memref_slice %arg4[%add3A_194] : memref<327680xi32, #tpu.memory_space<hbm>> -> memref<128xi32, #tpu.memory_space<hbm>>
      %dma_start3A_196 = tpu.memref_slice %arg4[%add3A_194] : memref<327680xi32, #tpu.memory_space<hbm>> -> memref<128xi32, #tpu.memory_space<hbm>>
      tpu.enqueue_dma source(%dma_start3A_196 : memref<128xi32, #tpu.memory_space<hbm>>) target(%arg14 : memref<128xi32, #tpu.memory_space<vmem>>) target_semaphore(%arg25 : memref<!tpu.dma_semaphore, #tpu.memory_space<semaphore_mem>>)
      %add3A_197 = arith.addi %mul3A_4, %add3A_182 : i32
      %add3A_198 = arith.constant 256 : i32
      %add3A_199 = arith.addi %add3A_197, %add3A_198 : i32
      %dma_wait3A_200 = tpu.memref_slice %arg3[%add3A_199] : memref<327680xi32, #tpu.memory_space<hbm>> -> memref<128xi32, #tpu.memory_space<hbm>>
      %dma_wait3A_201 = tpu.memref_slice %arg3[%add3A_199] : memref<327680xi32, #tpu.memory_space<hbm>> -> memref<128xi32, #tpu.memory_space<hbm>>
      tpu.wait_dma2 semaphore(%arg19 : memref<!tpu.dma_semaphore, #tpu.memory_space<semaphore_mem>>) src(%dma_wait3A_201 : memref<128xi32, #tpu.memory_space<hbm>>) dst(%arg8 : memref<128xi32, #tpu.memory_space<vmem>>)
      %dma_start3A_202 = arith.constant 0 : i32
      %dma_start3A_203 = arith.constant 0 : i32
      %dma_start3A_204 = tpu.memref_slice %arg2[%dma_start3A_202, %dma_start3A_203] : memref<10240x128xf32, #tpu.memory_space<hbm>> -> memref<10240x128xf32, #tpu.memory_space<hbm>>
      tpu.enqueue_indirect_dma source(%dma_start3A_204 : memref<10240x128xf32, #tpu.memory_space<hbm>>) target(%arg16 : memref<128x128xf32, #tpu.memory_space<vmem>>) offsets(%arg8 : memref<128xi32, #tpu.memory_space<vmem>>) semaphore(%arg27 : memref<!tpu.dma_semaphore, #tpu.memory_space<semaphore_mem>>)
    }
    %scan3A_55 = arith.constant 19 : i32
    %dma_wait3A_56 = arith.constant 0 : i32
    %dma_wait3A_57 = arith.constant 0 : i32
    %dma_wait3A_58 = tpu.memref_slice %arg2[%dma_wait3A_56, %dma_wait3A_57] : memref<10240x128xf32, #tpu.memory_space<hbm>> -> memref<10240x128xf32, #tpu.memory_space<hbm>>
    tpu.wait_indirect_dma semaphore(%arg26 : memref<!tpu.dma_semaphore, #tpu.memory_space<semaphore_mem>>) src(%dma_wait3A_58 : memref<10240x128xf32, #tpu.memory_space<hbm>>) dst(%arg15 : memref<128x128xf32, #tpu.memory_space<vmem>>)
    %dma_wait3A_59 = arith.constant 9728 : i32
    %dma_wait3A_60 = tpu.memref_slice %arg4[%dma_wait3A_59] : memref<327680xi32, #tpu.memory_space<hbm>> -> memref<128xi32, #tpu.memory_space<hbm>>
    %dma_wait3A_61 = arith.constant 9728 : i32
    %dma_wait3A_62 = tpu.memref_slice %arg4[%dma_wait3A_61] : memref<327680xi32, #tpu.memory_space<hbm>> -> memref<128xi32, #tpu.memory_space<hbm>>
    tpu.wait_dma2 semaphore(%arg22 : memref<!tpu.dma_semaphore, #tpu.memory_space<semaphore_mem>>) src(%dma_wait3A_62 : memref<128xi32, #tpu.memory_space<hbm>>) dst(%arg11 : memref<128xi32, #tpu.memory_space<vmem>>)
    "tpu.region"() ({
      %run_scoped3A = tpu.sem_alloc : memref<!tpu.dma_semaphore, #tpu.memory_space<semaphore_mem>>
      %dma_start3A_106 = arith.constant 0 : i32
      %dma_start3A_107 = arith.constant 0 : i32
      %dma_start3A_108 = tpu.memref_slice %arg17[%dma_start3A_106, %dma_start3A_107] : memref<10240x128xf32, #tpu.memory_space<vmem_shared>> -> memref<10240x128xf32, #tpu.memory_space<vmem_shared>>
      tpu.enqueue_indirect_dma source(%arg15 : memref<128x128xf32, #tpu.memory_space<vmem>>) target(%dma_start3A_108 : memref<10240x128xf32, #tpu.memory_space<vmem_shared>>) offsets(%arg11 : memref<128xi32, #tpu.memory_space<vmem>>) semaphore(%run_scoped3A : memref<!tpu.dma_semaphore, #tpu.memory_space<semaphore_mem>>) {add = true}
      %dma_wait3A_109 = arith.constant 0 : i32
      %dma_wait3A_110 = arith.constant 0 : i32
      %dma_wait3A_111 = tpu.memref_slice %arg17[%dma_wait3A_109, %dma_wait3A_110] : memref<10240x128xf32, #tpu.memory_space<vmem_shared>> -> memref<10240x128xf32, #tpu.memory_space<vmem_shared>>
      tpu.wait_indirect_dma semaphore(%run_scoped3A : memref<!tpu.dma_semaphore, #tpu.memory_space<semaphore_mem>>) src(%arg15 : memref<128x128xf32, #tpu.memory_space<vmem>>) dst(%dma_wait3A_111 : memref<10240x128xf32, #tpu.memory_space<vmem_shared>>)
      tpu.yield
    }) : () -> ()
    %dma_wait3A_63 = arith.constant 9984 : i32
    %dma_wait3A_64 = tpu.memref_slice %arg3[%dma_wait3A_63] : memref<327680xi32, #tpu.memory_space<hbm>> -> memref<128xi32, #tpu.memory_space<hbm>>
    %dma_wait3A_65 = arith.constant 9984 : i32
    %dma_wait3A_66 = tpu.memref_slice %arg3[%dma_wait3A_65] : memref<327680xi32, #tpu.memory_space<hbm>> -> memref<128xi32, #tpu.memory_space<hbm>>
    tpu.wait_dma2 semaphore(%arg20 : memref<!tpu.dma_semaphore, #tpu.memory_space<semaphore_mem>>) src(%dma_wait3A_66 : memref<128xi32, #tpu.memory_space<hbm>>) dst(%arg9 : memref<128xi32, #tpu.memory_space<vmem>>)
    %dma_start3A_67 = arith.constant 0 : i32
    %dma_start3A_68 = arith.constant 0 : i32
    %dma_start3A_69 = tpu.memref_slice %arg2[%dma_start3A_67, %dma_start3A_68] : memref<10240x128xf32, #tpu.memory_space<hbm>> -> memref<10240x128xf32, #tpu.memory_space<hbm>>
    tpu.enqueue_indirect_dma source(%dma_start3A_69 : memref<10240x128xf32, #tpu.memory_space<hbm>>) target(%arg15 : memref<128x128xf32, #tpu.memory_space<vmem>>) offsets(%arg9 : memref<128xi32, #tpu.memory_space<vmem>>) semaphore(%arg26 : memref<!tpu.dma_semaphore, #tpu.memory_space<semaphore_mem>>)
    %dma_wait3A_70 = arith.constant 0 : i32
    %dma_wait3A_71 = arith.constant 0 : i32
    %dma_wait3A_72 = tpu.memref_slice %arg2[%dma_wait3A_70, %dma_wait3A_71] : memref<10240x128xf32, #tpu.memory_space<hbm>> -> memref<10240x128xf32, #tpu.memory_space<hbm>>
    tpu.wait_indirect_dma semaphore(%arg27 : memref<!tpu.dma_semaphore, #tpu.memory_space<semaphore_mem>>) src(%dma_wait3A_72 : memref<10240x128xf32, #tpu.memory_space<hbm>>) dst(%arg16 : memref<128x128xf32, #tpu.memory_space<vmem>>)
    %dma_wait3A_73 = arith.constant 9856 : i32
    %dma_wait3A_74 = tpu.memref_slice %arg4[%dma_wait3A_73] : memref<327680xi32, #tpu.memory_space<hbm>> -> memref<128xi32, #tpu.memory_space<hbm>>
    %dma_wait3A_75 = arith.constant 9856 : i32
    %dma_wait3A_76 = tpu.memref_slice %arg4[%dma_wait3A_75] : memref<327680xi32, #tpu.memory_space<hbm>> -> memref<128xi32, #tpu.memory_space<hbm>>
    tpu.wait_dma2 semaphore(%arg23 : memref<!tpu.dma_semaphore, #tpu.memory_space<semaphore_mem>>) src(%dma_wait3A_76 : memref<128xi32, #tpu.memory_space<hbm>>) dst(%arg12 : memref<128xi32, #tpu.memory_space<vmem>>)
    "tpu.region"() ({
      %run_scoped3A = tpu.sem_alloc : memref<!tpu.dma_semaphore, #tpu.memory_space<semaphore_mem>>
      %dma_start3A_106 = arith.constant 0 : i32
      %dma_start3A_107 = arith.constant 0 : i32
      %dma_start3A_108 = tpu.memref_slice %arg17[%dma_start3A_106, %dma_start3A_107] : memref<10240x128xf32, #tpu.memory_space<vmem_shared>> -> memref<10240x128xf32, #tpu.memory_space<vmem_shared>>
      tpu.enqueue_indirect_dma source(%arg16 : memref<128x128xf32, #tpu.memory_space<vmem>>) target(%dma_start3A_108 : memref<10240x128xf32, #tpu.memory_space<vmem_shared>>) offsets(%arg12 : memref<128xi32, #tpu.memory_space<vmem>>) semaphore(%run_scoped3A : memref<!tpu.dma_semaphore, #tpu.memory_space<semaphore_mem>>) {add = true}
      %dma_wait3A_109 = arith.constant 0 : i32
      %dma_wait3A_110 = arith.constant 0 : i32
      %dma_wait3A_111 = tpu.memref_slice %arg17[%dma_wait3A_109, %dma_wait3A_110] : memref<10240x128xf32, #tpu.memory_space<vmem_shared>> -> memref<10240x128xf32, #tpu.memory_space<vmem_shared>>
      tpu.wait_indirect_dma semaphore(%run_scoped3A : memref<!tpu.dma_semaphore, #tpu.memory_space<semaphore_mem>>) src(%arg16 : memref<128x128xf32, #tpu.memory_space<vmem>>) dst(%dma_wait3A_111 : memref<10240x128xf32, #tpu.memory_space<vmem_shared>>)
      tpu.yield
    }) : () -> ()
    %dma_wait3A_77 = arith.constant 10112 : i32
    %dma_wait3A_78 = tpu.memref_slice %arg3[%dma_wait3A_77] : memref<327680xi32, #tpu.memory_space<hbm>> -> memref<128xi32, #tpu.memory_space<hbm>>
    %dma_wait3A_79 = arith.constant 10112 : i32
    %dma_wait3A_80 = tpu.memref_slice %arg3[%dma_wait3A_79] : memref<327680xi32, #tpu.memory_space<hbm>> -> memref<128xi32, #tpu.memory_space<hbm>>
    tpu.wait_dma2 semaphore(%arg21 : memref<!tpu.dma_semaphore, #tpu.memory_space<semaphore_mem>>) src(%dma_wait3A_80 : memref<128xi32, #tpu.memory_space<hbm>>) dst(%arg10 : memref<128xi32, #tpu.memory_space<vmem>>)
    %dma_start3A_81 = arith.constant 0 : i32
    %dma_start3A_82 = arith.constant 0 : i32
    %dma_start3A_83 = tpu.memref_slice %arg2[%dma_start3A_81, %dma_start3A_82] : memref<10240x128xf32, #tpu.memory_space<hbm>> -> memref<10240x128xf32, #tpu.memory_space<hbm>>
    tpu.enqueue_indirect_dma source(%dma_start3A_83 : memref<10240x128xf32, #tpu.memory_space<hbm>>) target(%arg16 : memref<128x128xf32, #tpu.memory_space<vmem>>) offsets(%arg10 : memref<128xi32, #tpu.memory_space<vmem>>) semaphore(%arg27 : memref<!tpu.dma_semaphore, #tpu.memory_space<semaphore_mem>>)
    %dma_wait3A_84 = arith.constant 0 : i32
    %dma_wait3A_85 = arith.constant 0 : i32
    %dma_wait3A_86 = tpu.memref_slice %arg2[%dma_wait3A_84, %dma_wait3A_85] : memref<10240x128xf32, #tpu.memory_space<hbm>> -> memref<10240x128xf32, #tpu.memory_space<hbm>>
    tpu.wait_indirect_dma semaphore(%arg26 : memref<!tpu.dma_semaphore, #tpu.memory_space<semaphore_mem>>) src(%dma_wait3A_86 : memref<10240x128xf32, #tpu.memory_space<hbm>>) dst(%arg15 : memref<128x128xf32, #tpu.memory_space<vmem>>)
    %dma_wait3A_87 = arith.constant 9984 : i32
    %dma_wait3A_88 = tpu.memref_slice %arg4[%dma_wait3A_87] : memref<327680xi32, #tpu.memory_space<hbm>> -> memref<128xi32, #tpu.memory_space<hbm>>
    %dma_wait3A_89 = arith.constant 9984 : i32
    %dma_wait3A_90 = tpu.memref_slice %arg4[%dma_wait3A_89] : memref<327680xi32, #tpu.memory_space<hbm>> -> memref<128xi32, #tpu.memory_space<hbm>>
    tpu.wait_dma2 semaphore(%arg24 : memref<!tpu.dma_semaphore, #tpu.memory_space<semaphore_mem>>) src(%dma_wait3A_90 : memref<128xi32, #tpu.memory_space<hbm>>) dst(%arg13 : memref<128xi32, #tpu.memory_space<vmem>>)
    "tpu.region"() ({
      %run_scoped3A = tpu.sem_alloc : memref<!tpu.dma_semaphore, #tpu.memory_space<semaphore_mem>>
      %dma_start3A_106 = arith.constant 0 : i32
      %dma_start3A_107 = arith.constant 0 : i32
      %dma_start3A_108 = tpu.memref_slice %arg17[%dma_start3A_106, %dma_start3A_107] : memref<10240x128xf32, #tpu.memory_space<vmem_shared>> -> memref<10240x128xf32, #tpu.memory_space<vmem_shared>>
      tpu.enqueue_indirect_dma source(%arg15 : memref<128x128xf32, #tpu.memory_space<vmem>>) target(%dma_start3A_108 : memref<10240x128xf32, #tpu.memory_space<vmem_shared>>) offsets(%arg13 : memref<128xi32, #tpu.memory_space<vmem>>) semaphore(%run_scoped3A : memref<!tpu.dma_semaphore, #tpu.memory_space<semaphore_mem>>) {add = true}
      %dma_wait3A_109 = arith.constant 0 : i32
      %dma_wait3A_110 = arith.constant 0 : i32
      %dma_wait3A_111 = tpu.memref_slice %arg17[%dma_wait3A_109, %dma_wait3A_110] : memref<10240x128xf32, #tpu.memory_space<vmem_shared>> -> memref<10240x128xf32, #tpu.memory_space<vmem_shared>>
      tpu.wait_indirect_dma semaphore(%run_scoped3A : memref<!tpu.dma_semaphore, #tpu.memory_space<semaphore_mem>>) src(%arg15 : memref<128x128xf32, #tpu.memory_space<vmem>>) dst(%dma_wait3A_111 : memref<10240x128xf32, #tpu.memory_space<vmem_shared>>)
      tpu.yield
    }) : () -> ()
    %dma_wait3A_91 = arith.constant 0 : i32
    %dma_wait3A_92 = arith.constant 0 : i32
    %dma_wait3A_93 = tpu.memref_slice %arg2[%dma_wait3A_91, %dma_wait3A_92] : memref<10240x128xf32, #tpu.memory_space<hbm>> -> memref<10240x128xf32, #tpu.memory_space<hbm>>
    tpu.wait_indirect_dma semaphore(%arg27 : memref<!tpu.dma_semaphore, #tpu.memory_space<semaphore_mem>>) src(%dma_wait3A_93 : memref<10240x128xf32, #tpu.memory_space<hbm>>) dst(%arg16 : memref<128x128xf32, #tpu.memory_space<vmem>>)
    %dma_wait3A_94 = arith.constant 10112 : i32
    %dma_wait3A_95 = tpu.memref_slice %arg4[%dma_wait3A_94] : memref<327680xi32, #tpu.memory_space<hbm>> -> memref<128xi32, #tpu.memory_space<hbm>>
    %dma_wait3A_96 = arith.constant 10112 : i32
    %dma_wait3A_97 = tpu.memref_slice %arg4[%dma_wait3A_96] : memref<327680xi32, #tpu.memory_space<hbm>> -> memref<128xi32, #tpu.memory_space<hbm>>
    tpu.wait_dma2 semaphore(%arg25 : memref<!tpu.dma_semaphore, #tpu.memory_space<semaphore_mem>>) src(%dma_wait3A_97 : memref<128xi32, #tpu.memory_space<hbm>>) dst(%arg14 : memref<128xi32, #tpu.memory_space<vmem>>)
    "tpu.region"() ({
      %run_scoped3A = tpu.sem_alloc : memref<!tpu.dma_semaphore, #tpu.memory_space<semaphore_mem>>
      %dma_start3A_106 = arith.constant 0 : i32
      %dma_start3A_107 = arith.constant 0 : i32
      %dma_start3A_108 = tpu.memref_slice %arg17[%dma_start3A_106, %dma_start3A_107] : memref<10240x128xf32, #tpu.memory_space<vmem_shared>> -> memref<10240x128xf32, #tpu.memory_space<vmem_shared>>
      tpu.enqueue_indirect_dma source(%arg16 : memref<128x128xf32, #tpu.memory_space<vmem>>) target(%dma_start3A_108 : memref<10240x128xf32, #tpu.memory_space<vmem_shared>>) offsets(%arg14 : memref<128xi32, #tpu.memory_space<vmem>>) semaphore(%run_scoped3A : memref<!tpu.dma_semaphore, #tpu.memory_space<semaphore_mem>>) {add = true}
      %dma_wait3A_109 = arith.constant 0 : i32
      %dma_wait3A_110 = arith.constant 0 : i32
      %dma_wait3A_111 = tpu.memref_slice %arg17[%dma_wait3A_109, %dma_wait3A_110] : memref<10240x128xf32, #tpu.memory_space<vmem_shared>> -> memref<10240x128xf32, #tpu.memory_space<vmem_shared>>
      tpu.wait_indirect_dma semaphore(%run_scoped3A : memref<!tpu.dma_semaphore, #tpu.memory_space<semaphore_mem>>) src(%arg16 : memref<128x128xf32, #tpu.memory_space<vmem>>) dst(%dma_wait3A_111 : memref<10240x128xf32, #tpu.memory_space<vmem_shared>>)
      tpu.yield
    }) : () -> ()
    %barrier3A_98 = arith.constant 0 : index
    tpu.barrier barrier_id(%barrier3A_98)
    %mul3A_99 = arith.constant 640 : i32
    %mul3A_100 = arith.muli %arg1, %mul3A_99 : i32
    %mul3A_101 = arith.constant 10240 : i32
    %mul3A_102 = arith.muli %arg0, %mul3A_101 : i32
    %mul3A_103 = arith.constant 640 : i32
    %mul3A_104 = arith.muli %arg1, %mul3A_103 : i32
    %add3A_105 = arith.addi %mul3A_102, %mul3A_104 : i32
    "tpu.region"() ({
      %run_scoped3A = tpu.sem_alloc : memref<!tpu.dma_semaphore, #tpu.memory_space<semaphore_mem>>
      %dma_start3A_106 = arith.constant 0 : i32
      %dma_start3A_107 = tpu.memref_slice %arg6[%add3A_105, %dma_start3A_106] : memref<20480x128xf32, #tpu.memory_space<hbm>> -> memref<640x128xf32, #tpu.memory_space<hbm>>
      %dma_start3A_108 = arith.constant 0 : i32
      %dma_start3A_109 = tpu.memref_slice %arg17[%mul3A_100, %dma_start3A_108] : memref<10240x128xf32, #tpu.memory_space<vmem_shared>> -> memref<640x128xf32, #tpu.memory_space<vmem_shared>>
      tpu.enqueue_dma source(%dma_start3A_109 : memref<640x128xf32, #tpu.memory_space<vmem_shared>>) target(%dma_start3A_107 : memref<640x128xf32, #tpu.memory_space<hbm>>) target_semaphore(%run_scoped3A : memref<!tpu.dma_semaphore, #tpu.memory_space<semaphore_mem>>)
      %dma_wait3A_110 = arith.constant 0 : i32
      %dma_wait3A_111 = tpu.memref_slice %arg6[%add3A_105, %dma_wait3A_110] : memref<20480x128xf32, #tpu.memory_space<hbm>> -> memref<640x128xf32, #tpu.memory_space<hbm>>
      %dma_wait3A_112 = arith.constant 0 : i32
      %dma_wait3A_113 = tpu.memref_slice %arg17[%mul3A_100, %dma_wait3A_112] : memref<10240x128xf32, #tpu.memory_space<vmem_shared>> -> memref<640x128xf32, #tpu.memory_space<vmem_shared>>
      tpu.wait_dma2 semaphore(%run_scoped3A : memref<!tpu.dma_semaphore, #tpu.memory_space<semaphore_mem>>) src(%dma_wait3A_113 : memref<640x128xf32, #tpu.memory_space<vmem_shared>>) dst(%dma_wait3A_111 : memref<640x128xf32, #tpu.memory_space<hbm>>)
      tpu.yield
    }) : () -> ()
    return
  }
}

#map = affine_map<(d0, d1) -> (0, 0)>
#map1 = affine_map<(d0, d1) -> (0)>
module attributes {stable_mosaic.version = 14 : i64} {
  func.func @_sc_gcn(%arg0: i32, %arg1: i32, %arg2: memref<10240x128xf32, #tpu.memory_space<hbm>>, %arg3: memref<327680xi32, #tpu.memory_space<hbm>>, %arg4: memref<327680xi32, #tpu.memory_space<hbm>>, %arg5: memref<640x128xf32, #tpu.memory_space<hbm>>, %arg6: memref<20480x128xf32, #tpu.memory_space<hbm>>, %arg7: memref<128xi32, #tpu.memory_space<vmem>>, %arg8: memref<128xi32, #tpu.memory_space<vmem>>, %arg9: memref<128xi32, #tpu.memory_space<vmem>>, %arg10: memref<128xi32, #tpu.memory_space<vmem>>, %arg11: memref<128xi32, #tpu.memory_space<vmem>>, %arg12: memref<128xi32, #tpu.memory_space<vmem>>, %arg13: memref<128xi32, #tpu.memory_space<vmem>>, %arg14: memref<128xi32, #tpu.memory_space<vmem>>, %arg15: memref<128x128xf32, #tpu.memory_space<vmem>>, %arg16: memref<128x128xf32, #tpu.memory_space<vmem>>, %arg17: memref<10240x128xf32, #tpu.memory_space<vmem_shared>>, %arg18: memref<!tpu.dma_semaphore, #tpu.memory_space<semaphore_mem>>, %arg19: memref<!tpu.dma_semaphore, #tpu.memory_space<semaphore_mem>>, %arg20: memref<!tpu.dma_semaphore, #tpu.memory_space<semaphore_mem>>, %arg21: memref<!tpu.dma_semaphore, #tpu.memory_space<semaphore_mem>>, %arg22: memref<!tpu.dma_semaphore, #tpu.memory_space<semaphore_mem>>, %arg23: memref<!tpu.dma_semaphore, #tpu.memory_space<semaphore_mem>>, %arg24: memref<!tpu.dma_semaphore, #tpu.memory_space<semaphore_mem>>, %arg25: memref<!tpu.dma_semaphore, #tpu.memory_space<semaphore_mem>>, %arg26: memref<!tpu.dma_semaphore, #tpu.memory_space<semaphore_mem>>, %arg27: memref<!tpu.dma_semaphore, #tpu.memory_space<semaphore_mem>>) attributes {dimension_semantics = [#tpu.dimension_semantics<core_parallel>, #tpu.dimension_semantics<subcore_parallel>], iteration_bounds = array<i64: 2, 16>, scalar_prefetch = 0 : i64, scratch_operands = 21 : i64, tpu.core_type = #tpu.core_type<sc_vector_subcore>, window_params = [{transform_indices = #map}, {transform_indices = #map1}, {transform_indices = #map1}, {transform_indices = #map}, {transform_indices = #map}]} {
    %mul3A = arith.constant 2 : i32
    %mul3A_0 = arith.muli %arg1, %mul3A : i32
    %add3A = arith.addi %mul3A_0, %arg0 : i32
    %mul3A_1 = arith.constant 80 : i32
    %mul3A_2 = arith.muli %add3A, %mul3A_1 : i32
    %mul3A_3 = arith.constant 128 : i32
    %mul3A_4 = arith.muli %mul3A_2, %mul3A_3 : i32
    %mul3A_5 = arith.constant 640 : i32
    %mul3A_6 = arith.muli %arg1, %mul3A_5 : i32
    "tpu.region"() ({
      %run_scoped3A = tpu.sem_alloc : memref<!tpu.dma_semaphore, #tpu.memory_space<semaphore_mem>>
      %dma_start3A_106 = arith.constant 0 : i32
      %dma_start3A_107 = tpu.memref_slice %arg17[%mul3A_6, %dma_start3A_106] : memref<10240x128xf32, #tpu.memory_space<vmem_shared>> -> memref<640x128xf32, #tpu.memory_space<vmem_shared>>
      tpu.enqueue_dma source(%arg5 : memref<640x128xf32, #tpu.memory_space<hbm>>) target(%dma_start3A_107 : memref<640x128xf32, #tpu.memory_space<vmem_shared>>) target_semaphore(%run_scoped3A : memref<!tpu.dma_semaphore, #tpu.memory_space<semaphore_mem>>)
      %dma_wait3A_108 = arith.constant 0 : i32
      %dma_wait3A_109 = tpu.memref_slice %arg17[%mul3A_6, %dma_wait3A_108] : memref<10240x128xf32, #tpu.memory_space<vmem_shared>> -> memref<640x128xf32, #tpu.memory_space<vmem_shared>>
      tpu.wait_dma2 semaphore(%run_scoped3A : memref<!tpu.dma_semaphore, #tpu.memory_space<semaphore_mem>>) src(%arg5 : memref<640x128xf32, #tpu.memory_space<hbm>>) dst(%dma_wait3A_109 : memref<640x128xf32, #tpu.memory_space<vmem_shared>>)
      tpu.yield
    }) : () -> ()
    %barrier3A = arith.constant 0 : index
    tpu.barrier barrier_id(%barrier3A)
    %add3A_7 = arith.constant 0 : i32
    %add3A_8 = arith.addi %mul3A_4, %add3A_7 : i32
    %dma_start3A = tpu.memref_slice %arg3[%add3A_8] : memref<327680xi32, #tpu.memory_space<hbm>> -> memref<128xi32, #tpu.memory_space<hbm>>
    %dma_start3A_9 = tpu.memref_slice %arg3[%add3A_8] : memref<327680xi32, #tpu.memory_space<hbm>> -> memref<128xi32, #tpu.memory_space<hbm>>
    tpu.enqueue_dma source(%dma_start3A_9 : memref<128xi32, #tpu.memory_space<hbm>>) target(%arg7 : memref<128xi32, #tpu.memory_space<vmem>>) target_semaphore(%arg18 : memref<!tpu.dma_semaphore, #tpu.memory_space<semaphore_mem>>)
    %add3A_10 = arith.constant 0 : i32
    %add3A_11 = arith.addi %mul3A_4, %add3A_10 : i32
    %dma_start3A_12 = tpu.memref_slice %arg4[%add3A_11] : memref<327680xi32, #tpu.memory_space<hbm>> -> memref<128xi32, #tpu.memory_space<hbm>>
    %dma_start3A_13 = tpu.memref_slice %arg4[%add3A_11] : memref<327680xi32, #tpu.memory_space<hbm>> -> memref<128xi32, #tpu.memory_space<hbm>>
    tpu.enqueue_dma source(%dma_start3A_13 : memref<128xi32, #tpu.memory_space<hbm>>) target(%arg11 : memref<128xi32, #tpu.memory_space<vmem>>) target_semaphore(%arg22 : memref<!tpu.dma_semaphore, #tpu.memory_space<semaphore_mem>>)
    %add3A_14 = arith.constant 128 : i32
    %add3A_15 = arith.addi %mul3A_4, %add3A_14 : i32
    %dma_start3A_16 = tpu.memref_slice %arg3[%add3A_15] : memref<327680xi32, #tpu.memory_space<hbm>> -> memref<128xi32, #tpu.memory_space<hbm>>
    %dma_start3A_17 = tpu.memref_slice %arg3[%add3A_15] : memref<327680xi32, #tpu.memory_space<hbm>> -> memref<128xi32, #tpu.memory_space<hbm>>
    tpu.enqueue_dma source(%dma_start3A_17 : memref<128xi32, #tpu.memory_space<hbm>>) target(%arg8 : memref<128xi32, #tpu.memory_space<vmem>>) target_semaphore(%arg19 : memref<!tpu.dma_semaphore, #tpu.memory_space<semaphore_mem>>)
    %add3A_18 = arith.constant 128 : i32
    %add3A_19 = arith.addi %mul3A_4, %add3A_18 : i32
    %dma_start3A_20 = tpu.memref_slice %arg4[%add3A_19] : memref<327680xi32, #tpu.memory_space<hbm>> -> memref<128xi32, #tpu.memory_space<hbm>>
    %dma_start3A_21 = tpu.memref_slice %arg4[%add3A_19] : memref<327680xi32, #tpu.memory_space<hbm>> -> memref<128xi32, #tpu.memory_space<hbm>>
    tpu.enqueue_dma source(%dma_start3A_21 : memref<128xi32, #tpu.memory_space<hbm>>) target(%arg12 : memref<128xi32, #tpu.memory_space<vmem>>) target_semaphore(%arg23 : memref<!tpu.dma_semaphore, #tpu.memory_space<semaphore_mem>>)
    %add3A_22 = arith.constant 256 : i32
    %add3A_23 = arith.addi %mul3A_4, %add3A_22 : i32
    %dma_start3A_24 = tpu.memref_slice %arg3[%add3A_23] : memref<327680xi32, #tpu.memory_space<hbm>> -> memref<128xi32, #tpu.memory_space<hbm>>
    %dma_start3A_25 = tpu.memref_slice %arg3[%add3A_23] : memref<327680xi32, #tpu.memory_space<hbm>> -> memref<128xi32, #tpu.memory_space<hbm>>
    tpu.enqueue_dma source(%dma_start3A_25 : memref<128xi32, #tpu.memory_space<hbm>>) target(%arg9 : memref<128xi32, #tpu.memory_space<vmem>>) target_semaphore(%arg20 : memref<!tpu.dma_semaphore, #tpu.memory_space<semaphore_mem>>)
    %add3A_26 = arith.constant 256 : i32
    %add3A_27 = arith.addi %mul3A_4, %add3A_26 : i32
    %dma_start3A_28 = tpu.memref_slice %arg4[%add3A_27] : memref<327680xi32, #tpu.memory_space<hbm>> -> memref<128xi32, #tpu.memory_space<hbm>>
    %dma_start3A_29 = tpu.memref_slice %arg4[%add3A_27] : memref<327680xi32, #tpu.memory_space<hbm>> -> memref<128xi32, #tpu.memory_space<hbm>>
    tpu.enqueue_dma source(%dma_start3A_29 : memref<128xi32, #tpu.memory_space<hbm>>) target(%arg13 : memref<128xi32, #tpu.memory_space<vmem>>) target_semaphore(%arg24 : memref<!tpu.dma_semaphore, #tpu.memory_space<semaphore_mem>>)
    %add3A_30 = arith.constant 384 : i32
    %add3A_31 = arith.addi %mul3A_4, %add3A_30 : i32
    %dma_start3A_32 = tpu.memref_slice %arg3[%add3A_31] : memref<327680xi32, #tpu.memory_space<hbm>> -> memref<128xi32, #tpu.memory_space<hbm>>
    %dma_start3A_33 = tpu.memref_slice %arg3[%add3A_31] : memref<327680xi32, #tpu.memory_space<hbm>> -> memref<128xi32, #tpu.memory_space<hbm>>
    tpu.enqueue_dma source(%dma_start3A_33 : memref<128xi32, #tpu.memory_space<hbm>>) target(%arg10 : memref<128xi32, #tpu.memory_space<vmem>>) target_semaphore(%arg21 : memref<!tpu.dma_semaphore, #tpu.memory_space<semaphore_mem>>)
    %add3A_34 = arith.constant 384 : i32
    %add3A_35 = arith.addi %mul3A_4, %add3A_34 : i32
    %dma_start3A_36 = tpu.memref_slice %arg4[%add3A_35] : memref<327680xi32, #tpu.memory_space<hbm>> -> memref<128xi32, #tpu.memory_space<hbm>>
    %dma_start3A_37 = tpu.memref_slice %arg4[%add3A_35] : memref<327680xi32, #tpu.memory_space<hbm>> -> memref<128xi32, #tpu.memory_space<hbm>>
    tpu.enqueue_dma source(%dma_start3A_37 : memref<128xi32, #tpu.memory_space<hbm>>) target(%arg14 : memref<128xi32, #tpu.memory_space<vmem>>) target_semaphore(%arg25 : memref<!tpu.dma_semaphore, #tpu.memory_space<semaphore_mem>>)
    %add3A_38 = arith.constant 0 : i32
    %add3A_39 = arith.addi %mul3A_4, %add3A_38 : i32
    %dma_wait3A = tpu.memref_slice %arg3[%add3A_39] : memref<327680xi32, #tpu.memory_space<hbm>> -> memref<128xi32, #tpu.memory_space<hbm>>
    %dma_wait3A_40 = tpu.memref_slice %arg3[%add3A_39] : memref<327680xi32, #tpu.memory_space<hbm>> -> memref<128xi32, #tpu.memory_space<hbm>>
    tpu.wait_dma2 semaphore(%arg18 : memref<!tpu.dma_semaphore, #tpu.memory_space<semaphore_mem>>) src(%dma_wait3A_40 : memref<128xi32, #tpu.memory_space<hbm>>) dst(%arg7 : memref<128xi32, #tpu.memory_space<vmem>>)
    %dma_start3A_41 = arith.constant 0 : i32
    %dma_start3A_42 = arith.constant 0 : i32
    %dma_start3A_43 = tpu.memref_slice %arg2[%dma_start3A_41, %dma_start3A_42] : memref<10240x128xf32, #tpu.memory_space<hbm>> -> memref<10240x128xf32, #tpu.memory_space<hbm>>
    tpu.enqueue_indirect_dma source(%dma_start3A_43 : memref<10240x128xf32, #tpu.memory_space<hbm>>) target(%arg15 : memref<128x128xf32, #tpu.memory_space<vmem>>) offsets(%arg7 : memref<128xi32, #tpu.memory_space<vmem>>) semaphore(%arg26 : memref<!tpu.dma_semaphore, #tpu.memory_space<semaphore_mem>>)
    %add3A_44 = arith.constant 128 : i32
    %add3A_45 = arith.addi %mul3A_4, %add3A_44 : i32
    %dma_wait3A_46 = tpu.memref_slice %arg3[%add3A_45] : memref<327680xi32, #tpu.memory_space<hbm>> -> memref<128xi32, #tpu.memory_space<hbm>>
    %dma_wait3A_47 = tpu.memref_slice %arg3[%add3A_45] : memref<327680xi32, #tpu.memory_space<hbm>> -> memref<128xi32, #tpu.memory_space<hbm>>
    tpu.wait_dma2 semaphore(%arg19 : memref<!tpu.dma_semaphore, #tpu.memory_space<semaphore_mem>>) src(%dma_wait3A_47 : memref<128xi32, #tpu.memory_space<hbm>>) dst(%arg8 : memref<128xi32, #tpu.memory_space<vmem>>)
    %dma_start3A_48 = arith.constant 0 : i32
    %dma_start3A_49 = arith.constant 0 : i32
    %dma_start3A_50 = tpu.memref_slice %arg2[%dma_start3A_48, %dma_start3A_49] : memref<10240x128xf32, #tpu.memory_space<hbm>> -> memref<10240x128xf32, #tpu.memory_space<hbm>>
    tpu.enqueue_indirect_dma source(%dma_start3A_50 : memref<10240x128xf32, #tpu.memory_space<hbm>>) target(%arg16 : memref<128x128xf32, #tpu.memory_space<vmem>>) offsets(%arg8 : memref<128xi32, #tpu.memory_space<vmem>>) semaphore(%arg27 : memref<!tpu.dma_semaphore, #tpu.memory_space<semaphore_mem>>)
    %scan3A = arith.constant 0 : i32
    %scan3A_51 = arith.constant 0 : i32
    %scan3A_52 = arith.constant 19 : i32
    %scan3A_53 = arith.addi %scan3A_51, %scan3A_52 : i32
    %scan3A_54 = arith.constant 1 : i32
    scf.for %scan3A_106 = %scan3A_51 to %scan3A_53 step %scan3A_54  : i32 {
      %mul3A_107 = arith.constant 512 : i32
      %mul3A_108 = arith.muli %scan3A_106, %mul3A_107 : i32
      %add3A_109 = arith.constant 0 : i32
      %add3A_110 = arith.addi %mul3A_108, %add3A_109 : i32
      %dma_wait3A_111 = arith.constant 0 : i32
      %dma_wait3A_112 = arith.constant 0 : i32
      %dma_wait3A_113 = tpu.memref_slice %arg2[%dma_wait3A_111, %dma_wait3A_112] : memref<10240x128xf32, #tpu.memory_space<hbm>> -> memref<10240x128xf32, #tpu.memory_space<hbm>>
      tpu.wait_indirect_dma semaphore(%arg26 : memref<!tpu.dma_semaphore, #tpu.memory_space<semaphore_mem>>) src(%dma_wait3A_113 : memref<10240x128xf32, #tpu.memory_space<hbm>>) dst(%arg15 : memref<128x128xf32, #tpu.memory_space<vmem>>)
      %add3A_114 = arith.addi %mul3A_4, %add3A_110 : i32
      %dma_wait3A_115 = tpu.memref_slice %arg4[%add3A_114] : memref<327680xi32, #tpu.memory_space<hbm>> -> memref<128xi32, #tpu.memory_space<hbm>>
      %dma_wait3A_116 = tpu.memref_slice %arg4[%add3A_114] : memref<327680xi32, #tpu.memory_space<hbm>> -> memref<128xi32, #tpu.memory_space<hbm>>
      tpu.wait_dma2 semaphore(%arg22 : memref<!tpu.dma_semaphore, #tpu.memory_space<semaphore_mem>>) src(%dma_wait3A_116 : memref<128xi32, #tpu.memory_space<hbm>>) dst(%arg11 : memref<128xi32, #tpu.memory_space<vmem>>)
      "tpu.region"() ({
        %run_scoped3A = tpu.sem_alloc : memref<!tpu.dma_semaphore, #tpu.memory_space<semaphore_mem>>
        %dma_start3A_205 = arith.constant 0 : i32
        %dma_start3A_206 = arith.constant 0 : i32
        %dma_start3A_207 = tpu.memref_slice %arg17[%dma_start3A_205, %dma_start3A_206] : memref<10240x128xf32, #tpu.memory_space<vmem_shared>> -> memref<10240x128xf32, #tpu.memory_space<vmem_shared>>
        tpu.enqueue_indirect_dma source(%arg15 : memref<128x128xf32, #tpu.memory_space<vmem>>) target(%dma_start3A_207 : memref<10240x128xf32, #tpu.memory_space<vmem_shared>>) offsets(%arg11 : memref<128xi32, #tpu.memory_space<vmem>>) semaphore(%run_scoped3A : memref<!tpu.dma_semaphore, #tpu.memory_space<semaphore_mem>>) {add = true}
        %dma_wait3A_208 = arith.constant 0 : i32
        %dma_wait3A_209 = arith.constant 0 : i32
        %dma_wait3A_210 = tpu.memref_slice %arg17[%dma_wait3A_208, %dma_wait3A_209] : memref<10240x128xf32, #tpu.memory_space<vmem_shared>> -> memref<10240x128xf32, #tpu.memory_space<vmem_shared>>
        tpu.wait_indirect_dma semaphore(%run_scoped3A : memref<!tpu.dma_semaphore, #tpu.memory_space<semaphore_mem>>) src(%arg15 : memref<128x128xf32, #tpu.memory_space<vmem>>) dst(%dma_wait3A_210 : memref<10240x128xf32, #tpu.memory_space<vmem_shared>>)
        tpu.yield
      }) : () -> ()
      %add3A_117 = arith.constant 512 : i32
      %add3A_118 = arith.addi %add3A_110, %add3A_117 : i32
      %add3A_119 = arith.addi %mul3A_4, %add3A_118 : i32
      %dma_start3A_120 = tpu.memref_slice %arg3[%add3A_119] : memref<327680xi32, #tpu.memory_space<hbm>> -> memref<128xi32, #tpu.memory_space<hbm>>
      %dma_start3A_121 = tpu.memref_slice %arg3[%add3A_119] : memref<327680xi32, #tpu.memory_space<hbm>> -> memref<128xi32, #tpu.memory_space<hbm>>
      tpu.enqueue_dma source(%dma_start3A_121 : memref<128xi32, #tpu.memory_space<hbm>>) target(%arg7 : memref<128xi32, #tpu.memory_space<vmem>>) target_semaphore(%arg18 : memref<!tpu.dma_semaphore, #tpu.memory_space<semaphore_mem>>)
      %add3A_122 = arith.addi %mul3A_4, %add3A_118 : i32
      %dma_start3A_123 = tpu.memref_slice %arg4[%add3A_122] : memref<327680xi32, #tpu.memory_space<hbm>> -> memref<128xi32, #tpu.memory_space<hbm>>
      %dma_start3A_124 = tpu.memref_slice %arg4[%add3A_122] : memref<327680xi32, #tpu.memory_space<hbm>> -> memref<128xi32, #tpu.memory_space<hbm>>
      tpu.enqueue_dma source(%dma_start3A_124 : memref<128xi32, #tpu.memory_space<hbm>>) target(%arg11 : memref<128xi32, #tpu.memory_space<vmem>>) target_semaphore(%arg22 : memref<!tpu.dma_semaphore, #tpu.memory_space<semaphore_mem>>)
      %add3A_125 = arith.addi %mul3A_4, %add3A_110 : i32
      %add3A_126 = arith.constant 256 : i32
      %add3A_127 = arith.addi %add3A_125, %add3A_126 : i32
      %dma_wait3A_128 = tpu.memref_slice %arg3[%add3A_127] : memref<327680xi32, #tpu.memory_space<hbm>> -> memref<128xi32, #tpu.memory_space<hbm>>
      %dma_wait3A_129 = tpu.memref_slice %arg3[%add3A_127] : memref<327680xi32, #tpu.memory_space<hbm>> -> memref<128xi32, #tpu.memory_space<hbm>>
      tpu.wait_dma2 semaphore(%arg20 : memref<!tpu.dma_semaphore, #tpu.memory_space<semaphore_mem>>) src(%dma_wait3A_129 : memref<128xi32, #tpu.memory_space<hbm>>) dst(%arg9 : memref<128xi32, #tpu.memory_space<vmem>>)
      %dma_start3A_130 = arith.constant 0 : i32
      %dma_start3A_131 = arith.constant 0 : i32
      %dma_start3A_132 = tpu.memref_slice %arg2[%dma_start3A_130, %dma_start3A_131] : memref<10240x128xf32, #tpu.memory_space<hbm>> -> memref<10240x128xf32, #tpu.memory_space<hbm>>
      tpu.enqueue_indirect_dma source(%dma_start3A_132 : memref<10240x128xf32, #tpu.memory_space<hbm>>) target(%arg15 : memref<128x128xf32, #tpu.memory_space<vmem>>) offsets(%arg9 : memref<128xi32, #tpu.memory_space<vmem>>) semaphore(%arg26 : memref<!tpu.dma_semaphore, #tpu.memory_space<semaphore_mem>>)
      %add3A_133 = arith.constant 128 : i32
      %add3A_134 = arith.addi %mul3A_108, %add3A_133 : i32
      %dma_wait3A_135 = arith.constant 0 : i32
      %dma_wait3A_136 = arith.constant 0 : i32
      %dma_wait3A_137 = tpu.memref_slice %arg2[%dma_wait3A_135, %dma_wait3A_136] : memref<10240x128xf32, #tpu.memory_space<hbm>> -> memref<10240x128xf32, #tpu.memory_space<hbm>>
      tpu.wait_indirect_dma semaphore(%arg27 : memref<!tpu.dma_semaphore, #tpu.memory_space<semaphore_mem>>) src(%dma_wait3A_137 : memref<10240x128xf32, #tpu.memory_space<hbm>>) dst(%arg16 : memref<128x128xf32, #tpu.memory_space<vmem>>)
      %add3A_138 = arith.addi %mul3A_4, %add3A_134 : i32
      %dma_wait3A_139 = tpu.memref_slice %arg4[%add3A_138] : memref<327680xi32, #tpu.memory_space<hbm>> -> memref<128xi32, #tpu.memory_space<hbm>>
      %dma_wait3A_140 = tpu.memref_slice %arg4[%add3A_138] : memref<327680xi32, #tpu.memory_space<hbm>> -> memref<128xi32, #tpu.memory_space<hbm>>
      tpu.wait_dma2 semaphore(%arg23 : memref<!tpu.dma_semaphore, #tpu.memory_space<semaphore_mem>>) src(%dma_wait3A_140 : memref<128xi32, #tpu.memory_space<hbm>>) dst(%arg12 : memref<128xi32, #tpu.memory_space<vmem>>)
      "tpu.region"() ({
        %run_scoped3A = tpu.sem_alloc : memref<!tpu.dma_semaphore, #tpu.memory_space<semaphore_mem>>
        %dma_start3A_205 = arith.constant 0 : i32
        %dma_start3A_206 = arith.constant 0 : i32
        %dma_start3A_207 = tpu.memref_slice %arg17[%dma_start3A_205, %dma_start3A_206] : memref<10240x128xf32, #tpu.memory_space<vmem_shared>> -> memref<10240x128xf32, #tpu.memory_space<vmem_shared>>
        tpu.enqueue_indirect_dma source(%arg16 : memref<128x128xf32, #tpu.memory_space<vmem>>) target(%dma_start3A_207 : memref<10240x128xf32, #tpu.memory_space<vmem_shared>>) offsets(%arg12 : memref<128xi32, #tpu.memory_space<vmem>>) semaphore(%run_scoped3A : memref<!tpu.dma_semaphore, #tpu.memory_space<semaphore_mem>>) {add = true}
        %dma_wait3A_208 = arith.constant 0 : i32
        %dma_wait3A_209 = arith.constant 0 : i32
        %dma_wait3A_210 = tpu.memref_slice %arg17[%dma_wait3A_208, %dma_wait3A_209] : memref<10240x128xf32, #tpu.memory_space<vmem_shared>> -> memref<10240x128xf32, #tpu.memory_space<vmem_shared>>
        tpu.wait_indirect_dma semaphore(%run_scoped3A : memref<!tpu.dma_semaphore, #tpu.memory_space<semaphore_mem>>) src(%arg16 : memref<128x128xf32, #tpu.memory_space<vmem>>) dst(%dma_wait3A_210 : memref<10240x128xf32, #tpu.memory_space<vmem_shared>>)
        tpu.yield
      }) : () -> ()
      %add3A_141 = arith.constant 512 : i32
      %add3A_142 = arith.addi %add3A_134, %add3A_141 : i32
      %add3A_143 = arith.addi %mul3A_4, %add3A_142 : i32
      %dma_start3A_144 = tpu.memref_slice %arg3[%add3A_143] : memref<327680xi32, #tpu.memory_space<hbm>> -> memref<128xi32, #tpu.memory_space<hbm>>
      %dma_start3A_145 = tpu.memref_slice %arg3[%add3A_143] : memref<327680xi32, #tpu.memory_space<hbm>> -> memref<128xi32, #tpu.memory_space<hbm>>
      tpu.enqueue_dma source(%dma_start3A_145 : memref<128xi32, #tpu.memory_space<hbm>>) target(%arg8 : memref<128xi32, #tpu.memory_space<vmem>>) target_semaphore(%arg19 : memref<!tpu.dma_semaphore, #tpu.memory_space<semaphore_mem>>)
      %add3A_146 = arith.addi %mul3A_4, %add3A_142 : i32
      %dma_start3A_147 = tpu.memref_slice %arg4[%add3A_146] : memref<327680xi32, #tpu.memory_space<hbm>> -> memref<128xi32, #tpu.memory_space<hbm>>
      %dma_start3A_148 = tpu.memref_slice %arg4[%add3A_146] : memref<327680xi32, #tpu.memory_space<hbm>> -> memref<128xi32, #tpu.memory_space<hbm>>
      tpu.enqueue_dma source(%dma_start3A_148 : memref<128xi32, #tpu.memory_space<hbm>>) target(%arg12 : memref<128xi32, #tpu.memory_space<vmem>>) target_semaphore(%arg23 : memref<!tpu.dma_semaphore, #tpu.memory_space<semaphore_mem>>)
      %add3A_149 = arith.addi %mul3A_4, %add3A_134 : i32
      %add3A_150 = arith.constant 256 : i32
      %add3A_151 = arith.addi %add3A_149, %add3A_150 : i32
      %dma_wait3A_152 = tpu.memref_slice %arg3[%add3A_151] : memref<327680xi32, #tpu.memory_space<hbm>> -> memref<128xi32, #tpu.memory_space<hbm>>
      %dma_wait3A_153 = tpu.memref_slice %arg3[%add3A_151] : memref<327680xi32, #tpu.memory_space<hbm>> -> memref<128xi32, #tpu.memory_space<hbm>>
      tpu.wait_dma2 semaphore(%arg21 : memref<!tpu.dma_semaphore, #tpu.memory_space<semaphore_mem>>) src(%dma_wait3A_153 : memref<128xi32, #tpu.memory_space<hbm>>) dst(%arg10 : memref<128xi32, #tpu.memory_space<vmem>>)
      %dma_start3A_154 = arith.constant 0 : i32
      %dma_start3A_155 = arith.constant 0 : i32
      %dma_start3A_156 = tpu.memref_slice %arg2[%dma_start3A_154, %dma_start3A_155] : memref<10240x128xf32, #tpu.memory_space<hbm>> -> memref<10240x128xf32, #tpu.memory_space<hbm>>
      tpu.enqueue_indirect_dma source(%dma_start3A_156 : memref<10240x128xf32, #tpu.memory_space<hbm>>) target(%arg16 : memref<128x128xf32, #tpu.memory_space<vmem>>) offsets(%arg10 : memref<128xi32, #tpu.memory_space<vmem>>) semaphore(%arg27 : memref<!tpu.dma_semaphore, #tpu.memory_space<semaphore_mem>>)
      %add3A_157 = arith.constant 256 : i32
      %add3A_158 = arith.addi %mul3A_108, %add3A_157 : i32
      %dma_wait3A_159 = arith.constant 0 : i32
      %dma_wait3A_160 = arith.constant 0 : i32
      %dma_wait3A_161 = tpu.memref_slice %arg2[%dma_wait3A_159, %dma_wait3A_160] : memref<10240x128xf32, #tpu.memory_space<hbm>> -> memref<10240x128xf32, #tpu.memory_space<hbm>>
      tpu.wait_indirect_dma semaphore(%arg26 : memref<!tpu.dma_semaphore, #tpu.memory_space<semaphore_mem>>) src(%dma_wait3A_161 : memref<10240x128xf32, #tpu.memory_space<hbm>>) dst(%arg15 : memref<128x128xf32, #tpu.memory_space<vmem>>)
      %add3A_162 = arith.addi %mul3A_4, %add3A_158 : i32
      %dma_wait3A_163 = tpu.memref_slice %arg4[%add3A_162] : memref<327680xi32, #tpu.memory_space<hbm>> -> memref<128xi32, #tpu.memory_space<hbm>>
      %dma_wait3A_164 = tpu.memref_slice %arg4[%add3A_162] : memref<327680xi32, #tpu.memory_space<hbm>> -> memref<128xi32, #tpu.memory_space<hbm>>
      tpu.wait_dma2 semaphore(%arg24 : memref<!tpu.dma_semaphore, #tpu.memory_space<semaphore_mem>>) src(%dma_wait3A_164 : memref<128xi32, #tpu.memory_space<hbm>>) dst(%arg13 : memref<128xi32, #tpu.memory_space<vmem>>)
      "tpu.region"() ({
        %run_scoped3A = tpu.sem_alloc : memref<!tpu.dma_semaphore, #tpu.memory_space<semaphore_mem>>
        %dma_start3A_205 = arith.constant 0 : i32
        %dma_start3A_206 = arith.constant 0 : i32
        %dma_start3A_207 = tpu.memref_slice %arg17[%dma_start3A_205, %dma_start3A_206] : memref<10240x128xf32, #tpu.memory_space<vmem_shared>> -> memref<10240x128xf32, #tpu.memory_space<vmem_shared>>
        tpu.enqueue_indirect_dma source(%arg15 : memref<128x128xf32, #tpu.memory_space<vmem>>) target(%dma_start3A_207 : memref<10240x128xf32, #tpu.memory_space<vmem_shared>>) offsets(%arg13 : memref<128xi32, #tpu.memory_space<vmem>>) semaphore(%run_scoped3A : memref<!tpu.dma_semaphore, #tpu.memory_space<semaphore_mem>>) {add = true}
        %dma_wait3A_208 = arith.constant 0 : i32
        %dma_wait3A_209 = arith.constant 0 : i32
        %dma_wait3A_210 = tpu.memref_slice %arg17[%dma_wait3A_208, %dma_wait3A_209] : memref<10240x128xf32, #tpu.memory_space<vmem_shared>> -> memref<10240x128xf32, #tpu.memory_space<vmem_shared>>
        tpu.wait_indirect_dma semaphore(%run_scoped3A : memref<!tpu.dma_semaphore, #tpu.memory_space<semaphore_mem>>) src(%arg15 : memref<128x128xf32, #tpu.memory_space<vmem>>) dst(%dma_wait3A_210 : memref<10240x128xf32, #tpu.memory_space<vmem_shared>>)
        tpu.yield
      }) : () -> ()
      %add3A_165 = arith.constant 512 : i32
      %add3A_166 = arith.addi %add3A_158, %add3A_165 : i32
      %add3A_167 = arith.addi %mul3A_4, %add3A_166 : i32
      %dma_start3A_168 = tpu.memref_slice %arg3[%add3A_167] : memref<327680xi32, #tpu.memory_space<hbm>> -> memref<128xi32, #tpu.memory_space<hbm>>
      %dma_start3A_169 = tpu.memref_slice %arg3[%add3A_167] : memref<327680xi32, #tpu.memory_space<hbm>> -> memref<128xi32, #tpu.memory_space<hbm>>
      tpu.enqueue_dma source(%dma_start3A_169 : memref<128xi32, #tpu.memory_space<hbm>>) target(%arg9 : memref<128xi32, #tpu.memory_space<vmem>>) target_semaphore(%arg20 : memref<!tpu.dma_semaphore, #tpu.memory_space<semaphore_mem>>)
      %add3A_170 = arith.addi %mul3A_4, %add3A_166 : i32
      %dma_start3A_171 = tpu.memref_slice %arg4[%add3A_170] : memref<327680xi32, #tpu.memory_space<hbm>> -> memref<128xi32, #tpu.memory_space<hbm>>
      %dma_start3A_172 = tpu.memref_slice %arg4[%add3A_170] : memref<327680xi32, #tpu.memory_space<hbm>> -> memref<128xi32, #tpu.memory_space<hbm>>
      tpu.enqueue_dma source(%dma_start3A_172 : memref<128xi32, #tpu.memory_space<hbm>>) target(%arg13 : memref<128xi32, #tpu.memory_space<vmem>>) target_semaphore(%arg24 : memref<!tpu.dma_semaphore, #tpu.memory_space<semaphore_mem>>)
      %add3A_173 = arith.addi %mul3A_4, %add3A_158 : i32
      %add3A_174 = arith.constant 256 : i32
      %add3A_175 = arith.addi %add3A_173, %add3A_174 : i32
      %dma_wait3A_176 = tpu.memref_slice %arg3[%add3A_175] : memref<327680xi32, #tpu.memory_space<hbm>> -> memref<128xi32, #tpu.memory_space<hbm>>
      %dma_wait3A_177 = tpu.memref_slice %arg3[%add3A_175] : memref<327680xi32, #tpu.memory_space<hbm>> -> memref<128xi32, #tpu.memory_space<hbm>>
      tpu.wait_dma2 semaphore(%arg18 : memref<!tpu.dma_semaphore, #tpu.memory_space<semaphore_mem>>) src(%dma_wait3A_177 : memref<128xi32, #tpu.memory_space<hbm>>) dst(%arg7 : memref<128xi32, #tpu.memory_space<vmem>>)
      %dma_start3A_178 = arith.constant 0 : i32
      %dma_start3A_179 = arith.constant 0 : i32
      %dma_start3A_180 = tpu.memref_slice %arg2[%dma_start3A_178, %dma_start3A_179] : memref<10240x128xf32, #tpu.memory_space<hbm>> -> memref<10240x128xf32, #tpu.memory_space<hbm>>
      tpu.enqueue_indirect_dma source(%dma_start3A_180 : memref<10240x128xf32, #tpu.memory_space<hbm>>) target(%arg15 : memref<128x128xf32, #tpu.memory_space<vmem>>) offsets(%arg7 : memref<128xi32, #tpu.memory_space<vmem>>) semaphore(%arg26 : memref<!tpu.dma_semaphore, #tpu.memory_space<semaphore_mem>>)
      %add3A_181 = arith.constant 384 : i32
      %add3A_182 = arith.addi %mul3A_108, %add3A_181 : i32
      %dma_wait3A_183 = arith.constant 0 : i32
      %dma_wait3A_184 = arith.constant 0 : i32
      %dma_wait3A_185 = tpu.memref_slice %arg2[%dma_wait3A_183, %dma_wait3A_184] : memref<10240x128xf32, #tpu.memory_space<hbm>> -> memref<10240x128xf32, #tpu.memory_space<hbm>>
      tpu.wait_indirect_dma semaphore(%arg27 : memref<!tpu.dma_semaphore, #tpu.memory_space<semaphore_mem>>) src(%dma_wait3A_185 : memref<10240x128xf32, #tpu.memory_space<hbm>>) dst(%arg16 : memref<128x128xf32, #tpu.memory_space<vmem>>)
      %add3A_186 = arith.addi %mul3A_4, %add3A_182 : i32
      %dma_wait3A_187 = tpu.memref_slice %arg4[%add3A_186] : memref<327680xi32, #tpu.memory_space<hbm>> -> memref<128xi32, #tpu.memory_space<hbm>>
      %dma_wait3A_188 = tpu.memref_slice %arg4[%add3A_186] : memref<327680xi32, #tpu.memory_space<hbm>> -> memref<128xi32, #tpu.memory_space<hbm>>
      tpu.wait_dma2 semaphore(%arg25 : memref<!tpu.dma_semaphore, #tpu.memory_space<semaphore_mem>>) src(%dma_wait3A_188 : memref<128xi32, #tpu.memory_space<hbm>>) dst(%arg14 : memref<128xi32, #tpu.memory_space<vmem>>)
      "tpu.region"() ({
        %run_scoped3A = tpu.sem_alloc : memref<!tpu.dma_semaphore, #tpu.memory_space<semaphore_mem>>
        %dma_start3A_205 = arith.constant 0 : i32
        %dma_start3A_206 = arith.constant 0 : i32
        %dma_start3A_207 = tpu.memref_slice %arg17[%dma_start3A_205, %dma_start3A_206] : memref<10240x128xf32, #tpu.memory_space<vmem_shared>> -> memref<10240x128xf32, #tpu.memory_space<vmem_shared>>
        tpu.enqueue_indirect_dma source(%arg16 : memref<128x128xf32, #tpu.memory_space<vmem>>) target(%dma_start3A_207 : memref<10240x128xf32, #tpu.memory_space<vmem_shared>>) offsets(%arg14 : memref<128xi32, #tpu.memory_space<vmem>>) semaphore(%run_scoped3A : memref<!tpu.dma_semaphore, #tpu.memory_space<semaphore_mem>>) {add = true}
        %dma_wait3A_208 = arith.constant 0 : i32
        %dma_wait3A_209 = arith.constant 0 : i32
        %dma_wait3A_210 = tpu.memref_slice %arg17[%dma_wait3A_208, %dma_wait3A_209] : memref<10240x128xf32, #tpu.memory_space<vmem_shared>> -> memref<10240x128xf32, #tpu.memory_space<vmem_shared>>
        tpu.wait_indirect_dma semaphore(%run_scoped3A : memref<!tpu.dma_semaphore, #tpu.memory_space<semaphore_mem>>) src(%arg16 : memref<128x128xf32, #tpu.memory_space<vmem>>) dst(%dma_wait3A_210 : memref<10240x128xf32, #tpu.memory_space<vmem_shared>>)
        tpu.yield
      }) : () -> ()
      %add3A_189 = arith.constant 512 : i32
      %add3A_190 = arith.addi %add3A_182, %add3A_189 : i32
      %add3A_191 = arith.addi %mul3A_4, %add3A_190 : i32
      %dma_start3A_192 = tpu.memref_slice %arg3[%add3A_191] : memref<327680xi32, #tpu.memory_space<hbm>> -> memref<128xi32, #tpu.memory_space<hbm>>
      %dma_start3A_193 = tpu.memref_slice %arg3[%add3A_191] : memref<327680xi32, #tpu.memory_space<hbm>> -> memref<128xi32, #tpu.memory_space<hbm>>
      tpu.enqueue_dma source(%dma_start3A_193 : memref<128xi32, #tpu.memory_space<hbm>>) target(%arg10 : memref<128xi32, #tpu.memory_space<vmem>>) target_semaphore(%arg21 : memref<!tpu.dma_semaphore, #tpu.memory_space<semaphore_mem>>)
      %add3A_194 = arith.addi %mul3A_4, %add3A_190 : i32
      %dma_start3A_195 = tpu.memref_slice %arg4[%add3A_194] : memref<327680xi32, #tpu.memory_space<hbm>> -> memref<128xi32, #tpu.memory_space<hbm>>
      %dma_start3A_196 = tpu.memref_slice %arg4[%add3A_194] : memref<327680xi32, #tpu.memory_space<hbm>> -> memref<128xi32, #tpu.memory_space<hbm>>
      tpu.enqueue_dma source(%dma_start3A_196 : memref<128xi32, #tpu.memory_space<hbm>>) target(%arg14 : memref<128xi32, #tpu.memory_space<vmem>>) target_semaphore(%arg25 : memref<!tpu.dma_semaphore, #tpu.memory_space<semaphore_mem>>)
      %add3A_197 = arith.addi %mul3A_4, %add3A_182 : i32
      %add3A_198 = arith.constant 256 : i32
      %add3A_199 = arith.addi %add3A_197, %add3A_198 : i32
      %dma_wait3A_200 = tpu.memref_slice %arg3[%add3A_199] : memref<327680xi32, #tpu.memory_space<hbm>> -> memref<128xi32, #tpu.memory_space<hbm>>
      %dma_wait3A_201 = tpu.memref_slice %arg3[%add3A_199] : memref<327680xi32, #tpu.memory_space<hbm>> -> memref<128xi32, #tpu.memory_space<hbm>>
      tpu.wait_dma2 semaphore(%arg19 : memref<!tpu.dma_semaphore, #tpu.memory_space<semaphore_mem>>) src(%dma_wait3A_201 : memref<128xi32, #tpu.memory_space<hbm>>) dst(%arg8 : memref<128xi32, #tpu.memory_space<vmem>>)
      %dma_start3A_202 = arith.constant 0 : i32
      %dma_start3A_203 = arith.constant 0 : i32
      %dma_start3A_204 = tpu.memref_slice %arg2[%dma_start3A_202, %dma_start3A_203] : memref<10240x128xf32, #tpu.memory_space<hbm>> -> memref<10240x128xf32, #tpu.memory_space<hbm>>
      tpu.enqueue_indirect_dma source(%dma_start3A_204 : memref<10240x128xf32, #tpu.memory_space<hbm>>) target(%arg16 : memref<128x128xf32, #tpu.memory_space<vmem>>) offsets(%arg8 : memref<128xi32, #tpu.memory_space<vmem>>) semaphore(%arg27 : memref<!tpu.dma_semaphore, #tpu.memory_space<semaphore_mem>>)
    }
    %scan3A_55 = arith.constant 19 : i32
    %dma_wait3A_56 = arith.constant 0 : i32
    %dma_wait3A_57 = arith.constant 0 : i32
    %dma_wait3A_58 = tpu.memref_slice %arg2[%dma_wait3A_56, %dma_wait3A_57] : memref<10240x128xf32, #tpu.memory_space<hbm>> -> memref<10240x128xf32, #tpu.memory_space<hbm>>
    tpu.wait_indirect_dma semaphore(%arg26 : memref<!tpu.dma_semaphore, #tpu.memory_space<semaphore_mem>>) src(%dma_wait3A_58 : memref<10240x128xf32, #tpu.memory_space<hbm>>) dst(%arg15 : memref<128x128xf32, #tpu.memory_space<vmem>>)
    %dma_wait3A_59 = arith.constant 9728 : i32
    %dma_wait3A_60 = tpu.memref_slice %arg4[%dma_wait3A_59] : memref<327680xi32, #tpu.memory_space<hbm>> -> memref<128xi32, #tpu.memory_space<hbm>>
    %dma_wait3A_61 = arith.constant 9728 : i32
    %dma_wait3A_62 = tpu.memref_slice %arg4[%dma_wait3A_61] : memref<327680xi32, #tpu.memory_space<hbm>> -> memref<128xi32, #tpu.memory_space<hbm>>
    tpu.wait_dma2 semaphore(%arg22 : memref<!tpu.dma_semaphore, #tpu.memory_space<semaphore_mem>>) src(%dma_wait3A_62 : memref<128xi32, #tpu.memory_space<hbm>>) dst(%arg11 : memref<128xi32, #tpu.memory_space<vmem>>)
    "tpu.region"() ({
      %run_scoped3A = tpu.sem_alloc : memref<!tpu.dma_semaphore, #tpu.memory_space<semaphore_mem>>
      %dma_start3A_106 = arith.constant 0 : i32
      %dma_start3A_107 = arith.constant 0 : i32
      %dma_start3A_108 = tpu.memref_slice %arg17[%dma_start3A_106, %dma_start3A_107] : memref<10240x128xf32, #tpu.memory_space<vmem_shared>> -> memref<10240x128xf32, #tpu.memory_space<vmem_shared>>
      tpu.enqueue_indirect_dma source(%arg15 : memref<128x128xf32, #tpu.memory_space<vmem>>) target(%dma_start3A_108 : memref<10240x128xf32, #tpu.memory_space<vmem_shared>>) offsets(%arg11 : memref<128xi32, #tpu.memory_space<vmem>>) semaphore(%run_scoped3A : memref<!tpu.dma_semaphore, #tpu.memory_space<semaphore_mem>>) {add = true}
      %dma_wait3A_109 = arith.constant 0 : i32
      %dma_wait3A_110 = arith.constant 0 : i32
      %dma_wait3A_111 = tpu.memref_slice %arg17[%dma_wait3A_109, %dma_wait3A_110] : memref<10240x128xf32, #tpu.memory_space<vmem_shared>> -> memref<10240x128xf32, #tpu.memory_space<vmem_shared>>
      tpu.wait_indirect_dma semaphore(%run_scoped3A : memref<!tpu.dma_semaphore, #tpu.memory_space<semaphore_mem>>) src(%arg15 : memref<128x128xf32, #tpu.memory_space<vmem>>) dst(%dma_wait3A_111 : memref<10240x128xf32, #tpu.memory_space<vmem_shared>>)
      tpu.yield
    }) : () -> ()
    %dma_wait3A_63 = arith.constant 9984 : i32
    %dma_wait3A_64 = tpu.memref_slice %arg3[%dma_wait3A_63] : memref<327680xi32, #tpu.memory_space<hbm>> -> memref<128xi32, #tpu.memory_space<hbm>>
    %dma_wait3A_65 = arith.constant 9984 : i32
    %dma_wait3A_66 = tpu.memref_slice %arg3[%dma_wait3A_65] : memref<327680xi32, #tpu.memory_space<hbm>> -> memref<128xi32, #tpu.memory_space<hbm>>
    tpu.wait_dma2 semaphore(%arg20 : memref<!tpu.dma_semaphore, #tpu.memory_space<semaphore_mem>>) src(%dma_wait3A_66 : memref<128xi32, #tpu.memory_space<hbm>>) dst(%arg9 : memref<128xi32, #tpu.memory_space<vmem>>)
    %dma_start3A_67 = arith.constant 0 : i32
    %dma_start3A_68 = arith.constant 0 : i32
    %dma_start3A_69 = tpu.memref_slice %arg2[%dma_start3A_67, %dma_start3A_68] : memref<10240x128xf32, #tpu.memory_space<hbm>> -> memref<10240x128xf32, #tpu.memory_space<hbm>>
    tpu.enqueue_indirect_dma source(%dma_start3A_69 : memref<10240x128xf32, #tpu.memory_space<hbm>>) target(%arg15 : memref<128x128xf32, #tpu.memory_space<vmem>>) offsets(%arg9 : memref<128xi32, #tpu.memory_space<vmem>>) semaphore(%arg26 : memref<!tpu.dma_semaphore, #tpu.memory_space<semaphore_mem>>)
    %dma_wait3A_70 = arith.constant 0 : i32
    %dma_wait3A_71 = arith.constant 0 : i32
    %dma_wait3A_72 = tpu.memref_slice %arg2[%dma_wait3A_70, %dma_wait3A_71] : memref<10240x128xf32, #tpu.memory_space<hbm>> -> memref<10240x128xf32, #tpu.memory_space<hbm>>
    tpu.wait_indirect_dma semaphore(%arg27 : memref<!tpu.dma_semaphore, #tpu.memory_space<semaphore_mem>>) src(%dma_wait3A_72 : memref<10240x128xf32, #tpu.memory_space<hbm>>) dst(%arg16 : memref<128x128xf32, #tpu.memory_space<vmem>>)
    %dma_wait3A_73 = arith.constant 9856 : i32
    %dma_wait3A_74 = tpu.memref_slice %arg4[%dma_wait3A_73] : memref<327680xi32, #tpu.memory_space<hbm>> -> memref<128xi32, #tpu.memory_space<hbm>>
    %dma_wait3A_75 = arith.constant 9856 : i32
    %dma_wait3A_76 = tpu.memref_slice %arg4[%dma_wait3A_75] : memref<327680xi32, #tpu.memory_space<hbm>> -> memref<128xi32, #tpu.memory_space<hbm>>
    tpu.wait_dma2 semaphore(%arg23 : memref<!tpu.dma_semaphore, #tpu.memory_space<semaphore_mem>>) src(%dma_wait3A_76 : memref<128xi32, #tpu.memory_space<hbm>>) dst(%arg12 : memref<128xi32, #tpu.memory_space<vmem>>)
    "tpu.region"() ({
      %run_scoped3A = tpu.sem_alloc : memref<!tpu.dma_semaphore, #tpu.memory_space<semaphore_mem>>
      %dma_start3A_106 = arith.constant 0 : i32
      %dma_start3A_107 = arith.constant 0 : i32
      %dma_start3A_108 = tpu.memref_slice %arg17[%dma_start3A_106, %dma_start3A_107] : memref<10240x128xf32, #tpu.memory_space<vmem_shared>> -> memref<10240x128xf32, #tpu.memory_space<vmem_shared>>
      tpu.enqueue_indirect_dma source(%arg16 : memref<128x128xf32, #tpu.memory_space<vmem>>) target(%dma_start3A_108 : memref<10240x128xf32, #tpu.memory_space<vmem_shared>>) offsets(%arg12 : memref<128xi32, #tpu.memory_space<vmem>>) semaphore(%run_scoped3A : memref<!tpu.dma_semaphore, #tpu.memory_space<semaphore_mem>>) {add = true}
      %dma_wait3A_109 = arith.constant 0 : i32
      %dma_wait3A_110 = arith.constant 0 : i32
      %dma_wait3A_111 = tpu.memref_slice %arg17[%dma_wait3A_109, %dma_wait3A_110] : memref<10240x128xf32, #tpu.memory_space<vmem_shared>> -> memref<10240x128xf32, #tpu.memory_space<vmem_shared>>
      tpu.wait_indirect_dma semaphore(%run_scoped3A : memref<!tpu.dma_semaphore, #tpu.memory_space<semaphore_mem>>) src(%arg16 : memref<128x128xf32, #tpu.memory_space<vmem>>) dst(%dma_wait3A_111 : memref<10240x128xf32, #tpu.memory_space<vmem_shared>>)
      tpu.yield
    }) : () -> ()
    %dma_wait3A_77 = arith.constant 10112 : i32
    %dma_wait3A_78 = tpu.memref_slice %arg3[%dma_wait3A_77] : memref<327680xi32, #tpu.memory_space<hbm>> -> memref<128xi32, #tpu.memory_space<hbm>>
    %dma_wait3A_79 = arith.constant 10112 : i32
    %dma_wait3A_80 = tpu.memref_slice %arg3[%dma_wait3A_79] : memref<327680xi32, #tpu.memory_space<hbm>> -> memref<128xi32, #tpu.memory_space<hbm>>
    tpu.wait_dma2 semaphore(%arg21 : memref<!tpu.dma_semaphore, #tpu.memory_space<semaphore_mem>>) src(%dma_wait3A_80 : memref<128xi32, #tpu.memory_space<hbm>>) dst(%arg10 : memref<128xi32, #tpu.memory_space<vmem>>)
    %dma_start3A_81 = arith.constant 0 : i32
    %dma_start3A_82 = arith.constant 0 : i32
    %dma_start3A_83 = tpu.memref_slice %arg2[%dma_start3A_81, %dma_start3A_82] : memref<10240x128xf32, #tpu.memory_space<hbm>> -> memref<10240x128xf32, #tpu.memory_space<hbm>>
    tpu.enqueue_indirect_dma source(%dma_start3A_83 : memref<10240x128xf32, #tpu.memory_space<hbm>>) target(%arg16 : memref<128x128xf32, #tpu.memory_space<vmem>>) offsets(%arg10 : memref<128xi32, #tpu.memory_space<vmem>>) semaphore(%arg27 : memref<!tpu.dma_semaphore, #tpu.memory_space<semaphore_mem>>)
    %dma_wait3A_84 = arith.constant 0 : i32
    %dma_wait3A_85 = arith.constant 0 : i32
    %dma_wait3A_86 = tpu.memref_slice %arg2[%dma_wait3A_84, %dma_wait3A_85] : memref<10240x128xf32, #tpu.memory_space<hbm>> -> memref<10240x128xf32, #tpu.memory_space<hbm>>
    tpu.wait_indirect_dma semaphore(%arg26 : memref<!tpu.dma_semaphore, #tpu.memory_space<semaphore_mem>>) src(%dma_wait3A_86 : memref<10240x128xf32, #tpu.memory_space<hbm>>) dst(%arg15 : memref<128x128xf32, #tpu.memory_space<vmem>>)
    %dma_wait3A_87 = arith.constant 9984 : i32
    %dma_wait3A_88 = tpu.memref_slice %arg4[%dma_wait3A_87] : memref<327680xi32, #tpu.memory_space<hbm>> -> memref<128xi32, #tpu.memory_space<hbm>>
    %dma_wait3A_89 = arith.constant 9984 : i32
    %dma_wait3A_90 = tpu.memref_slice %arg4[%dma_wait3A_89] : memref<327680xi32, #tpu.memory_space<hbm>> -> memref<128xi32, #tpu.memory_space<hbm>>
    tpu.wait_dma2 semaphore(%arg24 : memref<!tpu.dma_semaphore, #tpu.memory_space<semaphore_mem>>) src(%dma_wait3A_90 : memref<128xi32, #tpu.memory_space<hbm>>) dst(%arg13 : memref<128xi32, #tpu.memory_space<vmem>>)
    "tpu.region"() ({
      %run_scoped3A = tpu.sem_alloc : memref<!tpu.dma_semaphore, #tpu.memory_space<semaphore_mem>>
      %dma_start3A_106 = arith.constant 0 : i32
      %dma_start3A_107 = arith.constant 0 : i32
      %dma_start3A_108 = tpu.memref_slice %arg17[%dma_start3A_106, %dma_start3A_107] : memref<10240x128xf32, #tpu.memory_space<vmem_shared>> -> memref<10240x128xf32, #tpu.memory_space<vmem_shared>>
      tpu.enqueue_indirect_dma source(%arg15 : memref<128x128xf32, #tpu.memory_space<vmem>>) target(%dma_start3A_108 : memref<10240x128xf32, #tpu.memory_space<vmem_shared>>) offsets(%arg13 : memref<128xi32, #tpu.memory_space<vmem>>) semaphore(%run_scoped3A : memref<!tpu.dma_semaphore, #tpu.memory_space<semaphore_mem>>) {add = true}
      %dma_wait3A_109 = arith.constant 0 : i32
      %dma_wait3A_110 = arith.constant 0 : i32
      %dma_wait3A_111 = tpu.memref_slice %arg17[%dma_wait3A_109, %dma_wait3A_110] : memref<10240x128xf32, #tpu.memory_space<vmem_shared>> -> memref<10240x128xf32, #tpu.memory_space<vmem_shared>>
      tpu.wait_indirect_dma semaphore(%run_scoped3A : memref<!tpu.dma_semaphore, #tpu.memory_space<semaphore_mem>>) src(%arg15 : memref<128x128xf32, #tpu.memory_space<vmem>>) dst(%dma_wait3A_111 : memref<10240x128xf32, #tpu.memory_space<vmem_shared>>)
      tpu.yield
    }) : () -> ()
    %dma_wait3A_91 = arith.constant 0 : i32
    %dma_wait3A_92 = arith.constant 0 : i32
    %dma_wait3A_93 = tpu.memref_slice %arg2[%dma_wait3A_91, %dma_wait3A_92] : memref<10240x128xf32, #tpu.memory_space<hbm>> -> memref<10240x128xf32, #tpu.memory_space<hbm>>
    tpu.wait_indirect_dma semaphore(%arg27 : memref<!tpu.dma_semaphore, #tpu.memory_space<semaphore_mem>>) src(%dma_wait3A_93 : memref<10240x128xf32, #tpu.memory_space<hbm>>) dst(%arg16 : memref<128x128xf32, #tpu.memory_space<vmem>>)
    %dma_wait3A_94 = arith.constant 10112 : i32
    %dma_wait3A_95 = tpu.memref_slice %arg4[%dma_wait3A_94] : memref<327680xi32, #tpu.memory_space<hbm>> -> memref<128xi32, #tpu.memory_space<hbm>>
    %dma_wait3A_96 = arith.constant 10112 : i32
    %dma_wait3A_97 = tpu.memref_slice %arg4[%dma_wait3A_96] : memref<327680xi32, #tpu.memory_space<hbm>> -> memref<128xi32, #tpu.memory_space<hbm>>
    tpu.wait_dma2 semaphore(%arg25 : memref<!tpu.dma_semaphore, #tpu.memory_space<semaphore_mem>>) src(%dma_wait3A_97 : memref<128xi32, #tpu.memory_space<hbm>>) dst(%arg14 : memref<128xi32, #tpu.memory_space<vmem>>)
    "tpu.region"() ({
      %run_scoped3A = tpu.sem_alloc : memref<!tpu.dma_semaphore, #tpu.memory_space<semaphore_mem>>
      %dma_start3A_106 = arith.constant 0 : i32
      %dma_start3A_107 = arith.constant 0 : i32
      %dma_start3A_108 = tpu.memref_slice %arg17[%dma_start3A_106, %dma_start3A_107] : memref<10240x128xf32, #tpu.memory_space<vmem_shared>> -> memref<10240x128xf32, #tpu.memory_space<vmem_shared>>
      tpu.enqueue_indirect_dma source(%arg16 : memref<128x128xf32, #tpu.memory_space<vmem>>) target(%dma_start3A_108 : memref<10240x128xf32, #tpu.memory_space<vmem_shared>>) offsets(%arg14 : memref<128xi32, #tpu.memory_space<vmem>>) semaphore(%run_scoped3A : memref<!tpu.dma_semaphore, #tpu.memory_space<semaphore_mem>>) {add = true}
      %dma_wait3A_109 = arith.constant 0 : i32
      %dma_wait3A_110 = arith.constant 0 : i32
      %dma_wait3A_111 = tpu.memref_slice %arg17[%dma_wait3A_109, %dma_wait3A_110] : memref<10240x128xf32, #tpu.memory_space<vmem_shared>> -> memref<10240x128xf32, #tpu.memory_space<vmem_shared>>
      tpu.wait_indirect_dma semaphore(%run_scoped3A : memref<!tpu.dma_semaphore, #tpu.memory_space<semaphore_mem>>) src(%arg16 : memref<128x128xf32, #tpu.memory_space<vmem>>) dst(%dma_wait3A_111 : memref<10240x128xf32, #tpu.memory_space<vmem_shared>>)
      tpu.yield
    }) : () -> ()
    %barrier3A_98 = arith.constant 0 : index
    tpu.barrier barrier_id(%barrier3A_98)
    %mul3A_99 = arith.constant 640 : i32
    %mul3A_100 = arith.muli %arg1, %mul3A_99 : i32
    %mul3A_101 = arith.constant 10240 : i32
    %mul3A_102 = arith.muli %arg0, %mul3A_101 : i32
    %mul3A_103 = arith.constant 640 : i32
    %mul3A_104 = arith.muli %arg1, %mul3A_103 : i32
    %add3A_105 = arith.addi %mul3A_102, %mul3A_104 : i32
    "tpu.region"() ({
      %run_scoped3A = tpu.sem_alloc : memref<!tpu.dma_semaphore, #tpu.memory_space<semaphore_mem>>
      %dma_start3A_106 = arith.constant 0 : i32
      %dma_start3A_107 = tpu.memref_slice %arg6[%add3A_105, %dma_start3A_106] : memref<20480x128xf32, #tpu.memory_space<hbm>> -> memref<640x128xf32, #tpu.memory_space<hbm>>
      %dma_start3A_108 = arith.constant 0 : i32
      %dma_start3A_109 = tpu.memref_slice %arg17[%mul3A_100, %dma_start3A_108] : memref<10240x128xf32, #tpu.memory_space<vmem_shared>> -> memref<640x128xf32, #tpu.memory_space<vmem_shared>>
      tpu.enqueue_dma source(%dma_start3A_109 : memref<640x128xf32, #tpu.memory_space<vmem_shared>>) target(%dma_start3A_107 : memref<640x128xf32, #tpu.memory_space<hbm>>) target_semaphore(%run_scoped3A : memref<!tpu.dma_semaphore, #tpu.memory_space<semaphore_mem>>)
      %dma_wait3A_110 = arith.constant 0 : i32
      %dma_wait3A_111 = tpu.memref_slice %arg6[%add3A_105, %dma_wait3A_110] : memref<20480x128xf32, #tpu.memory_space<hbm>> -> memref<640x128xf32, #tpu.memory_space<hbm>>
      %dma_wait3A_112 = arith.constant 0 : i32
      %dma_wait3A_113 = tpu.memref_slice %arg17[%mul3A_100, %dma_wait3A_112] : memref<10240x128xf32, #tpu.memory_space<vmem_shared>> -> memref<640x128xf32, #tpu.memory_space<vmem_shared>>
      tpu.wait_dma2 semaphore(%run_scoped3A : memref<!tpu.dma_semaphore, #tpu.memory_space<semaphore_mem>>) src(%dma_wait3A_113 : memref<640x128xf32, #tpu.memory_space<vmem_shared>>) dst(%dma_wait3A_111 : memref<640x128xf32, #tpu.memory_space<hbm>>)
      tpu.yield
    }) : () -> ()
    return
  }
}

module attributes {stable_mosaic.version = 14 : i64} {
  func.func @_tc_xform_body(%arg0: i32, %arg1: memref<128x128xf32, #tpu.memory_space<vmem>>, %arg2: memref<128x128xf32, #tpu.memory_space<vmem>>, %arg3: memref<128x128xf32, #tpu.memory_space<vmem>>, %arg4: memref<1x128xf32, #tpu.memory_space<vmem>>, %arg5: memref<1x128xf32, #tpu.memory_space<vmem>>, %arg6: memref<128x1xf32, #tpu.memory_space<vmem>>, %arg7: memref<128x128xf32, #tpu.memory_space<vmem>>, %arg8: memref<128x128xf32, #tpu.memory_space<vmem>>) attributes {dimension_semantics = [#tpu.dimension_semantics<arbitrary>], iteration_bounds = array<i64: 80>, scalar_prefetch = 0 : i64, scratch_operands = 0 : i64, tpu.core_type = #tpu.core_type<tc>, window_params = [{transform_indices = @transform_0, window_bounds = array<i64: 128, 128>}, {pipeline_mode = #tpu.pipeline_mode<synchronous>, transform_indices = @transform_1, window_bounds = array<i64: 128, 128>}, {pipeline_mode = #tpu.pipeline_mode<synchronous>, transform_indices = @transform_2, window_bounds = array<i64: 128, 128>}, {pipeline_mode = #tpu.pipeline_mode<synchronous>, transform_indices = @transform_3, window_bounds = array<i64: 1, 128>}, {pipeline_mode = #tpu.pipeline_mode<synchronous>, transform_indices = @transform_4, window_bounds = array<i64: 1, 128>}, {transform_indices = @transform_5, window_bounds = array<i64: 128, 1>}, {transform_indices = @transform_6, window_bounds = array<i64: 128, 128>}, {transform_indices = @transform_7, window_bounds = array<i64: 128, 128>}]} {
    %get3A = arith.constant 0 : index
    %get3A_0 = arith.constant 0 : index
    %get3A_1 = vector.load %arg1[%get3A, %get3A_0] : memref<128x128xf32, #tpu.memory_space<vmem>>, vector<128x128xf32>
    %get3A_2 = arith.constant 0 : index
    %get3A_3 = arith.constant 0 : index
    %get3A_4 = vector.load %arg2[%get3A_2, %get3A_3] : memref<128x128xf32, #tpu.memory_space<vmem>>, vector<128x128xf32>
    %dot_general3A = arith.constant dense<0.000000e+00> : vector<128x128xf32>
    %dot_general3A_5 = tpu.matmul %get3A_1, %get3A_4, %dot_general3A {dimension_numbers = #tpu.dot_dimension_numbers<[1], [0], [0], [1], [0, 0, 1, 1], [], []>, transpose_lhs_hint = false} : vector<128x128xf32>, vector<128x128xf32>, vector<128x128xf32> -> vector<128x128xf32>
    %get3A_6 = arith.constant 0 : index
    %get3A_7 = arith.constant 0 : index
    %get3A_8 = vector.load %arg3[%get3A_6, %get3A_7] : memref<128x128xf32, #tpu.memory_space<vmem>>, vector<128x128xf32>
    %dot_general3A_9 = arith.constant dense<0.000000e+00> : vector<128x128xf32>
    %dot_general3A_10 = tpu.matmul %get3A_1, %get3A_8, %dot_general3A_9 {dimension_numbers = #tpu.dot_dimension_numbers<[1], [0], [0], [1], [0, 0, 1, 1], [], []>, transpose_lhs_hint = false} : vector<128x128xf32>, vector<128x128xf32>, vector<128x128xf32> -> vector<128x128xf32>
    %mul3A = arith.constant 128 : i32
    %mul3A_11 = arith.muli %arg0, %mul3A : i32
    %iota3A = tpu.iota {dimensions = array<i32: 0>} : vector<128x1xi32>
    %add3A = vector.broadcast %mul3A_11 : i32 to vector<128x1xi32>
    %add3A_12 = arith.addi %add3A, %iota3A : vector<128x1xi32>
    %lt3A = arith.constant 5000 : i32
    %lt3A_13 = vector.broadcast %lt3A : i32 to vector<128x1xi32>
    %lt3A_14 = arith.cmpi slt, %add3A_12, %lt3A_13 : vector<128x1xi32>
    %get3A_15 = arith.constant 0 : index
    %get3A_16 = arith.constant 0 : index
    %get3A_17 = vector.load %arg4[%get3A_15, %get3A_16] : memref<1x128xf32, #tpu.memory_space<vmem>>, vector<1x128xf32>
    %add3A_18 = vector.broadcast %get3A_17 : vector<1x128xf32> to vector<128x128xf32>
    %add3A_19 = arith.addf %dot_general3A_5, %add3A_18 : vector<128x128xf32>
    %get3A_20 = arith.constant 0 : index
    %get3A_21 = arith.constant 0 : index
    %get3A_22 = vector.load %arg5[%get3A_20, %get3A_21] : memref<1x128xf32, #tpu.memory_space<vmem>>, vector<1x128xf32>
    %add3A_23 = vector.broadcast %get3A_22 : vector<1x128xf32> to vector<128x128xf32>
    %add3A_24 = arith.addf %dot_general3A_10, %add3A_23 : vector<128x128xf32>
    %broadcast_in_dim3A = vector.shape_cast %lt3A_14 : vector<128x1xi1> to vector<128x1xi1>
    %broadcast_in_dim3A_25 = vector.broadcast %broadcast_in_dim3A : vector<128x1xi1> to vector<128x128xi1>
    %select_n3A = arith.select %broadcast_in_dim3A_25, %add3A_19, %add3A_24 : vector<128x128xi1>, vector<128x128xf32>
    %max3A = arith.constant 0.000000e+00 : f32
    %max3A_26 = vector.broadcast %max3A : f32 to vector<128x128xf32>
    %max3A_27 = arith.maximumf %select_n3A, %max3A_26 : vector<128x128xf32>
    %swap3A = arith.constant 0 : index
    %swap3A_28 = arith.constant 0 : index
    %swap3A_29 = vector.load %arg7[%swap3A, %swap3A_28] : memref<128x128xf32, #tpu.memory_space<vmem>>, vector<128x128xf32>
    tpu.vector_store %arg7[%swap3A, %swap3A_28], %max3A_27 {strides = array<i32>} : memref<128x128xf32, #tpu.memory_space<vmem>>, vector<128x128xf32>,
    %get3A_30 = arith.constant 0 : index
    %get3A_31 = arith.constant 0 : index
    %get3A_32 = vector.load %arg6[%get3A_30, %get3A_31] : memref<128x1xf32, #tpu.memory_space<vmem>>, vector<128x1xf32>
    %mul3A_33 = vector.broadcast %get3A_32 : vector<128x1xf32> to vector<128x128xf32>
    %mul3A_34 = arith.mulf %max3A_27, %mul3A_33 : vector<128x128xf32>
    %swap3A_35 = arith.constant 0 : index
    %swap3A_36 = arith.constant 0 : index
    %swap3A_37 = vector.load %arg8[%swap3A_35, %swap3A_36] : memref<128x128xf32, #tpu.memory_space<vmem>>, vector<128x128xf32>
    tpu.vector_store %arg8[%swap3A_35, %swap3A_36], %mul3A_34 {strides = array<i32>} : memref<128x128xf32, #tpu.memory_space<vmem>>, vector<128x128xf32>,
    return
  }
  func.func @transform_0(%arg0: i32) -> (i32, i32) {
    %c0_i32 = arith.constant 0 : i32
    %c0_i32_0 = arith.constant 0 : i32
    return %arg0, %c0_i32 : i32, i32
  }
  func.func @transform_1(%arg0: i32) -> (i32, i32) {
    %c0_i32 = arith.constant 0 : i32
    %c0_i32_0 = arith.constant 0 : i32
    %c0_i32_1 = arith.constant 0 : i32
    return %c0_i32, %c0_i32_0 : i32, i32
  }
  func.func @transform_2(%arg0: i32) -> (i32, i32) {
    %c0_i32 = arith.constant 0 : i32
    %c0_i32_0 = arith.constant 0 : i32
    %c0_i32_1 = arith.constant 0 : i32
    return %c0_i32, %c0_i32_0 : i32, i32
  }
  func.func @transform_3(%arg0: i32) -> (i32, i32) {
    %c0_i32 = arith.constant 0 : i32
    %c0_i32_0 = arith.constant 0 : i32
    %c0_i32_1 = arith.constant 0 : i32
    return %c0_i32, %c0_i32_0 : i32, i32
  }
  func.func @transform_4(%arg0: i32) -> (i32, i32) {
    %c0_i32 = arith.constant 0 : i32
    %c0_i32_0 = arith.constant 0 : i32
    %c0_i32_1 = arith.constant 0 : i32
    return %c0_i32, %c0_i32_0 : i32, i32
  }
  func.func @transform_5(%arg0: i32) -> (i32, i32) {
    %c0_i32 = arith.constant 0 : i32
    %c0_i32_0 = arith.constant 0 : i32
    return %arg0, %c0_i32 : i32, i32
  }
  func.func @transform_6(%arg0: i32) -> (i32, i32) {
    %c0_i32 = arith.constant 0 : i32
    %c0_i32_0 = arith.constant 0 : i32
    return %arg0, %c0_i32 : i32, i32
  }
  func.func @transform_7(%arg0: i32) -> (i32, i32) {
    %c0_i32 = arith.constant 0 : i32
    %c0_i32_0 = arith.constant 0 : i32
    return %arg0, %c0_i32 : i32, i32
  }
}

module attributes {stable_mosaic.version = 14 : i64} {
  func.func @_tc_mid_body(%arg0: i32, %arg1: memref<1x1280x128xf32, #tpu.memory_space<vmem>>, %arg2: memref<1x1280x128xf32, #tpu.memory_space<vmem>>, %arg3: memref<1280x1xf32, #tpu.memory_space<vmem>>, %arg4: memref<1280x1xf32, #tpu.memory_space<vmem>>, %arg5: memref<1280x128xf32, #tpu.memory_space<vmem>>, %arg6: memref<1280x128xf32, #tpu.memory_space<vmem>>) attributes {dimension_semantics = [#tpu.dimension_semantics<arbitrary>], iteration_bounds = array<i64: 8>, scalar_prefetch = 0 : i64, scratch_operands = 0 : i64, tpu.core_type = #tpu.core_type<tc>, window_params = [{transform_indices = @transform_0, window_bounds = array<i64: 1, 1280, 128>}, {transform_indices = @transform_1, window_bounds = array<i64: 1, 1280, 128>}, {transform_indices = @transform_2, window_bounds = array<i64: 1280, 1>}, {transform_indices = @transform_3, window_bounds = array<i64: 1280, 1>}, {transform_indices = @transform_4, window_bounds = array<i64: 1280, 128>}, {transform_indices = @transform_5, window_bounds = array<i64: 1280, 128>}]} {
    %get3A = arith.constant 0 : index
    %get3A_0 = arith.constant 0 : index
    %get3A_1 = arith.constant 0 : index
    %get3A_2 = vector.load %arg1[%get3A, %get3A_0, %get3A_1] : memref<1x1280x128xf32, #tpu.memory_space<vmem>>, vector<1x1280x128xf32>
    %get3A_3 = vector.shape_cast %get3A_2 : vector<1x1280x128xf32> to vector<1280x128xf32>
    %get3A_4 = arith.constant 0 : index
    %get3A_5 = arith.constant 0 : index
    %get3A_6 = arith.constant 0 : index
    %get3A_7 = vector.load %arg2[%get3A_4, %get3A_5, %get3A_6] : memref<1x1280x128xf32, #tpu.memory_space<vmem>>, vector<1x1280x128xf32>
    %get3A_8 = vector.shape_cast %get3A_7 : vector<1x1280x128xf32> to vector<1280x128xf32>
    %add3A = arith.addf %get3A_3, %get3A_8 : vector<1280x128xf32>
    %get3A_9 = arith.constant 0 : index
    %get3A_10 = arith.constant 0 : index
    %get3A_11 = vector.load %arg3[%get3A_9, %get3A_10] : memref<1280x1xf32, #tpu.memory_space<vmem>>, vector<1280x1xf32>
    %mul3A = vector.broadcast %get3A_11 : vector<1280x1xf32> to vector<1280x128xf32>
    %mul3A_12 = arith.mulf %add3A, %mul3A : vector<1280x128xf32>
    %swap3A = arith.constant 0 : index
    %swap3A_13 = arith.constant 0 : index
    %swap3A_14 = vector.load %arg5[%swap3A, %swap3A_13] : memref<1280x128xf32, #tpu.memory_space<vmem>>, vector<1280x128xf32>
    tpu.vector_store %arg5[%swap3A, %swap3A_13], %mul3A_12 {strides = array<i32>} : memref<1280x128xf32, #tpu.memory_space<vmem>>, vector<1280x128xf32>,
    %get3A_15 = arith.constant 0 : index
    %get3A_16 = arith.constant 0 : index
    %get3A_17 = vector.load %arg4[%get3A_15, %get3A_16] : memref<1280x1xf32, #tpu.memory_space<vmem>>, vector<1280x1xf32>
    %mul3A_18 = vector.broadcast %get3A_17 : vector<1280x1xf32> to vector<1280x128xf32>
    %mul3A_19 = arith.mulf %mul3A_12, %mul3A_18 : vector<1280x128xf32>
    %swap3A_20 = arith.constant 0 : index
    %swap3A_21 = arith.constant 0 : index
    %swap3A_22 = vector.load %arg6[%swap3A_20, %swap3A_21] : memref<1280x128xf32, #tpu.memory_space<vmem>>, vector<1280x128xf32>
    tpu.vector_store %arg6[%swap3A_20, %swap3A_21], %mul3A_19 {strides = array<i32>} : memref<1280x128xf32, #tpu.memory_space<vmem>>, vector<1280x128xf32>,
    return
  }
  func.func @transform_0(%arg0: i32) -> (i32, i32, i32) {
    %c0_i32 = arith.constant 0 : i32
    %c0_i32_0 = arith.constant 0 : i32
    %c0_i32_1 = arith.constant 0 : i32
    return %c0_i32, %arg0, %c0_i32_0 : i32, i32, i32
  }
  func.func @transform_1(%arg0: i32) -> (i32, i32, i32) {
    %c1_i32 = arith.constant 1 : i32
    %c0_i32 = arith.constant 0 : i32
    %c0_i32_0 = arith.constant 0 : i32
    return %c1_i32, %arg0, %c0_i32 : i32, i32, i32
  }
  func.func @transform_2(%arg0: i32) -> (i32, i32) {
    %c0_i32 = arith.constant 0 : i32
    %c0_i32_0 = arith.constant 0 : i32
    return %arg0, %c0_i32 : i32, i32
  }
  func.func @transform_3(%arg0: i32) -> (i32, i32) {
    %c0_i32 = arith.constant 0 : i32
    %c0_i32_0 = arith.constant 0 : i32
    return %arg0, %c0_i32 : i32, i32
  }
  func.func @transform_4(%arg0: i32) -> (i32, i32) {
    %c0_i32 = arith.constant 0 : i32
    %c0_i32_0 = arith.constant 0 : i32
    return %arg0, %c0_i32 : i32, i32
  }
  func.func @transform_5(%arg0: i32) -> (i32, i32) {
    %c0_i32 = arith.constant 0 : i32
    %c0_i32_0 = arith.constant 0 : i32
    return %arg0, %c0_i32 : i32, i32
  }
}

module attributes {stable_mosaic.version = 14 : i64} {
  func.func @_tc_out_user_body(%arg0: i32, %arg1: memref<5000x128xf32, #tpu.memory_space<vmem>>, %arg2: memref<5000x128xf32, #tpu.memory_space<vmem>>, %arg3: memref<1x5000x128xf32, #tpu.memory_space<vmem>>, %arg4: memref<1x5000x128xf32, #tpu.memory_space<vmem>>, %arg5: memref<5000x1xf32, #tpu.memory_space<vmem>>, %arg6: memref<5000x128xf32, #tpu.memory_space<vmem>>) attributes {dimension_semantics = [#tpu.dimension_semantics<arbitrary>], iteration_bounds = array<i64: 1>, scalar_prefetch = 0 : i64, scratch_operands = 0 : i64, tpu.core_type = #tpu.core_type<tc>, window_params = [{transform_indices = @transform_0, window_bounds = array<i64: 5000, 128>}, {transform_indices = @transform_1, window_bounds = array<i64: 5000, 128>}, {transform_indices = @transform_2, window_bounds = array<i64: 1, 5000, 128>}, {transform_indices = @transform_3, window_bounds = array<i64: 1, 5000, 128>}, {transform_indices = @transform_4, window_bounds = array<i64: 5000, 1>}, {pipeline_mode = #tpu.pipeline_mode<synchronous>, transform_indices = @transform_5, window_bounds = array<i64: 5000, 128>}]} {
    %get3A = arith.constant 0 : index
    %get3A_0 = arith.constant 0 : index
    %get3A_1 = arith.constant 0 : index
    %get3A_2 = vector.load %arg3[%get3A, %get3A_0, %get3A_1] : memref<1x5000x128xf32, #tpu.memory_space<vmem>>, vector<1x5000x128xf32>
    %get3A_3 = vector.shape_cast %get3A_2 : vector<1x5000x128xf32> to vector<5000x128xf32>
    %get3A_4 = arith.constant 0 : index
    %get3A_5 = arith.constant 0 : index
    %get3A_6 = arith.constant 0 : index
    %get3A_7 = vector.load %arg4[%get3A_4, %get3A_5, %get3A_6] : memref<1x5000x128xf32, #tpu.memory_space<vmem>>, vector<1x5000x128xf32>
    %get3A_8 = vector.shape_cast %get3A_7 : vector<1x5000x128xf32> to vector<5000x128xf32>
    %add3A = arith.addf %get3A_3, %get3A_8 : vector<5000x128xf32>
    %get3A_9 = arith.constant 0 : index
    %get3A_10 = arith.constant 0 : index
    %get3A_11 = vector.load %arg5[%get3A_9, %get3A_10] : memref<5000x1xf32, #tpu.memory_space<vmem>>, vector<5000x1xf32>
    %mul3A = vector.broadcast %get3A_11 : vector<5000x1xf32> to vector<5000x128xf32>
    %mul3A_12 = arith.mulf %add3A, %mul3A : vector<5000x128xf32>
    %get3A_13 = arith.constant 0 : index
    %get3A_14 = arith.constant 0 : index
    %get3A_15 = vector.load %arg1[%get3A_13, %get3A_14] : memref<5000x128xf32, #tpu.memory_space<vmem>>, vector<5000x128xf32>
    %get3A_16 = arith.constant 0 : index
    %get3A_17 = arith.constant 0 : index
    %get3A_18 = vector.load %arg2[%get3A_16, %get3A_17] : memref<5000x128xf32, #tpu.memory_space<vmem>>, vector<5000x128xf32>
    %mul3A_19 = arith.constant 5.000000e-01 : f32
    %mul3A_20 = vector.broadcast %mul3A_19 : f32 to vector<5000x128xf32>
    %mul3A_21 = arith.mulf %get3A_18, %mul3A_20 : vector<5000x128xf32>
    %add3A_22 = arith.addf %get3A_15, %mul3A_21 : vector<5000x128xf32>
    %mul3A_23 = arith.constant 0.333333343 : f32
    %mul3A_24 = vector.broadcast %mul3A_23 : f32 to vector<5000x128xf32>
    %mul3A_25 = arith.mulf %mul3A_12, %mul3A_24 : vector<5000x128xf32>
    %add3A_26 = arith.addf %add3A_22, %mul3A_25 : vector<5000x128xf32>
    %swap3A = arith.constant 0 : index
    %swap3A_27 = arith.constant 0 : index
    %swap3A_28 = vector.load %arg6[%swap3A, %swap3A_27] : memref<5000x128xf32, #tpu.memory_space<vmem>>, vector<5000x128xf32>
    tpu.vector_store %arg6[%swap3A, %swap3A_27], %add3A_26 {strides = array<i32>} : memref<5000x128xf32, #tpu.memory_space<vmem>>, vector<5000x128xf32>,
    return
  }
  func.func @transform_0(%arg0: i32) -> (i32, i32) {
    %c0_i32 = arith.constant 0 : i32
    %c0_i32_0 = arith.constant 0 : i32
    %c0_i32_1 = arith.constant 0 : i32
    return %c0_i32, %c0_i32_0 : i32, i32
  }
  func.func @transform_1(%arg0: i32) -> (i32, i32) {
    %c0_i32 = arith.constant 0 : i32
    %c0_i32_0 = arith.constant 0 : i32
    %c0_i32_1 = arith.constant 0 : i32
    return %c0_i32, %c0_i32_0 : i32, i32
  }
  func.func @transform_2(%arg0: i32) -> (i32, i32, i32) {
    %c0_i32 = arith.constant 0 : i32
    %c0_i32_0 = arith.constant 0 : i32
    %c0_i32_1 = arith.constant 0 : i32
    %c0_i32_2 = arith.constant 0 : i32
    return %c0_i32, %c0_i32_0, %c0_i32_1 : i32, i32, i32
  }
  func.func @transform_3(%arg0: i32) -> (i32, i32, i32) {
    %c1_i32 = arith.constant 1 : i32
    %c0_i32 = arith.constant 0 : i32
    %c0_i32_0 = arith.constant 0 : i32
    %c0_i32_1 = arith.constant 0 : i32
    return %c1_i32, %c0_i32, %c0_i32_0 : i32, i32, i32
  }
  func.func @transform_4(%arg0: i32) -> (i32, i32) {
    %c0_i32 = arith.constant 0 : i32
    %c0_i32_0 = arith.constant 0 : i32
    %c0_i32_1 = arith.constant 0 : i32
    return %c0_i32, %c0_i32_0 : i32, i32
  }
  func.func @transform_5(%arg0: i32) -> (i32, i32) {
    %c0_i32 = arith.constant 0 : i32
    %c0_i32_0 = arith.constant 0 : i32
    %c0_i32_1 = arith.constant 0 : i32
    return %c0_i32, %c0_i32_0 : i32, i32
  }
}

module attributes {stable_mosaic.version = 14 : i64} {
  func.func @_tc_out_item_body(%arg0: i32, %arg1: memref<5000x128xf32, #tpu.memory_space<vmem>>, %arg2: memref<5000x128xf32, #tpu.memory_space<vmem>>, %arg3: memref<1x5000x128xf32, #tpu.memory_space<vmem>>, %arg4: memref<1x5000x128xf32, #tpu.memory_space<vmem>>, %arg5: memref<5000x1xf32, #tpu.memory_space<vmem>>, %arg6: memref<5000x128xf32, #tpu.memory_space<vmem>>, %arg7: memref<5000x128xf32, #tpu.memory_space<vmem>>) attributes {dimension_semantics = [#tpu.dimension_semantics<arbitrary>], iteration_bounds = array<i64: 1>, scalar_prefetch = 0 : i64, scratch_operands = 0 : i64, tpu.core_type = #tpu.core_type<tc>, window_params = [{transform_indices = @transform_0, window_bounds = array<i64: 5000, 128>}, {transform_indices = @transform_1, window_bounds = array<i64: 5000, 128>}, {transform_indices = @transform_2, window_bounds = array<i64: 1, 5000, 128>}, {transform_indices = @transform_3, window_bounds = array<i64: 1, 5000, 128>}, {transform_indices = @transform_4, window_bounds = array<i64: 5000, 1>}, {pipeline_mode = #tpu.pipeline_mode<synchronous>, transform_indices = @transform_5, window_bounds = array<i64: 5000, 128>}, {pipeline_mode = #tpu.pipeline_mode<synchronous>, transform_indices = @transform_6, window_bounds = array<i64: 5000, 128>}]} {
    %get3A = arith.constant 0 : index
    %get3A_0 = arith.constant 0 : index
    %get3A_1 = arith.constant 0 : index
    %get3A_2 = vector.load %arg3[%get3A, %get3A_0, %get3A_1] : memref<1x5000x128xf32, #tpu.memory_space<vmem>>, vector<1x5000x128xf32>
    %get3A_3 = vector.shape_cast %get3A_2 : vector<1x5000x128xf32> to vector<5000x128xf32>
    %get3A_4 = arith.constant 0 : index
    %get3A_5 = arith.constant 0 : index
    %get3A_6 = arith.constant 0 : index
    %get3A_7 = vector.load %arg4[%get3A_4, %get3A_5, %get3A_6] : memref<1x5000x128xf32, #tpu.memory_space<vmem>>, vector<1x5000x128xf32>
    %get3A_8 = vector.shape_cast %get3A_7 : vector<1x5000x128xf32> to vector<5000x128xf32>
    %add3A = arith.addf %get3A_3, %get3A_8 : vector<5000x128xf32>
    %get3A_9 = arith.constant 0 : index
    %get3A_10 = arith.constant 0 : index
    %get3A_11 = vector.load %arg5[%get3A_9, %get3A_10] : memref<5000x1xf32, #tpu.memory_space<vmem>>, vector<5000x1xf32>
    %mul3A = vector.broadcast %get3A_11 : vector<5000x1xf32> to vector<5000x128xf32>
    %mul3A_12 = arith.mulf %add3A, %mul3A : vector<5000x128xf32>
    %get3A_13 = arith.constant 0 : index
    %get3A_14 = arith.constant 0 : index
    %get3A_15 = vector.load %arg1[%get3A_13, %get3A_14] : memref<5000x128xf32, #tpu.memory_space<vmem>>, vector<5000x128xf32>
    %get3A_16 = arith.constant 0 : index
    %get3A_17 = arith.constant 0 : index
    %get3A_18 = vector.load %arg2[%get3A_16, %get3A_17] : memref<5000x128xf32, #tpu.memory_space<vmem>>, vector<5000x128xf32>
    %mul3A_19 = arith.constant 5.000000e-01 : f32
    %mul3A_20 = vector.broadcast %mul3A_19 : f32 to vector<5000x128xf32>
    %mul3A_21 = arith.mulf %get3A_18, %mul3A_20 : vector<5000x128xf32>
    %add3A_22 = arith.addf %get3A_15, %mul3A_21 : vector<5000x128xf32>
    %mul3A_23 = arith.constant 0.333333343 : f32
    %mul3A_24 = vector.broadcast %mul3A_23 : f32 to vector<5000x128xf32>
    %mul3A_25 = arith.mulf %mul3A_12, %mul3A_24 : vector<5000x128xf32>
    %add3A_26 = arith.addf %add3A_22, %mul3A_25 : vector<5000x128xf32>
    %get3A_27 = arith.constant 0 : index
    %get3A_28 = arith.constant 0 : index
    %get3A_29 = vector.load %arg6[%get3A_27, %get3A_28] : memref<5000x128xf32, #tpu.memory_space<vmem>>, vector<5000x128xf32>
    %add3A_30 = arith.addf %add3A_26, %get3A_29 : vector<5000x128xf32>
    %swap3A = arith.constant 0 : index
    %swap3A_31 = arith.constant 0 : index
    %swap3A_32 = vector.load %arg7[%swap3A, %swap3A_31] : memref<5000x128xf32, #tpu.memory_space<vmem>>, vector<5000x128xf32>
    tpu.vector_store %arg7[%swap3A, %swap3A_31], %add3A_30 {strides = array<i32>} : memref<5000x128xf32, #tpu.memory_space<vmem>>, vector<5000x128xf32>,
    return
  }
  func.func @transform_0(%arg0: i32) -> (i32, i32) {
    %c1_i32 = arith.constant 1 : i32
    %c0_i32 = arith.constant 0 : i32
    %c0_i32_0 = arith.constant 0 : i32
    return %c1_i32, %c0_i32 : i32, i32
  }
  func.func @transform_1(%arg0: i32) -> (i32, i32) {
    %c1_i32 = arith.constant 1 : i32
    %c0_i32 = arith.constant 0 : i32
    %c0_i32_0 = arith.constant 0 : i32
    return %c1_i32, %c0_i32 : i32, i32
  }
  func.func @transform_2(%arg0: i32) -> (i32, i32, i32) {
    %c0_i32 = arith.constant 0 : i32
    %c1_i32 = arith.constant 1 : i32
    %c0_i32_0 = arith.constant 0 : i32
    %c0_i32_1 = arith.constant 0 : i32
    return %c0_i32, %c1_i32, %c0_i32_0 : i32, i32, i32
  }
  func.func @transform_3(%arg0: i32) -> (i32, i32, i32) {
    %c1_i32 = arith.constant 1 : i32
    %c1_i32_0 = arith.constant 1 : i32
    %c0_i32 = arith.constant 0 : i32
    %c0_i32_1 = arith.constant 0 : i32
    return %c1_i32, %c1_i32_0, %c0_i32 : i32, i32, i32
  }
  func.func @transform_4(%arg0: i32) -> (i32, i32) {
    %c1_i32 = arith.constant 1 : i32
    %c0_i32 = arith.constant 0 : i32
    %c0_i32_0 = arith.constant 0 : i32
    return %c1_i32, %c0_i32 : i32, i32
  }
  func.func @transform_5(%arg0: i32) -> (i32, i32) {
    %c0_i32 = arith.constant 0 : i32
    %c0_i32_0 = arith.constant 0 : i32
    %c0_i32_1 = arith.constant 0 : i32
    return %c0_i32, %c0_i32_0 : i32, i32
  }
  func.func @transform_6(%arg0: i32) -> (i32, i32) {
    %c0_i32 = arith.constant 0 : i32
    %c0_i32_0 = arith.constant 0 : i32
    %c0_i32_1 = arith.constant 0 : i32
    return %c0_i32, %c0_i32_0 : i32, i32
  }
}

</mosaic_0001>

<sc_bundles>
// kernel: kernel.11.cloned.1.call-start
scs
__scs_entry_jumppad:
0x0: {  	(pc) =	sbr.rel $0x88, $3  }
0x1: {  	(tag) =	ssettag $0x0;
	lr =	simm.s32 $0x1  }
0x2: {  	[smem:$0x3F99] =	sst lr;
	_ =	strace $0xD0000000  }
0x3: {  	_ = 	snop  }
0x4: {  	_ = 	snop  }
0x5: {  	_ = 	snop  }
0x6: {  	_ = 	snop  }
0x7: {  	_ = 	snop  }
__scs_overlays_trampoline_lowered:
0x8: {  	[smem:$0x3FA8] =	sst s0  }
0x9: {  	[smem:$0x3FA9] =	sst s1  }
0xa: {  	[smem:$0x3FAA] =	sst s2  }
0xb: {  	[smem:$0x3FAB] =	sst s3  }
0xc: {  	[smem:$0x3FAC] =	sst s4  }
0xd: {  	[smem:$0x3FAD] =	sst s5  }
0xe: {  	[smem:$0x3FAE] =	sst s6  }
0xf: {  	[smem:$0x3FAF] =	sst s7  }
0x10: {  	[smem:$0x3FB0] =	sst s8  }
0x11: {  	[smem:$0x3FB1] =	sst s9;
	s0 =	simm.s32 @!p0 $0x0  }
0x12: {  	s1 =	sld [smem:$0x3F97];
	s0 =	simm.s32 @p0 $0x1  }
0x13: {  	[smem:$0x3FB2] =	sst s0;
	s0 =	simm.s32 @!p1 $0x0  }
0x14: {  	s2 =	sld [smem:$0x3F96];
	s0 =	simm.s32 @p1 $0x1  }
0x15: {  	[smem:$0x3FB3] =	sst s0;
	s0 =	simm.s32 @!p2 $0x0  }
0x16: {  	s3 =	sld [smem:$0x3FDB];
	s0 =	simm.s32 @p2 $0x1  }
0x17: {  	s4 =	simm.s32 $0x1BF5;
	[smem:$0x3FB5] =	sst s0  }
0x18: {  	s0 =	sld [smem:$0x3F98];
	_ =	swait.ge [sflag:s4], $0x0  }
0x19: {  	s7 =	sld [smem:$0x3F99]  }
0x1a: {  	s8 =	sadd.s32 $0xFFFFE003, lr  }
0x1b: {  	s9 =	sadd.s32 $0xFFFFFEF7, lr;
	s5 =	simm.s32 $0xFFFFFFFF;
	p2 =	slt.u32 s8, $0xFFFFF086  }
0x1c: {  	p1 =	slt.u32 s9, $0xF7A;
	s5 =	simm.s32 @!p2 $0x0  }
0x1d: {  	s5 =	simm.s32 @p1 $0x1;
	p0 =	seq.s32 s7, s2  }
0x1e: {  	s7 =	smul.u32 @!p0 $0xF7A, s2;
	p2 =	seq.s32 @!p0 s5, $0x0  }
0x1f: {  	s9 =	smul.u32 $0xF7A, s1;
	s8 =	simm.s32 @!p0 $0x1BF5;
	p2 =	por !p2, p0  }
0x20: {  	[sflag:s8] =	ssyncset.s32 @!p0 $0xFFFFF086;
	s6 =	sadd.s32 @!p0 s3, s7;
	s7 =	simm.s32 @!p0 $0x108  }
0x21: {  	s3 =	sadd.s32 s3, s9;
	s6 =	sadd.s32 @!p0 $0x88, s6;
	s7 =	simm.s32 @p2 $0x1082  }
0x22: {  	[simem:s7], [sflag:s8] =	dma.local @!p0 [hbm:s6], $0xF7A  }
0x23: {  	s9 =	sor.u32 $0xD0000000, s2;
	s6 =	simm.s32 $0x108;
	_ =	swait.ge @!p0 [sflag:s8], $0x0  }
0x24: {  	s3 =	sadd.s32 $0x88, s3;
	s6 =	simm.s32 @!p1 $0x1082;
	[sflag:s4] =	ssyncset.s32 $0xFFFFF086  }
0x25: {  	[simem:s6], [sflag:s4] =	dma.local [hbm:s3], $0xF7A  }
0x26: {  	[smem:$0x3F99] =	sst s1;
	(tag) =	ssettag s2;
	_ =	strace s9  }
0x27: {  	s1 =	sld [smem:$0x3FA9]  }
0x28: {  	s2 =	sld [smem:$0x3FAA]  }
0x29: {  	s4 =	sld [smem:$0x3FAC]  }
0x2a: {  	p0 =	seq.s32 s5, $0x0;
	s5 =	sld [smem:$0x3FAD]  }
0x2b: {  	s6 =	sld [smem:$0x3FAE]  }
0x2c: {  	s7 =	sld [smem:$0x3FAF]  }
0x2d: {  	s3 =	simm.s32 $0x108;
	s8 =	sld [smem:$0x3FB0]  }
0x2e: {  	s3 =	simm.s32 @!p0 $0x1082;
	s9 =	sld [smem:$0x3FB1]  }
0x2f: {  	lr =	sadd.s32 s0, s3;
	s0 =	sld [smem:$0x3FA8]  }
0x30: {  	s3 =	sld [smem:$0x3FAB]  }
0x31: {  	[smem:$0x3FB4] =	sst s10  }
0x32: {  	s10 =	sld [smem:$0x3FB2];
	_ =	sdelay $0x3  }
0x33: {  	p0 =	seq.s32 s10, $0x1;
	s10 =	sld [smem:$0x3FB4];
	_ =	sdelay $0x3  }
0x34: {  	[smem:$0x3FB4] =	sst s10  }
0x35: {  	s10 =	sld [smem:$0x3FB3];
	_ =	sdelay $0x3  }
0x36: {  	p1 =	seq.s32 s10, $0x1;
	s10 =	sld [smem:$0x3FB4];
	_ =	sdelay $0x3  }
0x37: {  	[smem:$0x3FB4] =	sst s10  }
0x38: {  	s10 =	sld [smem:$0x3FB5]  }
0x39: {  	_ = 	snop;
	(pc) =	sbr.ind lr, $3  }
0x3a: {  	_ = 	snop  }
0x3b: {  	_ = 	snop  }
0x3c: {  	p2 =	seq.s32 s10, $0x1;
	s10 =	sld [smem:$0x3FB4]  }
0x3d: {  	_ =	shalt  }
0x3e: {  	_ =	shalt  }
0x3f: {  	_ =	shalt  }
0x40: {  	_ =	shalt  }
0x41: {  	_ =	shalt  }
0x42: {  	_ =	shalt  }
0x43: {  	_ =	shalt  }
0x44: {  	_ =	shalt  }
0x45: {  	_ =	shalt  }
0x46: {  	_ =	shalt  }
0x47: {  	_ =	shalt  }
0x48: {  	_ =	shalt  }
0x49: {  	_ =	shalt  }
0x4a: {  	_ =	shalt  }
0x4b: {  	_ =	shalt  }
0x4c: {  	_ =	shalt  }
0x4d: {  	_ =	shalt  }
0x4e: {  	_ =	shalt  }
0x4f: {  	_ =	shalt  }
0x50: {  	_ =	shalt  }
0x51: {  	_ =	shalt  }
0x52: {  	_ =	shalt  }
0x53: {  	_ =	shalt  }
0x54: {  	_ =	shalt  }
0x55: {  	_ =	shalt  }
0x56: {  	_ =	shalt  }
0x57: {  	_ =	shalt  }
0x58: {  	_ =	shalt  }
0x59: {  	_ =	shalt  }
0x5a: {  	_ =	shalt  }
0x5b: {  	_ =	shalt  }
0x5c: {  	_ =	shalt  }
0x5d: {  	_ =	shalt  }
0x5e: {  	_ =	shalt  }
0x5f: {  	_ =	shalt  }
0x60: {  	_ =	shalt  }
0x61: {  	_ =	shalt  }
0x62: {  	_ =	shalt  }
0x63: {  	_ =	shalt  }
0x64: {  	_ =	shalt  }
0x65: {  	_ =	shalt  }
0x66: {  	_ =	shalt  }
0x67: {  	_ =	shalt  }
0x68: {  	_ =	shalt  }
0x69: {  	_ =	shalt  }
0x6a: {  	_ =	shalt  }
0x6b: {  	_ =	shalt  }
0x6c: {  	_ =	shalt  }
0x6d: {  	_ =	shalt  }
0x6e: {  	_ =	shalt  }
0x6f: {  	_ =	shalt  }
0x70: {  	_ =	shalt  }
0x71: {  	_ =	shalt  }
0x72: {  	_ =	shalt  }
0x73: {  	_ =	shalt  }
0x74: {  	_ =	shalt  }
0x75: {  	_ =	shalt  }
0x76: {  	_ =	shalt  }
0x77: {  	_ =	shalt  }
0x78: {  	_ =	shalt  }
0x79: {  	_ =	shalt  }
0x7a: {  	_ =	shalt  }
0x7b: {  	_ =	shalt  }
0x7c: {  	_ =	shalt  }
0x7d: {  	_ =	shalt  }
0x7e: {  	_ =	shalt  }
0x7f: {  	_ =	shalt  }
0x80: {  	_ =	shalt  }
0x81: {  	_ =	shalt  }
0x82: {  	_ =	shalt  }
0x83: {  	_ =	shalt  }
0x84: {  	_ =	shalt  }
0x85: {  	_ =	shalt  }
0x86: {  	_ =	shalt  }
0x87: {  	_ =	shalt  }
.Lfunc_end0:
.L_simem_size_0:
called_computation.3_lowered:
.L_overlay_start_0:
0x88: {  	s2 =	sld [smem:$0x3FD9]  }
0x89: {  	s3 =	sld [smem:$0x3FFE];
	_ =	sdelay $0x1  }
0x8a: {  	s1 =	srdreg.scid  }
0x8b: {  	s0 =	sand.u32 $0x1, s1  }
0x8c: {  	s14 =	sshll.u32 s0, $0xA;
	s2 =	sadd.s32 s3, s2  }
0x8d: {  	s2 =	sadd.s32 s2, s14  }
0x8e: {  	[smem:$0x3FC0] =	sst s2  }
0x8f: {  	_ = 	snop  }
0x90: {  	s2 =	sld [smem:$0x3FD0];
	_ =	sdelay $0x2  }
0x91: {  	s15 =	simm.s32 $0xD;
	s4 =	simm.s32 $0x10  }
0x92: {  	[smem:s4], [sflag:s15] =	dma.local [hbm:s2], $0x1  }
0x93: {  	_ =	swait.eq [sflag:s15], $0x1  }
0x94: {  	[sflag:s15] =	ssyncset.done $0x0  }
0x95: {  	s16 =	sld [smem:$0x10];
	[sflag:s15] =	ssyncadd.s32 $0xFFFFFFFF  }
0x96: {  	s17 =	sld [smem:$0x11];
	(tm) =	ssettm $0x1  }
0x97: {  	s18 =	sld [smem:$0x3FFB];
	_ =	sdelay $0x3  }
0x98: {  	_ =	strace s18  }
0x99: {  	s4 =	sld [smem:$0x3FFC];
	_ =	sdelay $0x3  }
0x9a: {  	_ =	strace s4  }
0x9b: {  	s4 =	sld [smem:$0x3FFD];
	_ =	sdelay $0x3  }
0x9c: {  	_ =	strace s4  }
0x9d: {  	_ =	strace $0x8FFFFFFF  }
0x9e: {  	s19 =	sld [smem:$0x3FDB];
	_ =	sdelay $0x1  }
0x9f: {  	s5 =	simm.s32 $_scs_section_size  }
0xa0: {  	s6 =	simm.s32 $_size__tile_overlayer_lowered;
	s7 =	simm.s32 $_tile_overlayer_lowered  }
0xa1: {  	s22 =	simm.s32 $0x1BFF;
	s21 =	sshll.u32 s7, $0x1;
	s4 =	sadd.s32 s5, s19  }
0xa2: {  	s8 =	simm.s32 $0x0;
	s20 =	sshll.u32 s6, $0x1;
	s6 =	sadd.s32 s21, s4  }
0xa3: {  	[timem:s8], [sflag:s22] =	dma.local [hbm:s6], s20  }
0xa4: {  	_ =	swait.ge [sflag:s22], s20  }
0xa5: {  	s5 =	ssub.s32 $0x0, s20;
	[sflag:s22] =	ssyncset.done $0x0  }
0xa6: {  	[sflag:s22] =	ssyncadd.s32 s5;
	_ =	sdelay $0x1  }
0xa7: {  	s23 =	simm.s32 $0x1B8B  }
0xa8: {  	_ =	swait.ge [sflag:s23], $0x1  }
0xa9: {  	[sflag:s23] =	ssyncset.done $0x0  }
0xaa: {  	s25 =	simm.s32 $0x1B8E;
	s24 =	sld [smem:$0x3FFE];
	[sflag:s23] =	ssyncadd.s32 $0xFFFFFFFF  }
0xab: {  	s26 =	simm.s32 $execute0_lowered;
	[smem:$0x3FD2] =	sst s25  }
0xac: {  	s6 =	sshll.u32 s26, $0x1;
	_ =	strace $0x80000055;
	[dreg:$0x1] =	wrdreg $0xFFFFFFFF  }
0xad: {  	s28 =	simm.s32 $_size_execute0_lowered;
	s4 =	sadd.s32 s4, s6;
	[dreg:$0x0] =	wrdreg $0x0  }
0xae: {  	s6 =	sshll.u32 s28, $0x1;
	[dreg:$0x2] =	wrdreg s4  }
0xaf: {  	[dreg:$0x3] =	wrdreg s6  }
0xb0: {  	[dreg:$0x4] =	wrdreg $0xC0  }
0xb1: {  	_ =	task [dreg:s8], $0x5FFFF  }
0xb2: {  	[dreg:$0x1] =	wrdreg $0xFFFFFFFF  }
0xb3: {  	[dreg:$0x0] =	wrdreg $0x60  }
0xb4: {  	[dreg:$0x2] =	wrdreg s24  }
0xb5: {  	[dreg:$0x3] =	wrdreg s17  }
0xb6: {  	[dreg:$0x4] =	wrdreg s16  }
0xb7: {  	[dreg:$0x5] =	wrdreg $0x84000  }
0xb8: {  	[dreg:$0x6] =	wrdreg $0x9  }
0xb9: {  	_ =	task.clear_ibuf [dreg:s8], $0x7FFFF;
	_ =	strace $0x90000055  }
0xba: {  	s29 =	simm.s32 $0x9;
	_ =	strace $0x80000057  }
0xbb: {  	_ =	swait.ge [sflag:s29], $0x1  }
0xbc: {  	[sflag:s29] =	ssyncadd.s32 $0xFFFFFFFF  }
0xbd: {  	_ =	strace $0x90000057  }
0xbe: {  	_ =	sfence  }
0xbf: {  	s30 =	sld [smem:$0x0];
	_ =	sdelay $0x2  }
0xc0: {  	s31 =	sshll.u32 s1, $0xD;
	s1 =	sshrl.u32 s1, $0x2  }
0xc1: {  	s3 =	sand.u32 $0x4000, s31;
	s1 =	sadd.s32 s1, s30  }
0xc2: {  	s0 =	sor.u32 s3, s0;
	s1 =	sshll.u32 s1, $0x11  }
0xc3: {  	s0 =	sor.u32 s1, s0  }
0xc4: {  	s0 =	sadd.s32 $0x8F2B, s0  }
0xc5: {  	[sflag:s0] =	ssyncadd.remote.s32 $0x1  }
0xc6: {  	_ =	sfence.sel $0xFFFF  }
0xc7: {  	[dreg:$0x0] =	wrdreg $0xFFFFFFFF;
	(pc) =	sbr.abs _section_cstart, $3  }
0xc8: {  	[dreg:$0x1] =	wrdreg $0xFFFFFFFF  }
0xc9: {  	_ =	task.clear_ibuf [dreg:s8], $0x2FFFF;
	_ =	strace $0x9FFFFFFF  }
0xca: {  	(tm) =	ssettm $0x7FFFFFFF  }
0xcb: {  	_ =	shalt  }
tec
execute0_lowered:
.L_overlay_start_1:
0x0: {  	(tag) =	ssettag $0x1  }
0x1: {  	s1 =	rddreg [dreg:$0x0]  }
0x2: {  	s0 =	rddreg [dreg:$0x1]  }
0x3: {  	s5 =	rddreg [dreg:$0x2]  }
0x4: {  	s2 =	rddreg [dreg:$0x3]  }
0x5: {  	s4 =	srdreg.scid;
	s11 =	stileid.u32;
	s3 =	simm.s32 $0x0  }
0x6: {  	s28 =	simm.s32 $0x400;
	s29 =	simm.s32 $0x2;
	s30 =	simm.s32 $0x4400  }
0x7: {  	s31 =	simm.s32 $0x9;
	s6 =	sand.u32 $0x1, s4;
	s7 =	smul.u32 $0x2800, s11  }
0x8: {  	[smem:$0x7FF] =	sst s3;
	s4 =	sadd.s32 $0x3E00, s1;
	s19 =	smul.u32 $0x50000, s11  }
0x9: {  	s9 =	sadd.s32 $0x1600, s1;
	s18 =	sshll.u32 s11, $0x1;
	s22 =	smul.u32 $0x5000, s11  }
0xa: {  	s23 =	sshll.u32 s11, $0x6;
	s8 =	smul.u32 $0x28000, s6;
	s20 =	ssub.s32 $0x2, s6  }
0xb: {  	_ =	strace $0x80000056;
	[dreg:$0xd] =	wrdreg s9;
	s10 =	sshrl.u32 s20, $0x1  }
0xc: {  	s9 =	sshrl.u32 s19, $0x2;
	s7 =	sadd.s32 s7, s8;
	s8 =	sor.u32 s6, s18  }
0xd: {  	s10 =	ssub.s32 s20, s10;
	s21 =	sadd.s32 s9, s2;
	s6 =	smul.u32 $0x2800, s6  }
0xe: {  	s1 =	sadd.s32 s7, s1;
	s8 =	smul.u32 $0x2800, s8;
	[dreg:$0xe] =	wrdreg s21  }
0xf: {  	s7 =	sor.u32 $0x1C0B, s23;
	s6 =	sadd.s32 s6, s22;
	s1 =	sadd.s32 $0x6FC00, s1  }
0x10: {  	s8 =	sshrl.u32 s8, $0x3;
	s14 =	sor.u32 $0x380, s6;
	s17 =	sor.u32 $0x300, s6  }
0x11: {  	s20 =	sor.u32 $0x280, s6;
	s6 =	sor.u32 $0x200, s6;
	[dreg:$0x17] =	wrdreg s1  }
0x12: {  	s1 =	simm.s32 $0x3;
	s24 =	sadd.s32 s0, s8;
	s25 =	sor.u32 $0x10, s8  }
0x13: {  	s12 =	sadd.s32 s5, s8;
	s13 =	sor.u32 $0x20, s8;
	[dreg:$0xf] =	wrdreg s24  }
0x14: {  	s16 =	sshrl.u32 s14, $0x3;
	[dreg:$0x10] =	wrdreg s12;
	s26 =	sadd.s32 s0, s25  }
0x15: {  	s8 =	sor.u32 $0x30, s8;
	s12 =	sadd.s32 s5, s25;
	[dreg:$0x11] =	wrdreg s26  }
0x16: {  	s18 =	sshrl.u32 s17, $0x3;
	s15 =	sadd.s32 s0, s13;
	[dreg:$0x12] =	wrdreg s12  }
0x17: {  	s22 =	sshrl.u32 s20, $0x3;
	s9 =	sadd.s32 s5, s13;
	[dreg:$0x13] =	wrdreg s15  }
0x18: {  	s6 =	sshrl.u32 s6, $0x3;
	s11 =	sadd.s32 s16, s5;
	[dreg:$0x14] =	wrdreg s9  }
0x19: {  	s17 =	smax.u32 s10, $0x1;
	s19 =	sadd.s32 s18, s5;
	[dreg:$0x5] =	wrdreg s11  }
0x1a: {  	s20 =	simm.s32 $0x80;
	s21 =	sadd.s32 s18, s0;
	[dreg:$0x7] =	wrdreg s19  }
0x1b: {  	s10 =	simm.s32 $0x8;
	s23 =	sadd.s32 s22, s5;
	[dreg:$0x8] =	wrdreg s21  }
0x1c: {  	s24 =	sadd.s32 s22, s0;
	s25 =	sadd.s32 s0, s8;
	[dreg:$0x9] =	wrdreg s23  }
0x1d: {  	s18 =	simm.s32 $0xB;
	s22 =	simm.s32 $0x100;
	[dreg:$0x15] =	wrdreg s25  }
0x1e: {  	s9 =	sadd.s32 s16, s0;
	[dreg:$0xa] =	wrdreg s24;
	s26 =	sadd.s32 s6, s5  }
0x1f: {  	s5 =	sadd.s32 s5, s8;
	s0 =	sadd.s32 s6, s0;
	s19 =	simm.s32 $0x200  }
0x20: {  	s21 =	simm.s32 $0x280;
	s23 =	simm.s32 $0x300;
	[dreg:$0x6] =	wrdreg s9  }
0x21: {  	s24 =	simm.s32 $0x180;
	s25 =	simm.s32 $0x380;
	[dreg:$0x16] =	wrdreg s5  }
0x22: {  	s6 =	simm.s32 $0x6;
	s8 =	simm.s32 $0x4;
	[dreg:$0xb] =	wrdreg s26  }
0x23: {  	s11 =	simm.s32 $0x0;
	[dreg:$0xc] =	wrdreg s0;
	s26 =	simm.s32 $0x1  }
0x24: {  	s0 =	simm.s32 $0x5;
	s5 =	simm.s32 $0xA;
	s9 =	simm.s32 $0x7  }
.LBB2_1:
0x25: {  	s12 =	rddreg [dreg:$0xe]  }
0x26: {  	s13 =	rddreg [dreg:$0xd];
	s12 =	sshrl.u32 s12, $0x3  }
0x27: {  	[spmem:s12], [sflag:s7] =	dma.local [hbm:s13], $0x2800  }
0x28: {  	_ =	swait.ge [sflag:s18], $0x2800  }
0x29: {  	[sflag:s18] =	ssyncset.done $0x0  }
0x2a: {  	[sflag:s18] =	ssyncadd.s32 $0xFFFFD800  }
0x2b: {  	[bflag:$0x0] =	sbarrier.arrive $0xFFFF  }
0x2c: {  	s16 =	rddreg [dreg:$0xf]  }
0x2d: {  	[tilespmem:s3], [sflag:$0x1] =	stream.linear.gather [hbm4b:s16+s3], $0x80, $0x38;
	[tilespmem:$0x1C400] =	vst v63  }
0x2e: {  	s14 =	rddreg [dreg:$0x10]  }
0x2f: {  	[tilespmem:s19], [sflag:$0x5] =	stream.linear.gather [hbm4b:s14+s3], $0x80, $0x38;
	[tilespmem:$0x1C400] =	vst v63  }
0x30: {  	s15 =	rddreg [dreg:$0x11]  }
0x31: {  	[tilespmem:s20], [sflag:$0x2] =	stream.linear.gather [hbm4b:s15+s3], $0x80, $0x38;
	[tilespmem:$0x1C400] =	vst v63  }
0x32: {  	s16 =	rddreg [dreg:$0x12]  }
0x33: {  	[tilespmem:s21], [sflag:$0x6] =	stream.linear.gather [hbm4b:s16+s3], $0x80, $0x38;
	[tilespmem:$0x1C400] =	vst v63  }
0x34: {  	s14 =	rddreg [dreg:$0x13]  }
0x35: {  	[tilespmem:s22], [sflag:$0x3] =	stream.linear.gather [hbm4b:s14+s3], $0x80, $0x38;
	[tilespmem:$0x1C400] =	vst v63  }
0x36: {  	s15 =	rddreg [dreg:$0x14]  }
0x37: {  	[tilespmem:s23], [sflag:$0x7] =	stream.linear.gather [hbm4b:s15+s3], $0x80, $0x38;
	[tilespmem:$0x1C400] =	vst v63  }
0x38: {  	s16 =	rddreg [dreg:$0x15]  }
0x39: {  	[tilespmem:s24], [sflag:$0x4] =	stream.linear.gather [hbm4b:s16+s3], $0x80, $0x38;
	[tilespmem:$0x1C400] =	vst v63  }
0x3a: {  	s14 =	rddreg [dreg:$0x16]  }
0x3b: {  	[tilespmem:s25], [sflag:$0x8] =	stream.linear.gather [hbm4b:s14+s3], $0x80, $0x38;
	[tilespmem:$0x1C400] =	vst v63  }
0x3c: {  	_ =	swait.ge [sflag:s26], $0x80  }
0x3d: {  	[sflag:s26] =	ssyncset.done $0x0  }
0x3e: {  	[sflag:s26] =	ssyncadd.s32 $0xFFFFFF80  }
0x3f: {  	[tilespmem:s28], [sflag:$0x9] =	stream.indirect.gather [hbm4b:s4+s20], $0x80, s3, s20, $0xb8;
	[tilespmem:$0x1C400] =	vst v63  }
0x40: {  	_ =	swait.ge [sflag:s29], $0x80  }
0x41: {  	[sflag:s29] =	ssyncset.done $0x0  }
0x42: {  	[sflag:s29] =	ssyncadd.s32 $0xFFFFFF80  }
0x43: {  	[tilespmem:s30], [sflag:$0xA] =	stream.indirect.gather [hbm4b:s4+s20], $0x80, s20, s20, $0xb8;
	[tilespmem:$0x1C400] =	vst v63  }
0x44: {  	_ =	swait.ge [sflag:s31], $0x4000  }
0x45: {  	[sflag:s31] =	ssyncset.done $0x0  }
0x46: {  	[sflag:s31] =	ssyncadd.s32 $0xFFFFC000  }
0x47: {  	_ =	swait.ge [sflag:s0], $0x80  }
0x48: {  	[sflag:s0] =	ssyncset.done $0x0  }
0x49: {  	[sflag:s0] =	ssyncadd.s32 $0xFFFFFF80  }
0x4a: {  	[spmem:s2] =	stream.indirect.scatter.add.f32 [tilespmem:s28], [sflag:$0xB], $0x80, s19, s20, $0xb8;
	[tilespmem:$0x1C400] =	vst v63  }
0x4b: {  	_ =	swait.ge [sflag:s18], $0x4000  }
0x4c: {  	s15 =	rddreg [dreg:$0xc];
	[sflag:s18] =	ssyncset.done $0x0  }
0x4d: {  	s14 =	rddreg [dreg:$0xb];
	[sflag:s18] =	ssyncadd.s32 $0xFFFFC000;
	s13 =	sadd.s32 $0x0, s15  }
0x4e: {  	[tilespmem:s3], [sflag:$0x1] =	stream.linear.gather [hbm4b:s13+s3], $0x80, $0x38;
	[tilespmem:$0x1C400] =	vst v63  }
0x4f: {  	s16 =	sadd.s32 $0x0, s14  }
0x50: {  	[tilespmem:s19], [sflag:$0x5] =	stream.linear.gather [hbm4b:s16+s3], $0x80, $0x38;
	[tilespmem:$0x1C400] =	vst v63  }
0x51: {  	_ =	swait.ge [sflag:s1], $0x80  }
0x52: {  	[sflag:s1] =	ssyncset.done $0x0  }
0x53: {  	[sflag:s1] =	ssyncadd.s32 $0xFFFFFF80  }
0x54: {  	[tilespmem:s28], [sflag:$0x9] =	stream.indirect.gather [hbm4b:s4+s20], $0x80, s22, s20, $0xb8;
	[tilespmem:$0x1C400] =	vst v63  }
0x55: {  	_ =	swait.ge [sflag:s5], $0x4000  }
0x56: {  	[sflag:s5] =	ssyncset.done $0x0  }
0x57: {  	[sflag:s5] =	ssyncadd.s32 $0xFFFFC000  }
0x58: {  	_ =	swait.ge [sflag:s6], $0x80  }
0x59: {  	[sflag:s6] =	ssyncset.done $0x0  }
0x5a: {  	[sflag:s6] =	ssyncadd.s32 $0xFFFFFF80  }
0x5b: {  	[spmem:s2] =	stream.indirect.scatter.add.f32 [tilespmem:s30], [sflag:$0xB], $0x80, s21, s20, $0xb8;
	[tilespmem:$0x1C400] =	vst v63  }
0x5c: {  	_ =	swait.ge [sflag:s18], $0x4000  }
0x5d: {  	s14 =	rddreg [dreg:$0xa];
	[sflag:s18] =	ssyncset.done $0x0  }
0x5e: {  	s15 =	rddreg [dreg:$0x9];
	[sflag:s18] =	ssyncadd.s32 $0xFFFFC000;
	s13 =	sadd.s32 $0x0, s14  }
0x5f: {  	[tilespmem:s20], [sflag:$0x2] =	stream.linear.gather [hbm4b:s13+s3], $0x80, $0x38;
	[tilespmem:$0x1C400] =	vst v63  }
0x60: {  	s16 =	sadd.s32 $0x0, s15  }
0x61: {  	[tilespmem:s21], [sflag:$0x6] =	stream.linear.gather [hbm4b:s16+s3], $0x80, $0x38;
	[tilespmem:$0x1C400] =	vst v63  }
0x62: {  	_ =	swait.ge [sflag:s8], $0x80  }
0x63: {  	[sflag:s8] =	ssyncset.done $0x0  }
0x64: {  	[sflag:s8] =	ssyncadd.s32 $0xFFFFFF80  }
0x65: {  	[tilespmem:s30], [sflag:$0xA] =	stream.indirect.gather [hbm4b:s4+s20], $0x80, s24, s20, $0xb8;
	[tilespmem:$0x1C400] =	vst v63  }
0x66: {  	_ =	swait.ge [sflag:s31], $0x4000  }
0x67: {  	[sflag:s31] =	ssyncset.done $0x0  }
0x68: {  	[sflag:s31] =	ssyncadd.s32 $0xFFFFC000  }
0x69: {  	_ =	swait.ge [sflag:s9], $0x80  }
0x6a: {  	[sflag:s9] =	ssyncset.done $0x0  }
0x6b: {  	[sflag:s9] =	ssyncadd.s32 $0xFFFFFF80  }
0x6c: {  	[spmem:s2] =	stream.indirect.scatter.add.f32 [tilespmem:s28], [sflag:$0xB], $0x80, s23, s20, $0xb8;
	[tilespmem:$0x1C400] =	vst v63  }
0x6d: {  	_ =	swait.ge [sflag:s18], $0x4000  }
0x6e: {  	s14 =	rddreg [dreg:$0x8];
	[sflag:s18] =	ssyncset.done $0x0  }
0x6f: {  	s15 =	rddreg [dreg:$0x7];
	[sflag:s18] =	ssyncadd.s32 $0xFFFFC000;
	s13 =	sadd.s32 $0x0, s14  }
0x70: {  	[tilespmem:s22], [sflag:$0x3] =	stream.linear.gather [hbm4b:s13+s3], $0x80, $0x38;
	[tilespmem:$0x1C400] =	vst v63  }
0x71: {  	s16 =	sadd.s32 $0x0, s15  }
0x72: {  	[tilespmem:s23], [sflag:$0x7] =	stream.linear.gather [hbm4b:s16+s3], $0x80, $0x38;
	[tilespmem:$0x1C400] =	vst v63  }
0x73: {  	_ =	swait.ge [sflag:s26], $0x80  }
0x74: {  	[sflag:s26] =	ssyncset.done $0x0  }
0x75: {  	[sflag:s26] =	ssyncadd.s32 $0xFFFFFF80  }
0x76: {  	[tilespmem:s28], [sflag:$0x9] =	stream.indirect.gather [hbm4b:s4+s20], $0x80, s3, s20, $0xb8;
	[tilespmem:$0x1C400] =	vst v63  }
0x77: {  	_ =	swait.ge [sflag:s5], $0x4000  }
0x78: {  	[sflag:s5] =	ssyncset.done $0x0  }
0x79: {  	[sflag:s5] =	ssyncadd.s32 $0xFFFFC000  }
0x7a: {  	_ =	swait.ge [sflag:s10], $0x80  }
0x7b: {  	[sflag:s10] =	ssyncset.done $0x0  }
0x7c: {  	[sflag:s10] =	ssyncadd.s32 $0xFFFFFF80  }
0x7d: {  	[spmem:s2] =	stream.indirect.scatter.add.f32 [tilespmem:s30], [sflag:$0xB], $0x80, s25, s20, $0xb8;
	[tilespmem:$0x1C400] =	vst v63  }
0x7e: {  	_ =	swait.ge [sflag:s18], $0x4000  }
0x7f: {  	s14 =	rddreg [dreg:$0x6];
	[sflag:s18] =	ssyncset.done $0x0  }
0x80: {  	s15 =	rddreg [dreg:$0x5];
	[sflag:s18] =	ssyncadd.s32 $0xFFFFC000;
	s13 =	sadd.s32 $0x0, s14  }
0x81: {  	[tilespmem:s24], [sflag:$0x4] =	stream.linear.gather [hbm4b:s13+s3], $0x80, $0x38;
	[tilespmem:$0x1C400] =	vst v63  }
0x82: {  	s16 =	sadd.s32 $0x0, s15  }
0x83: {  	[tilespmem:s25], [sflag:$0x8] =	stream.linear.gather [hbm4b:s16+s3], $0x80, $0x38;
	[tilespmem:$0x1C400] =	vst v63  }
0x84: {  	_ =	swait.ge [sflag:s29], $0x80  }
0x85: {  	[sflag:s29] =	ssyncset.done $0x0  }
0x86: {  	s13 =	simm.s32 $0x40;
	[sflag:s29] =	ssyncadd.s32 $0xFFFFFF80  }
.LBB2_2:
0x87: {  	[tilespmem:s30], [sflag:$0xA] =	stream.indirect.gather [hbm4b:s4+s20], $0x80, s20, s20, $0xb8;
	[tilespmem:$0x1C400] =	vst v63  }
0x88: {  	_ =	swait.ge [sflag:s31], $0x4000  }
0x89: {  	[sflag:s31] =	ssyncset.done $0x0  }
0x8a: {  	[sflag:s31] =	ssyncadd.s32 $0xFFFFC000  }
0x8b: {  	_ =	swait.ge [sflag:s0], $0x80  }
0x8c: {  	[sflag:s0] =	ssyncset.done $0x0  }
0x8d: {  	[sflag:s0] =	ssyncadd.s32 $0xFFFFFF80  }
0x8e: {  	[spmem:s2] =	stream.indirect.scatter.add.f32 [tilespmem:s28], [sflag:$0xB], $0x80, s19, s20, $0xb8;
	[tilespmem:$0x1C400] =	vst v63  }
0x8f: {  	_ =	swait.ge [sflag:s18], $0x4000  }
0x90: {  	s14 =	smov.u32 s13;
	s15 =	rddreg [dreg:$0xc];
	[sflag:s18] =	ssyncset.done $0x0  }
0x91: {  	s16 =	rddreg [dreg:$0xb];
	[sflag:s18] =	ssyncadd.s32 $0xFFFFC000;
	s15 =	sadd.s32 s14, s15  }
0x92: {  	[tilespmem:s3], [sflag:$0x1] =	stream.linear.gather [hbm4b:s15+s3], $0x80, $0x38;
	[tilespmem:$0x1C400] =	vst v63  }
0x93: {  	s16 =	sadd.s32 s14, s16  }
0x94: {  	[tilespmem:s19], [sflag:$0x5] =	stream.linear.gather [hbm4b:s16+s3], $0x80, $0x38;
	[tilespmem:$0x1C400] =	vst v63  }
0x95: {  	_ =	swait.ge [sflag:s1], $0x80  }
0x96: {  	[sflag:s1] =	ssyncset.done $0x0  }
0x97: {  	[sflag:s1] =	ssyncadd.s32 $0xFFFFFF80  }
0x98: {  	[tilespmem:s28], [sflag:$0x9] =	stream.indirect.gather [hbm4b:s4+s20], $0x80, s22, s20, $0xb8;
	[tilespmem:$0x1C400] =	vst v63  }
0x99: {  	_ =	swait.ge [sflag:s5], $0x4000  }
0x9a: {  	[sflag:s5] =	ssyncset.done $0x0  }
0x9b: {  	[sflag:s5] =	ssyncadd.s32 $0xFFFFC000  }
0x9c: {  	_ =	swait.ge [sflag:s6], $0x80  }
0x9d: {  	[sflag:s6] =	ssyncset.done $0x0  }
0x9e: {  	[sflag:s6] =	ssyncadd.s32 $0xFFFFFF80  }
0x9f: {  	[spmem:s2] =	stream.indirect.scatter.add.f32 [tilespmem:s30], [sflag:$0xB], $0x80, s21, s20, $0xb8;
	[tilespmem:$0x1C400] =	vst v63  }
0xa0: {  	_ =	swait.ge [sflag:s18], $0x4000  }
0xa1: {  	s15 =	rddreg [dreg:$0xa];
	[sflag:s18] =	ssyncset.done $0x0  }
0xa2: {  	s16 =	rddreg [dreg:$0x9];
	[sflag:s18] =	ssyncadd.s32 $0xFFFFC000;
	s15 =	sadd.s32 s14, s15  }
0xa3: {  	[tilespmem:s20], [sflag:$0x2] =	stream.linear.gather [hbm4b:s15+s3], $0x80, $0x38;
	[tilespmem:$0x1C400] =	vst v63  }
0xa4: {  	s16 =	sadd.s32 s14, s16  }
0xa5: {  	[tilespmem:s21], [sflag:$0x6] =	stream.linear.gather [hbm4b:s16+s3], $0x80, $0x38;
	[tilespmem:$0x1C400] =	vst v63  }
0xa6: {  	_ =	swait.ge [sflag:s8], $0x80  }
0xa7: {  	[sflag:s8] =	ssyncset.done $0x0  }
0xa8: {  	[sflag:s8] =	ssyncadd.s32 $0xFFFFFF80  }
0xa9: {  	[tilespmem:s30], [sflag:$0xA] =	stream.indirect.gather [hbm4b:s4+s20], $0x80, s24, s20, $0xb8;
	[tilespmem:$0x1C400] =	vst v63  }
0xaa: {  	_ =	swait.ge [sflag:s31], $0x4000  }
0xab: {  	[sflag:s31] =	ssyncset.done $0x0  }
0xac: {  	[sflag:s31] =	ssyncadd.s32 $0xFFFFC000  }
0xad: {  	_ =	swait.ge [sflag:s9], $0x80  }
0xae: {  	[sflag:s9] =	ssyncset.done $0x0  }
0xaf: {  	[sflag:s9] =	ssyncadd.s32 $0xFFFFFF80  }
0xb0: {  	[spmem:s2] =	stream.indirect.scatter.add.f32 [tilespmem:s28], [sflag:$0xB], $0x80, s23, s20, $0xb8;
	[tilespmem:$0x1C400] =	vst v63  }
0xb1: {  	_ =	swait.ge [sflag:s18], $0x4000  }
0xb2: {  	s15 =	rddreg [dreg:$0x8];
	[sflag:s18] =	ssyncset.done $0x0  }
0xb3: {  	s16 =	rddreg [dreg:$0x7];
	[sflag:s18] =	ssyncadd.s32 $0xFFFFC000;
	s15 =	sadd.s32 s14, s15  }
0xb4: {  	[tilespmem:s22], [sflag:$0x3] =	stream.linear.gather [hbm4b:s15+s3], $0x80, $0x38;
	[tilespmem:$0x1C400] =	vst v63  }
0xb5: {  	s16 =	sadd.s32 s14, s16  }
0xb6: {  	[tilespmem:s23], [sflag:$0x7] =	stream.linear.gather [hbm4b:s16+s3], $0x80, $0x38;
	[tilespmem:$0x1C400] =	vst v63  }
0xb7: {  	_ =	swait.ge [sflag:s26], $0x80  }
0xb8: {  	[sflag:s26] =	ssyncset.done $0x0  }
0xb9: {  	[sflag:s26] =	ssyncadd.s32 $0xFFFFFF80  }
0xba: {  	[tilespmem:s28], [sflag:$0x9] =	stream.indirect.gather [hbm4b:s4+s20], $0x80, s3, s20, $0xb8;
	[tilespmem:$0x1C400] =	vst v63  }
0xbb: {  	_ =	swait.ge [sflag:s5], $0x4000  }
0xbc: {  	[sflag:s5] =	ssyncset.done $0x0  }
0xbd: {  	[sflag:s5] =	ssyncadd.s32 $0xFFFFC000  }
0xbe: {  	_ =	swait.ge [sflag:s10], $0x80  }
0xbf: {  	[sflag:s10] =	ssyncset.done $0x0  }
0xc0: {  	[sflag:s10] =	ssyncadd.s32 $0xFFFFFF80  }
0xc1: {  	[spmem:s2] =	stream.indirect.scatter.add.f32 [tilespmem:s30], [sflag:$0xB], $0x80, s25, s20, $0xb8;
	[tilespmem:$0x1C400] =	vst v63  }
0xc2: {  	_ =	swait.ge [sflag:s18], $0x4000  }
0xc3: {  	p0 =	sne.s32 s13, $0x480;
	s15 =	rddreg [dreg:$0x6];
	[sflag:s18] =	ssyncset.done $0x0  }
0xc4: {  	s16 =	rddreg [dreg:$0x5];
	[sflag:s18] =	ssyncadd.s32 $0xFFFFC000;
	s15 =	sadd.s32 s14, s15  }
0xc5: {  	[tilespmem:s24], [sflag:$0x4] =	stream.linear.gather [hbm4b:s15+s3], $0x80, $0x38;
	[tilespmem:$0x1C400] =	vst v63  }
.Ltmp0:
0xc6: {  	s14 =	sadd.s32 s14, s16;
	(pc) =	sbr.rel @p0 .LBB2_2-.Ltmp0, $4  }
0xc7: {  	[tilespmem:s25], [sflag:$0x8] =	stream.linear.gather [hbm4b:s14+s3], $0x80, $0x38;
	[tilespmem:$0x1C400] =	vst v63  }
0xc8: {  	_ =	swait.ge [sflag:s29], $0x80  }
0xc9: {  	[sflag:s29] =	ssyncset.done $0x0  }
0xca: {  	s13 =	sadd.s32 $0x40, s13;
	[sflag:s29] =	ssyncadd.s32 $0xFFFFFF80  }
0xcb: {  	[tilespmem:s30], [sflag:$0xA] =	stream.indirect.gather [hbm4b:s4+s20], $0x80, s20, s20, $0xb8;
	[tilespmem:$0x1C400] =	vst v63  }
0xcc: {  	_ =	swait.ge [sflag:s31], $0x4000  }
0xcd: {  	[sflag:s31] =	ssyncset.done $0x0  }
0xce: {  	[sflag:s31] =	ssyncadd.s32 $0xFFFFC000  }
0xcf: {  	_ =	swait.ge [sflag:s0], $0x80  }
0xd0: {  	[sflag:s0] =	ssyncset.done $0x0  }
0xd1: {  	[sflag:s0] =	ssyncadd.s32 $0xFFFFFF80  }
0xd2: {  	[spmem:s2] =	stream.indirect.scatter.add.f32 [tilespmem:s28], [sflag:$0xB], $0x80, s19, s20, $0xb8;
	[tilespmem:$0x1C400] =	vst v63  }
0xd3: {  	_ =	swait.ge [sflag:s18], $0x4000  }
0xd4: {  	[sflag:s18] =	ssyncset.done $0x0  }
0xd5: {  	[sflag:s18] =	ssyncadd.s32 $0xFFFFC000  }
0xd6: {  	_ =	swait.ge [sflag:s1], $0x80  }
0xd7: {  	[sflag:s1] =	ssyncset.done $0x0  }
0xd8: {  	[sflag:s1] =	ssyncadd.s32 $0xFFFFFF80  }
0xd9: {  	[tilespmem:s28], [sflag:$0x9] =	stream.indirect.gather [hbm4b:s4+s20], $0x80, s22, s20, $0xb8;
	[tilespmem:$0x1C400] =	vst v63  }
0xda: {  	_ =	swait.ge [sflag:s5], $0x4000  }
0xdb: {  	[sflag:s5] =	ssyncset.done $0x0  }
0xdc: {  	[sflag:s5] =	ssyncadd.s32 $0xFFFFC000  }
0xdd: {  	_ =	swait.ge [sflag:s6], $0x80  }
0xde: {  	[sflag:s6] =	ssyncset.done $0x0  }
0xdf: {  	[sflag:s6] =	ssyncadd.s32 $0xFFFFFF80  }
0xe0: {  	[spmem:s2] =	stream.indirect.scatter.add.f32 [tilespmem:s30], [sflag:$0xB], $0x80, s21, s20, $0xb8;
	[tilespmem:$0x1C400] =	vst v63  }
0xe1: {  	_ =	swait.ge [sflag:s18], $0x4000  }
0xe2: {  	[sflag:s18] =	ssyncset.done $0x0  }
0xe3: {  	[sflag:s18] =	ssyncadd.s32 $0xFFFFC000  }
0xe4: {  	_ =	swait.ge [sflag:s8], $0x80  }
0xe5: {  	[sflag:s8] =	ssyncset.done $0x0  }
0xe6: {  	[sflag:s8] =	ssyncadd.s32 $0xFFFFFF80  }
0xe7: {  	[tilespmem:s30], [sflag:$0xA] =	stream.indirect.gather [hbm4b:s4+s20], $0x80, s24, s20, $0xb8;
	[tilespmem:$0x1C400] =	vst v63  }
0xe8: {  	_ =	swait.ge [sflag:s31], $0x4000  }
0xe9: {  	[sflag:s31] =	ssyncset.done $0x0  }
0xea: {  	[sflag:s31] =	ssyncadd.s32 $0xFFFFC000  }
0xeb: {  	_ =	swait.ge [sflag:s9], $0x80  }
0xec: {  	[sflag:s9] =	ssyncset.done $0x0  }
0xed: {  	[sflag:s9] =	ssyncadd.s32 $0xFFFFFF80  }
0xee: {  	[spmem:s2] =	stream.indirect.scatter.add.f32 [tilespmem:s28], [sflag:$0xB], $0x80, s23, s20, $0xb8;
	[tilespmem:$0x1C400] =	vst v63  }
0xef: {  	_ =	swait.ge [sflag:s18], $0x4000  }
0xf0: {  	[sflag:s18] =	ssyncset.done $0x0  }
0xf1: {  	[sflag:s18] =	ssyncadd.s32 $0xFFFFC000  }
0xf2: {  	_ =	swait.ge [sflag:s5], $0x4000  }
0xf3: {  	[sflag:s5] =	ssyncset.done $0x0  }
0xf4: {  	[sflag:s5] =	ssyncadd.s32 $0xFFFFC000  }
0xf5: {  	_ =	swait.ge [sflag:s10], $0x80  }
0xf6: {  	[sflag:s10] =	ssyncset.done $0x0  }
0xf7: {  	[sflag:s10] =	ssyncadd.s32 $0xFFFFFF80  }
0xf8: {  	[spmem:s2] =	stream.indirect.scatter.add.f32 [tilespmem:s30], [sflag:$0xB], $0x80, s25, s20, $0xb8;
	[tilespmem:$0x1C400] =	vst v63  }
0xf9: {  	_ =	swait.ge [sflag:s18], $0x4000  }
0xfa: {  	[sflag:s18] =	ssyncset.done $0x0  }
0xfb: {  	s11 =	sadd.s32 $0x1, s11;
	[sflag:s18] =	ssyncadd.s32 $0xFFFFC000  }
0xfc: {  	p0 =	sne.s32 s11, s17;
	[bflag:$0x0] =	sbarrier.arrive $0xFFFF  }
.Ltmp1:
0xfd: {  	s13 =	rddreg [dreg:$0x17];
	(pc) =	sbr.rel @p0 .LBB2_1-.Ltmp1, $4  }
0xfe: {  	[hbm:s13], [sflag:s7] =	dma.local [spmem:s12], $0x2800  }
0xff: {  	_ =	swait.ge [sflag:s18], $0x2800  }
0x100: {  	[sflag:s18] =	ssyncset.done $0x0  }
0x101: {  	[sflag:s18] =	ssyncadd.s32 $0xFFFFD800  }
0x102: {  	_ =	sfence.sel $0x180000  }
0x103: {  	[bflag:$0x0] =	sbarrier.arrive $0xFFFF  }
0x104: {  	_ =	strace $0x90000056  }
0x105: {  	s0 =	stileid.u32;
	[bflag:$0x2] =	sbarrier.arrive $0xFFFF  }
0x106: {  	p0 =	sne.s32 s0, $0x0;
	s0 =	rddreg [dreg:$0x4]  }
0x107: {  	s0 =	sadd.s32 @!p0 $0x100000, s0  }
0x108: {  	[sflag:s0] =	ssyncadd.tile.s32 @!p0 $0x1;
	_ =	shalt  }
.Lfunc_end2:
_tile_overlayer_lowered:
.L_overlay_start_2:
0x109: {  	(tag) =	ssettag $0x2  }
0x10a: {  	s0 =	rddreg [dreg:$0x0];
	s2 =	stileid.u32  }
0x10b: {  	s1 =	rddreg [dreg:$0x1];
	p0 =	sne.s32 s2, $0x0  }
0x10c: {  	s3 =	rddreg [dreg:$0x2];
	[bflag:$0x3] =	sbarrier.arrive $0xFFFF;
	s2 =	simm.s32 @!p0 $0x1C0B  }
0x10d: {  	[timem:s3], [sflag:s2] =	dma.local @!p0 [hbm:s0], s1  }
0x10e: {  	s0 =	simm.s32 @!p0 $0xB  }
0x10f: {  	_ =	swait.ge @!p0 [sflag:s0], s1  }
0x110: {  	s1 =	ssub.s32 @!p0 $0x0, s1;
	[sflag:s0] =	ssyncset.done @!p0 $0x0  }
0x111: {  	[sflag:s0] =	ssyncadd.s32 @!p0 s1  }
0x112: {  	[bflag:$0x3] =	sbarrier.arrive $0xFFFF  }
0x113: {  	_ =	shalt  }

// kernel: kernel.8.cloned.1.call-start
scs
__scs_entry_jumppad:
0x0: {  	(pc) =	sbr.rel $0x88, $3  }
0x1: {  	(tag) =	ssettag $0x0;
	lr =	simm.s32 $0x1  }
0x2: {  	[smem:$0x3F99] =	sst lr;
	_ =	strace $0xD0000000  }
0x3: {  	_ = 	snop  }
0x4: {  	_ = 	snop  }
0x5: {  	_ = 	snop  }
0x6: {  	_ = 	snop  }
0x7: {  	_ = 	snop  }
__scs_overlays_trampoline_lowered:
0x8: {  	[smem:$0x3FA8] =	sst s0  }
0x9: {  	[smem:$0x3FA9] =	sst s1  }
0xa: {  	[smem:$0x3FAA] =	sst s2  }
0xb: {  	[smem:$0x3FAB] =	sst s3  }
0xc: {  	[smem:$0x3FAC] =	sst s4  }
0xd: {  	[smem:$0x3FAD] =	sst s5  }
0xe: {  	[smem:$0x3FAE] =	sst s6  }
0xf: {  	[smem:$0x3FAF] =	sst s7  }
0x10: {  	[smem:$0x3FB0] =	sst s8  }
0x11: {  	[smem:$0x3FB1] =	sst s9;
	s0 =	simm.s32 @!p0 $0x0  }
0x12: {  	s1 =	sld [smem:$0x3F97];
	s0 =	simm.s32 @p0 $0x1  }
0x13: {  	[smem:$0x3FB2] =	sst s0;
	s0 =	simm.s32 @!p1 $0x0  }
0x14: {  	s2 =	sld [smem:$0x3F96];
	s0 =	simm.s32 @p1 $0x1  }
0x15: {  	[smem:$0x3FB3] =	sst s0;
	s0 =	simm.s32 @!p2 $0x0  }
0x16: {  	s3 =	sld [smem:$0x3FDB];
	s0 =	simm.s32 @p2 $0x1  }
0x17: {  	s4 =	simm.s32 $0x1BF5;
	[smem:$0x3FB5] =	sst s0  }
0x18: {  	s0 =	sld [smem:$0x3F98];
	_ =	swait.ge [sflag:s4], $0x0  }
0x19: {  	s7 =	sld [smem:$0x3F99]  }
0x1a: {  	s8 =	sadd.s32 $0xFFFFE003, lr  }
0x1b: {  	s9 =	sadd.s32 $0xFFFFFEF7, lr;
	s5 =	simm.s32 $0xFFFFFFFF;
	p2 =	slt.u32 s8, $0xFFFFF086  }
0x1c: {  	p1 =	slt.u32 s9, $0xF7A;
	s5 =	simm.s32 @!p2 $0x0  }
0x1d: {  	s5 =	simm.s32 @p1 $0x1;
	p0 =	seq.s32 s7, s2  }
0x1e: {  	s7 =	smul.u32 @!p0 $0xF7A, s2;
	p2 =	seq.s32 @!p0 s5, $0x0  }
0x1f: {  	s9 =	smul.u32 $0xF7A, s1;
	s8 =	simm.s32 @!p0 $0x1BF5;
	p2 =	por !p2, p0  }
0x20: {  	[sflag:s8] =	ssyncset.s32 @!p0 $0xFFFFF086;
	s6 =	sadd.s32 @!p0 s3, s7;
	s7 =	simm.s32 @!p0 $0x108  }
0x21: {  	s3 =	sadd.s32 s3, s9;
	s6 =	sadd.s32 @!p0 $0x88, s6;
	s7 =	simm.s32 @p2 $0x1082  }
0x22: {  	[simem:s7], [sflag:s8] =	dma.local @!p0 [hbm:s6], $0xF7A  }
0x23: {  	s9 =	sor.u32 $0xD0000000, s2;
	s6 =	simm.s32 $0x108;
	_ =	swait.ge @!p0 [sflag:s8], $0x0  }
0x24: {  	s3 =	sadd.s32 $0x88, s3;
	s6 =	simm.s32 @!p1 $0x1082;
	[sflag:s4] =	ssyncset.s32 $0xFFFFF086  }
0x25: {  	[simem:s6], [sflag:s4] =	dma.local [hbm:s3], $0xF7A  }
0x26: {  	[smem:$0x3F99] =	sst s1;
	(tag) =	ssettag s2;
	_ =	strace s9  }
0x27: {  	s1 =	sld [smem:$0x3FA9]  }
0x28: {  	s2 =	sld [smem:$0x3FAA]  }
0x29: {  	s4 =	sld [smem:$0x3FAC]  }
0x2a: {  	p0 =	seq.s32 s5, $0x0;
	s5 =	sld [smem:$0x3FAD]  }
0x2b: {  	s6 =	sld [smem:$0x3FAE]  }
0x2c: {  	s7 =	sld [smem:$0x3FAF]  }
0x2d: {  	s3 =	simm.s32 $0x108;
	s8 =	sld [smem:$0x3FB0]  }
0x2e: {  	s3 =	simm.s32 @!p0 $0x1082;
	s9 =	sld [smem:$0x3FB1]  }
0x2f: {  	lr =	sadd.s32 s0, s3;
	s0 =	sld [smem:$0x3FA8]  }
0x30: {  	s3 =	sld [smem:$0x3FAB]  }
0x31: {  	[smem:$0x3FB4] =	sst s10  }
0x32: {  	s10 =	sld [smem:$0x3FB2];
	_ =	sdelay $0x3  }
0x33: {  	p0 =	seq.s32 s10, $0x1;
	s10 =	sld [smem:$0x3FB4];
	_ =	sdelay $0x3  }
0x34: {  	[smem:$0x3FB4] =	sst s10  }
0x35: {  	s10 =	sld [smem:$0x3FB3];
	_ =	sdelay $0x3  }
0x36: {  	p1 =	seq.s32 s10, $0x1;
	s10 =	sld [smem:$0x3FB4];
	_ =	sdelay $0x3  }
0x37: {  	[smem:$0x3FB4] =	sst s10  }
0x38: {  	s10 =	sld [smem:$0x3FB5]  }
0x39: {  	_ = 	snop;
	(pc) =	sbr.ind lr, $3  }
0x3a: {  	_ = 	snop  }
0x3b: {  	_ = 	snop  }
0x3c: {  	p2 =	seq.s32 s10, $0x1;
	s10 =	sld [smem:$0x3FB4]  }
0x3d: {  	_ =	shalt  }
0x3e: {  	_ =	shalt  }
0x3f: {  	_ =	shalt  }
0x40: {  	_ =	shalt  }
0x41: {  	_ =	shalt  }
0x42: {  	_ =	shalt  }
0x43: {  	_ =	shalt  }
0x44: {  	_ =	shalt  }
0x45: {  	_ =	shalt  }
0x46: {  	_ =	shalt  }
0x47: {  	_ =	shalt  }
0x48: {  	_ =	shalt  }
0x49: {  	_ =	shalt  }
0x4a: {  	_ =	shalt  }
0x4b: {  	_ =	shalt  }
0x4c: {  	_ =	shalt  }
0x4d: {  	_ =	shalt  }
0x4e: {  	_ =	shalt  }
0x4f: {  	_ =	shalt  }
0x50: {  	_ =	shalt  }
0x51: {  	_ =	shalt  }
0x52: {  	_ =	shalt  }
0x53: {  	_ =	shalt  }
0x54: {  	_ =	shalt  }
0x55: {  	_ =	shalt  }
0x56: {  	_ =	shalt  }
0x57: {  	_ =	shalt  }
0x58: {  	_ =	shalt  }
0x59: {  	_ =	shalt  }
0x5a: {  	_ =	shalt  }
0x5b: {  	_ =	shalt  }
0x5c: {  	_ =	shalt  }
0x5d: {  	_ =	shalt  }
0x5e: {  	_ =	shalt  }
0x5f: {  	_ =	shalt  }
0x60: {  	_ =	shalt  }
0x61: {  	_ =	shalt  }
0x62: {  	_ =	shalt  }
0x63: {  	_ =	shalt  }
0x64: {  	_ =	shalt  }
0x65: {  	_ =	shalt  }
0x66: {  	_ =	shalt  }
0x67: {  	_ =	shalt  }
0x68: {  	_ =	shalt  }
0x69: {  	_ =	shalt  }
0x6a: {  	_ =	shalt  }
0x6b: {  	_ =	shalt  }
0x6c: {  	_ =	shalt  }
0x6d: {  	_ =	shalt  }
0x6e: {  	_ =	shalt  }
0x6f: {  	_ =	shalt  }
0x70: {  	_ =	shalt  }
0x71: {  	_ =	shalt  }
0x72: {  	_ =	shalt  }
0x73: {  	_ =	shalt  }
0x74: {  	_ =	shalt  }
0x75: {  	_ =	shalt  }
0x76: {  	_ =	shalt  }
0x77: {  	_ =	shalt  }
0x78: {  	_ =	shalt  }
0x79: {  	_ =	shalt  }
0x7a: {  	_ =	shalt  }
0x7b: {  	_ =	shalt  }
0x7c: {  	_ =	shalt  }
0x7d: {  	_ =	shalt  }
0x7e: {  	_ =	shalt  }
0x7f: {  	_ =	shalt  }
0x80: {  	_ =	shalt  }
0x81: {  	_ =	shalt  }
0x82: {  	_ =	shalt  }
0x83: {  	_ =	shalt  }
0x84: {  	_ =	shalt  }
0x85: {  	_ =	shalt  }
0x86: {  	_ =	shalt  }
0x87: {  	_ =	shalt  }
.Lfunc_end0:
.L_simem_size_0:
called_computation.2_lowered:
.L_overlay_start_0:
0x88: {  	s2 =	sld [smem:$0x3FD9]  }
0x89: {  	s3 =	sld [smem:$0x3FFE];
	_ =	sdelay $0x1  }
0x8a: {  	s1 =	srdreg.scid  }
0x8b: {  	s0 =	sand.u32 $0x1, s1  }
0x8c: {  	s15 =	sshll.u32 s0, $0xA;
	s2 =	sadd.s32 s3, s2  }
0x8d: {  	s2 =	sadd.s32 s2, s15  }
0x8e: {  	[smem:$0x3FC0] =	sst s2  }
0x8f: {  	_ = 	snop  }
0x90: {  	s2 =	sld [smem:$0x3FD0];
	_ =	sdelay $0x2  }
0x91: {  	s4 =	simm.s32 $0xD;
	s16 =	simm.s32 $0x10  }
0x92: {  	[smem:s16], [sflag:s4] =	dma.local [hbm:s2], $0x1  }
0x93: {  	_ =	swait.eq [sflag:s4], $0x1  }
0x94: {  	[sflag:s4] =	ssyncset.done $0x0  }
0x95: {  	s17 =	sld [smem:$0x10];
	[sflag:s4] =	ssyncadd.s32 $0xFFFFFFFF  }
0x96: {  	s18 =	sld [smem:$0x11];
	(tm) =	ssettm $0x1  }
0x97: {  	s19 =	sld [smem:$0x3FFB];
	_ =	sdelay $0x3  }
0x98: {  	_ =	strace s19  }
0x99: {  	s2 =	sld [smem:$0x3FFC];
	_ =	sdelay $0x3  }
0x9a: {  	_ =	strace s2  }
0x9b: {  	s2 =	sld [smem:$0x3FFD];
	_ =	sdelay $0x3  }
0x9c: {  	_ =	strace s2  }
0x9d: {  	_ =	strace $0x8FFFFFFF  }
0x9e: {  	s20 =	sld [smem:$0x3FDB];
	_ =	sdelay $0x1  }
0x9f: {  	s5 =	simm.s32 $_scs_section_size  }
0xa0: {  	s6 =	simm.s32 $_size__tile_overlayer_lowered;
	s7 =	simm.s32 $_tile_overlayer_lowered  }
0xa1: {  	s8 =	simm.s32 $0x1BFF;
	s21 =	sshll.u32 s7, $0x1;
	s5 =	sadd.s32 s5, s20  }
0xa2: {  	s22 =	simm.s32 $0x0;
	s6 =	sshll.u32 s6, $0x1;
	s7 =	sadd.s32 s21, s5  }
0xa3: {  	[timem:s22], [sflag:s8] =	dma.local [hbm:s7], s6  }
0xa4: {  	_ =	swait.ge [sflag:s8], s6  }
0xa5: {  	s6 =	ssub.s32 $0x0, s6;
	[sflag:s8] =	ssyncset.done $0x0  }
0xa6: {  	[sflag:s8] =	ssyncadd.s32 s6;
	_ =	sdelay $0x1  }
0xa7: {  	s23 =	simm.s32 $0x1B8B  }
0xa8: {  	_ =	swait.ge [sflag:s23], $0x1  }
0xa9: {  	[sflag:s23] =	ssyncset.done $0x0  }
0xaa: {  	[sflag:s23] =	ssyncadd.s32 $0xFFFFFFFF  }
0xab: {  	s6 =	sld [smem:$0x0]  }
0xac: {  	s7 =	sand.u32 $0xFFFFFFFE, s1  }
0xad: {  	p0 =	sne.s32 s1, s7  }
0xae: {  	s7 =	sshll.u32 @p0 s7, $0xE  }
0xaf: {  	s7 =	sadd.s32 @p0 $0x11B8D, s7;
	s8 =	sshll.u32 @p0 s6, $0x11  }
0xb0: {  	s7 =	sor.u32 @p0 s8, s7  }
0xb1: {  	[sflag:s7] =	ssyncadd.remote.s32 @p0 $0x1;
	_ =	sdelay $0x1  }
0xb2: {  	s7 =	simm.s32 @p0 $0x1B8D  }
0xb3: {  	_ =	swait.eq @p0 [sflag:s7], $0x1  }
0xb4: {  	[sflag:s7] =	ssyncadd.s32 @p0 $0xFFFFFFFF  }
0xb5: {  	s8 =	sshll.u32 @!p0 s1, $0xE  }
0xb6: {  	s8 =	sor.u32 @!p0 $0x4000, s8;
	s7 =	simm.s32 @!p0 $0x1B8D  }
0xb7: {  	s6 =	sshll.u32 @!p0 s6, $0x11;
	s8 =	sadd.s32 @!p0 $0x11B8D, s8;
	_ =	swait.eq @!p0 [sflag:s7], $0x1  }
0xb8: {  	s6 =	sor.u32 @!p0 s6, s8;
	[sflag:s7] =	ssyncadd.s32 @!p0 $0xFFFFFFFF  }
0xb9: {  	s25 =	simm.s32 $0x1B8E;
	s24 =	sld [smem:$0x3FFE];
	[sflag:s6] =	ssyncadd.remote.s32 @!p0 $0x1  }
0xba: {  	s26 =	simm.s32 $execute0_lowered;
	[smem:$0x3FD2] =	sst s25  }
0xbb: {  	s7 =	sshll.u32 s26, $0x1;
	_ =	strace $0x80000052;
	[dreg:$0x1] =	wrdreg $0xFFFFFFFF  }
0xbc: {  	s28 =	simm.s32 $_size_execute0_lowered;
	s5 =	sadd.s32 s5, s7;
	[dreg:$0x0] =	wrdreg $0x0  }
0xbd: {  	s7 =	sshll.u32 s28, $0x1;
	[dreg:$0x2] =	wrdreg s5  }
0xbe: {  	[dreg:$0x3] =	wrdreg s7  }
0xbf: {  	[dreg:$0x4] =	wrdreg $0xC0  }
0xc0: {  	_ =	task [dreg:s22], $0x5FFFF  }
0xc1: {  	[dreg:$0x1] =	wrdreg $0xFFFFFFFF  }
0xc2: {  	[dreg:$0x0] =	wrdreg $0x60  }
0xc3: {  	[dreg:$0x2] =	wrdreg s24  }
0xc4: {  	[dreg:$0x3] =	wrdreg s18  }
0xc5: {  	[dreg:$0x4] =	wrdreg s17  }
0xc6: {  	[dreg:$0x5] =	wrdreg $0x84000  }
0xc7: {  	[dreg:$0x6] =	wrdreg $0xB  }
0xc8: {  	_ =	task.clear_ibuf [dreg:s22], $0x7FFFF;
	_ =	strace $0x90000052  }
0xc9: {  	s29 =	simm.s32 $0xB;
	_ =	strace $0x80000054  }
0xca: {  	_ =	swait.ge [sflag:s29], $0x1  }
0xcb: {  	[sflag:s29] =	ssyncadd.s32 $0xFFFFFFFF  }
0xcc: {  	_ =	strace $0x90000054  }
0xcd: {  	_ =	sfence  }
0xce: {  	s30 =	sld [smem:$0x0];
	_ =	sdelay $0x2  }
0xcf: {  	s31 =	sshll.u32 s1, $0xD;
	s1 =	sshrl.u32 s1, $0x2  }
0xd0: {  	s4 =	sand.u32 $0x4000, s31;
	s1 =	sadd.s32 s1, s30  }
0xd1: {  	s0 =	sor.u32 s4, s0;
	s1 =	sshll.u32 s1, $0x11  }
0xd2: {  	s0 =	sor.u32 s1, s0  }
0xd3: {  	s0 =	sadd.s32 $0x8F2B, s0  }
0xd4: {  	[sflag:s0] =	ssyncadd.remote.s32 $0x1  }
0xd5: {  	_ =	sfence.sel $0xFFFF  }
0xd6: {  	[dreg:$0x0] =	wrdreg $0xFFFFFFFF;
	(pc) =	sbr.abs _section_cstart, $3  }
0xd7: {  	[dreg:$0x1] =	wrdreg $0xFFFFFFFF  }
0xd8: {  	_ =	task.clear_ibuf [dreg:s22], $0x2FFFF;
	_ =	strace $0x9FFFFFFF  }
0xd9: {  	(tm) =	ssettm $0x7FFFFFFF  }
tec
execute0_lowered:
.L_overlay_start_1:
0x0: {  	(tag) =	ssettag $0x1  }
0x1: {  	s1 =	rddreg [dreg:$0x0]  }
0x2: {  	s0 =	rddreg [dreg:$0x1]  }
0x3: {  	s5 =	rddreg [dreg:$0x2]  }
0x4: {  	s2 =	rddreg [dreg:$0x3]  }
0x5: {  	s4 =	srdreg.scid;
	s11 =	stileid.u32;
	s3 =	simm.s32 $0x0  }
0x6: {  	s28 =	simm.s32 $0x400;
	s29 =	simm.s32 $0x2;
	s30 =	simm.s32 $0x4400  }
0x7: {  	s31 =	simm.s32 $0x9;
	s6 =	sand.u32 $0x1, s4;
	s7 =	smul.u32 $0x2800, s11  }
0x8: {  	[smem:$0x7FF] =	sst s3;
	s4 =	sadd.s32 $0x1FC00, s1;
	s19 =	smul.u32 $0x50000, s11  }
0x9: {  	s9 =	sadd.s32 $0x1600, s1;
	s18 =	sshll.u32 s11, $0x1;
	s22 =	smul.u32 $0x5000, s11  }
0xa: {  	s23 =	sshll.u32 s11, $0x6;
	s8 =	smul.u32 $0x28000, s6;
	s20 =	ssub.s32 $0x2, s6  }
0xb: {  	_ =	strace $0x80000053;
	[dreg:$0xd] =	wrdreg s9;
	s10 =	sshrl.u32 s20, $0x1  }
0xc: {  	s9 =	sshrl.u32 s19, $0x2;
	s7 =	sadd.s32 s7, s8;
	s8 =	sor.u32 s6, s18  }
0xd: {  	s10 =	ssub.s32 s20, s10;
	s21 =	sadd.s32 s9, s2;
	s6 =	smul.u32 $0x2800, s6  }
0xe: {  	s1 =	sadd.s32 s7, s1;
	s8 =	smul.u32 $0x2800, s8;
	[dreg:$0xe] =	wrdreg s21  }
0xf: {  	s7 =	sor.u32 $0x1C0B, s23;
	s6 =	sadd.s32 s6, s22;
	s1 =	sadd.s32 $0x6FC00, s1  }
0x10: {  	s8 =	sshrl.u32 s8, $0x3;
	s14 =	sor.u32 $0x380, s6;
	s17 =	sor.u32 $0x300, s6  }
0x11: {  	s20 =	sor.u32 $0x280, s6;
	s6 =	sor.u32 $0x200, s6;
	[dreg:$0x17] =	wrdreg s1  }
0x12: {  	s1 =	simm.s32 $0x3;
	s24 =	sadd.s32 s0, s8;
	s25 =	sor.u32 $0x10, s8  }
0x13: {  	s12 =	sadd.s32 s5, s8;
	s13 =	sor.u32 $0x20, s8;
	[dreg:$0xf] =	wrdreg s24  }
0x14: {  	s16 =	sshrl.u32 s14, $0x3;
	[dreg:$0x10] =	wrdreg s12;
	s26 =	sadd.s32 s0, s25  }
0x15: {  	s8 =	sor.u32 $0x30, s8;
	s12 =	sadd.s32 s5, s25;
	[dreg:$0x11] =	wrdreg s26  }
0x16: {  	s18 =	sshrl.u32 s17, $0x3;
	s15 =	sadd.s32 s0, s13;
	[dreg:$0x12] =	wrdreg s12  }
0x17: {  	s22 =	sshrl.u32 s20, $0x3;
	s9 =	sadd.s32 s5, s13;
	[dreg:$0x13] =	wrdreg s15  }
0x18: {  	s6 =	sshrl.u32 s6, $0x3;
	s11 =	sadd.s32 s16, s5;
	[dreg:$0x14] =	wrdreg s9  }
0x19: {  	s17 =	smax.u32 s10, $0x1;
	s19 =	sadd.s32 s18, s5;
	[dreg:$0x5] =	wrdreg s11  }
0x1a: {  	s20 =	simm.s32 $0x80;
	s21 =	sadd.s32 s18, s0;
	[dreg:$0x7] =	wrdreg s19  }
0x1b: {  	s10 =	simm.s32 $0x8;
	s23 =	sadd.s32 s22, s5;
	[dreg:$0x8] =	wrdreg s21  }
0x1c: {  	s24 =	sadd.s32 s22, s0;
	s25 =	sadd.s32 s0, s8;
	[dreg:$0x9] =	wrdreg s23  }
0x1d: {  	s18 =	simm.s32 $0xB;
	s22 =	simm.s32 $0x100;
	[dreg:$0x15] =	wrdreg s25  }
0x1e: {  	s9 =	sadd.s32 s16, s0;
	[dreg:$0xa] =	wrdreg s24;
	s26 =	sadd.s32 s6, s5  }
0x1f: {  	s5 =	sadd.s32 s5, s8;
	s0 =	sadd.s32 s6, s0;
	s19 =	simm.s32 $0x200  }
0x20: {  	s21 =	simm.s32 $0x280;
	s23 =	simm.s32 $0x300;
	[dreg:$0x6] =	wrdreg s9  }
0x21: {  	s24 =	simm.s32 $0x180;
	s25 =	simm.s32 $0x380;
	[dreg:$0x16] =	wrdreg s5  }
0x22: {  	s6 =	simm.s32 $0x6;
	s8 =	simm.s32 $0x4;
	[dreg:$0xb] =	wrdreg s26  }
0x23: {  	s11 =	simm.s32 $0x0;
	[dreg:$0xc] =	wrdreg s0;
	s26 =	simm.s32 $0x1  }
0x24: {  	s0 =	simm.s32 $0x5;
	s5 =	simm.s32 $0xA;
	s9 =	simm.s32 $0x7  }
.LBB2_1:
0x25: {  	s12 =	rddreg [dreg:$0xe]  }
0x26: {  	s13 =	rddreg [dreg:$0xd];
	s12 =	sshrl.u32 s12, $0x3  }
0x27: {  	[spmem:s12], [sflag:s7] =	dma.local [hbm:s13], $0x2800  }
0x28: {  	_ =	swait.ge [sflag:s18], $0x2800  }
0x29: {  	[sflag:s18] =	ssyncset.done $0x0  }
0x2a: {  	[sflag:s18] =	ssyncadd.s32 $0xFFFFD800  }
0x2b: {  	[bflag:$0x0] =	sbarrier.arrive $0xFFFF  }
0x2c: {  	s16 =	rddreg [dreg:$0xf]  }
0x2d: {  	[tilespmem:s3], [sflag:$0x1] =	stream.linear.gather [hbm4b:s16+s3], $0x80, $0x38;
	[tilespmem:$0x1C400] =	vst v63  }
0x2e: {  	s14 =	rddreg [dreg:$0x10]  }
0x2f: {  	[tilespmem:s19], [sflag:$0x5] =	stream.linear.gather [hbm4b:s14+s3], $0x80, $0x38;
	[tilespmem:$0x1C400] =	vst v63  }
0x30: {  	s15 =	rddreg [dreg:$0x11]  }
0x31: {  	[tilespmem:s20], [sflag:$0x2] =	stream.linear.gather [hbm4b:s15+s3], $0x80, $0x38;
	[tilespmem:$0x1C400] =	vst v63  }
0x32: {  	s16 =	rddreg [dreg:$0x12]  }
0x33: {  	[tilespmem:s21], [sflag:$0x6] =	stream.linear.gather [hbm4b:s16+s3], $0x80, $0x38;
	[tilespmem:$0x1C400] =	vst v63  }
0x34: {  	s14 =	rddreg [dreg:$0x13]  }
0x35: {  	[tilespmem:s22], [sflag:$0x3] =	stream.linear.gather [hbm4b:s14+s3], $0x80, $0x38;
	[tilespmem:$0x1C400] =	vst v63  }
0x36: {  	s15 =	rddreg [dreg:$0x14]  }
0x37: {  	[tilespmem:s23], [sflag:$0x7] =	stream.linear.gather [hbm4b:s15+s3], $0x80, $0x38;
	[tilespmem:$0x1C400] =	vst v63  }
0x38: {  	s16 =	rddreg [dreg:$0x15]  }
0x39: {  	[tilespmem:s24], [sflag:$0x4] =	stream.linear.gather [hbm4b:s16+s3], $0x80, $0x38;
	[tilespmem:$0x1C400] =	vst v63  }
0x3a: {  	s14 =	rddreg [dreg:$0x16]  }
0x3b: {  	[tilespmem:s25], [sflag:$0x8] =	stream.linear.gather [hbm4b:s14+s3], $0x80, $0x38;
	[tilespmem:$0x1C400] =	vst v63  }
0x3c: {  	_ =	swait.ge [sflag:s26], $0x80  }
0x3d: {  	[sflag:s26] =	ssyncset.done $0x0  }
0x3e: {  	[sflag:s26] =	ssyncadd.s32 $0xFFFFFF80  }
0x3f: {  	[tilespmem:s28], [sflag:$0x9] =	stream.indirect.gather [hbm4b:s4+s20], $0x80, s3, s20, $0xb8;
	[tilespmem:$0x1C400] =	vst v63  }
0x40: {  	_ =	swait.ge [sflag:s29], $0x80  }
0x41: {  	[sflag:s29] =	ssyncset.done $0x0  }
0x42: {  	[sflag:s29] =	ssyncadd.s32 $0xFFFFFF80  }
0x43: {  	[tilespmem:s30], [sflag:$0xA] =	stream.indirect.gather [hbm4b:s4+s20], $0x80, s20, s20, $0xb8;
	[tilespmem:$0x1C400] =	vst v63  }
0x44: {  	_ =	swait.ge [sflag:s31], $0x4000  }
0x45: {  	[sflag:s31] =	ssyncset.done $0x0  }
0x46: {  	[sflag:s31] =	ssyncadd.s32 $0xFFFFC000  }
0x47: {  	_ =	swait.ge [sflag:s0], $0x80  }
0x48: {  	[sflag:s0] =	ssyncset.done $0x0  }
0x49: {  	[sflag:s0] =	ssyncadd.s32 $0xFFFFFF80  }
0x4a: {  	[spmem:s2] =	stream.indirect.scatter.add.f32 [tilespmem:s28], [sflag:$0xB], $0x80, s19, s20, $0xb8;
	[tilespmem:$0x1C400] =	vst v63  }
0x4b: {  	_ =	swait.ge [sflag:s18], $0x4000  }
0x4c: {  	s15 =	rddreg [dreg:$0xc];
	[sflag:s18] =	ssyncset.done $0x0  }
0x4d: {  	s14 =	rddreg [dreg:$0xb];
	[sflag:s18] =	ssyncadd.s32 $0xFFFFC000;
	s13 =	sadd.s32 $0x0, s15  }
0x4e: {  	[tilespmem:s3], [sflag:$0x1] =	stream.linear.gather [hbm4b:s13+s3], $0x80, $0x38;
	[tilespmem:$0x1C400] =	vst v63  }
0x4f: {  	s16 =	sadd.s32 $0x0, s14  }
0x50: {  	[tilespmem:s19], [sflag:$0x5] =	stream.linear.gather [hbm4b:s16+s3], $0x80, $0x38;
	[tilespmem:$0x1C400] =	vst v63  }
0x51: {  	_ =	swait.ge [sflag:s1], $0x80  }
0x52: {  	[sflag:s1] =	ssyncset.done $0x0  }
0x53: {  	[sflag:s1] =	ssyncadd.s32 $0xFFFFFF80  }
0x54: {  	[tilespmem:s28], [sflag:$0x9] =	stream.indirect.gather [hbm4b:s4+s20], $0x80, s22, s20, $0xb8;
	[tilespmem:$0x1C400] =	vst v63  }
0x55: {  	_ =	swait.ge [sflag:s5], $0x4000  }
0x56: {  	[sflag:s5] =	ssyncset.done $0x0  }
0x57: {  	[sflag:s5] =	ssyncadd.s32 $0xFFFFC000  }
0x58: {  	_ =	swait.ge [sflag:s6], $0x80  }
0x59: {  	[sflag:s6] =	ssyncset.done $0x0  }
0x5a: {  	[sflag:s6] =	ssyncadd.s32 $0xFFFFFF80  }
0x5b: {  	[spmem:s2] =	stream.indirect.scatter.add.f32 [tilespmem:s30], [sflag:$0xB], $0x80, s21, s20, $0xb8;
	[tilespmem:$0x1C400] =	vst v63  }
0x5c: {  	_ =	swait.ge [sflag:s18], $0x4000  }
0x5d: {  	s14 =	rddreg [dreg:$0xa];
	[sflag:s18] =	ssyncset.done $0x0  }
0x5e: {  	s15 =	rddreg [dreg:$0x9];
	[sflag:s18] =	ssyncadd.s32 $0xFFFFC000;
	s13 =	sadd.s32 $0x0, s14  }
0x5f: {  	[tilespmem:s20], [sflag:$0x2] =	stream.linear.gather [hbm4b:s13+s3], $0x80, $0x38;
	[tilespmem:$0x1C400] =	vst v63  }
0x60: {  	s16 =	sadd.s32 $0x0, s15  }
0x61: {  	[tilespmem:s21], [sflag:$0x6] =	stream.linear.gather [hbm4b:s16+s3], $0x80, $0x38;
	[tilespmem:$0x1C400] =	vst v63  }
0x62: {  	_ =	swait.ge [sflag:s8], $0x80  }
0x63: {  	[sflag:s8] =	ssyncset.done $0x0  }
0x64: {  	[sflag:s8] =	ssyncadd.s32 $0xFFFFFF80  }
0x65: {  	[tilespmem:s30], [sflag:$0xA] =	stream.indirect.gather [hbm4b:s4+s20], $0x80, s24, s20, $0xb8;
	[tilespmem:$0x1C400] =	vst v63  }
0x66: {  	_ =	swait.ge [sflag:s31], $0x4000  }
0x67: {  	[sflag:s31] =	ssyncset.done $0x0  }
0x68: {  	[sflag:s31] =	ssyncadd.s32 $0xFFFFC000  }
0x69: {  	_ =	swait.ge [sflag:s9], $0x80  }
0x6a: {  	[sflag:s9] =	ssyncset.done $0x0  }
0x6b: {  	[sflag:s9] =	ssyncadd.s32 $0xFFFFFF80  }
0x6c: {  	[spmem:s2] =	stream.indirect.scatter.add.f32 [tilespmem:s28], [sflag:$0xB], $0x80, s23, s20, $0xb8;
	[tilespmem:$0x1C400] =	vst v63  }
0x6d: {  	_ =	swait.ge [sflag:s18], $0x4000  }
0x6e: {  	s14 =	rddreg [dreg:$0x8];
	[sflag:s18] =	ssyncset.done $0x0  }
0x6f: {  	s15 =	rddreg [dreg:$0x7];
	[sflag:s18] =	ssyncadd.s32 $0xFFFFC000;
	s13 =	sadd.s32 $0x0, s14  }
0x70: {  	[tilespmem:s22], [sflag:$0x3] =	stream.linear.gather [hbm4b:s13+s3], $0x80, $0x38;
	[tilespmem:$0x1C400] =	vst v63  }
0x71: {  	s16 =	sadd.s32 $0x0, s15  }
0x72: {  	[tilespmem:s23], [sflag:$0x7] =	stream.linear.gather [hbm4b:s16+s3], $0x80, $0x38;
	[tilespmem:$0x1C400] =	vst v63  }
0x73: {  	_ =	swait.ge [sflag:s26], $0x80  }
0x74: {  	[sflag:s26] =	ssyncset.done $0x0  }
0x75: {  	[sflag:s26] =	ssyncadd.s32 $0xFFFFFF80  }
0x76: {  	[tilespmem:s28], [sflag:$0x9] =	stream.indirect.gather [hbm4b:s4+s20], $0x80, s3, s20, $0xb8;
	[tilespmem:$0x1C400] =	vst v63  }
0x77: {  	_ =	swait.ge [sflag:s5], $0x4000  }
0x78: {  	[sflag:s5] =	ssyncset.done $0x0  }
0x79: {  	[sflag:s5] =	ssyncadd.s32 $0xFFFFC000  }
0x7a: {  	_ =	swait.ge [sflag:s10], $0x80  }
0x7b: {  	[sflag:s10] =	ssyncset.done $0x0  }
0x7c: {  	[sflag:s10] =	ssyncadd.s32 $0xFFFFFF80  }
0x7d: {  	[spmem:s2] =	stream.indirect.scatter.add.f32 [tilespmem:s30], [sflag:$0xB], $0x80, s25, s20, $0xb8;
	[tilespmem:$0x1C400] =	vst v63  }
0x7e: {  	_ =	swait.ge [sflag:s18], $0x4000  }
0x7f: {  	s14 =	rddreg [dreg:$0x6];
	[sflag:s18] =	ssyncset.done $0x0  }
0x80: {  	s15 =	rddreg [dreg:$0x5];
	[sflag:s18] =	ssyncadd.s32 $0xFFFFC000;
	s13 =	sadd.s32 $0x0, s14  }
0x81: {  	[tilespmem:s24], [sflag:$0x4] =	stream.linear.gather [hbm4b:s13+s3], $0x80, $0x38;
	[tilespmem:$0x1C400] =	vst v63  }
0x82: {  	s16 =	sadd.s32 $0x0, s15  }
0x83: {  	[tilespmem:s25], [sflag:$0x8] =	stream.linear.gather [hbm4b:s16+s3], $0x80, $0x38;
	[tilespmem:$0x1C400] =	vst v63  }
0x84: {  	_ =	swait.ge [sflag:s29], $0x80  }
0x85: {  	[sflag:s29] =	ssyncset.done $0x0  }
0x86: {  	s13 =	simm.s32 $0x40;
	[sflag:s29] =	ssyncadd.s32 $0xFFFFFF80  }
.LBB2_2:
0x87: {  	[tilespmem:s30], [sflag:$0xA] =	stream.indirect.gather [hbm4b:s4+s20], $0x80, s20, s20, $0xb8;
	[tilespmem:$0x1C400] =	vst v63  }
0x88: {  	_ =	swait.ge [sflag:s31], $0x4000  }
0x89: {  	[sflag:s31] =	ssyncset.done $0x0  }
0x8a: {  	[sflag:s31] =	ssyncadd.s32 $0xFFFFC000  }
0x8b: {  	_ =	swait.ge [sflag:s0], $0x80  }
0x8c: {  	[sflag:s0] =	ssyncset.done $0x0  }
0x8d: {  	[sflag:s0] =	ssyncadd.s32 $0xFFFFFF80  }
0x8e: {  	[spmem:s2] =	stream.indirect.scatter.add.f32 [tilespmem:s28], [sflag:$0xB], $0x80, s19, s20, $0xb8;
	[tilespmem:$0x1C400] =	vst v63  }
0x8f: {  	_ =	swait.ge [sflag:s18], $0x4000  }
0x90: {  	s14 =	smov.u32 s13;
	s15 =	rddreg [dreg:$0xc];
	[sflag:s18] =	ssyncset.done $0x0  }
0x91: {  	s16 =	rddreg [dreg:$0xb];
	[sflag:s18] =	ssyncadd.s32 $0xFFFFC000;
	s15 =	sadd.s32 s14, s15  }
0x92: {  	[tilespmem:s3], [sflag:$0x1] =	stream.linear.gather [hbm4b:s15+s3], $0x80, $0x38;
	[tilespmem:$0x1C400] =	vst v63  }
0x93: {  	s16 =	sadd.s32 s14, s16  }
0x94: {  	[tilespmem:s19], [sflag:$0x5] =	stream.linear.gather [hbm4b:s16+s3], $0x80, $0x38;
	[tilespmem:$0x1C400] =	vst v63  }
0x95: {  	_ =	swait.ge [sflag:s1], $0x80  }
0x96: {  	[sflag:s1] =	ssyncset.done $0x0  }
0x97: {  	[sflag:s1] =	ssyncadd.s32 $0xFFFFFF80  }
0x98: {  	[tilespmem:s28], [sflag:$0x9] =	stream.indirect.gather [hbm4b:s4+s20], $0x80, s22, s20, $0xb8;
	[tilespmem:$0x1C400] =	vst v63  }
0x99: {  	_ =	swait.ge [sflag:s5], $0x4000  }
0x9a: {  	[sflag:s5] =	ssyncset.done $0x0  }
0x9b: {  	[sflag:s5] =	ssyncadd.s32 $0xFFFFC000  }
0x9c: {  	_ =	swait.ge [sflag:s6], $0x80  }
0x9d: {  	[sflag:s6] =	ssyncset.done $0x0  }
0x9e: {  	[sflag:s6] =	ssyncadd.s32 $0xFFFFFF80  }
0x9f: {  	[spmem:s2] =	stream.indirect.scatter.add.f32 [tilespmem:s30], [sflag:$0xB], $0x80, s21, s20, $0xb8;
	[tilespmem:$0x1C400] =	vst v63  }
0xa0: {  	_ =	swait.ge [sflag:s18], $0x4000  }
0xa1: {  	s15 =	rddreg [dreg:$0xa];
	[sflag:s18] =	ssyncset.done $0x0  }
0xa2: {  	s16 =	rddreg [dreg:$0x9];
	[sflag:s18] =	ssyncadd.s32 $0xFFFFC000;
	s15 =	sadd.s32 s14, s15  }
0xa3: {  	[tilespmem:s20], [sflag:$0x2] =	stream.linear.gather [hbm4b:s15+s3], $0x80, $0x38;
	[tilespmem:$0x1C400] =	vst v63  }
0xa4: {  	s16 =	sadd.s32 s14, s16  }
0xa5: {  	[tilespmem:s21], [sflag:$0x6] =	stream.linear.gather [hbm4b:s16+s3], $0x80, $0x38;
	[tilespmem:$0x1C400] =	vst v63  }
0xa6: {  	_ =	swait.ge [sflag:s8], $0x80  }
0xa7: {  	[sflag:s8] =	ssyncset.done $0x0  }
0xa8: {  	[sflag:s8] =	ssyncadd.s32 $0xFFFFFF80  }
0xa9: {  	[tilespmem:s30], [sflag:$0xA] =	stream.indirect.gather [hbm4b:s4+s20], $0x80, s24, s20, $0xb8;
	[tilespmem:$0x1C400] =	vst v63  }
0xaa: {  	_ =	swait.ge [sflag:s31], $0x4000  }
0xab: {  	[sflag:s31] =	ssyncset.done $0x0  }
0xac: {  	[sflag:s31] =	ssyncadd.s32 $0xFFFFC000  }
0xad: {  	_ =	swait.ge [sflag:s9], $0x80  }
0xae: {  	[sflag:s9] =	ssyncset.done $0x0  }
0xaf: {  	[sflag:s9] =	ssyncadd.s32 $0xFFFFFF80  }
0xb0: {  	[spmem:s2] =	stream.indirect.scatter.add.f32 [tilespmem:s28], [sflag:$0xB], $0x80, s23, s20, $0xb8;
	[tilespmem:$0x1C400] =	vst v63  }
0xb1: {  	_ =	swait.ge [sflag:s18], $0x4000  }
0xb2: {  	s15 =	rddreg [dreg:$0x8];
	[sflag:s18] =	ssyncset.done $0x0  }
0xb3: {  	s16 =	rddreg [dreg:$0x7];
	[sflag:s18] =	ssyncadd.s32 $0xFFFFC000;
	s15 =	sadd.s32 s14, s15  }
0xb4: {  	[tilespmem:s22], [sflag:$0x3] =	stream.linear.gather [hbm4b:s15+s3], $0x80, $0x38;
	[tilespmem:$0x1C400] =	vst v63  }
0xb5: {  	s16 =	sadd.s32 s14, s16  }
0xb6: {  	[tilespmem:s23], [sflag:$0x7] =	stream.linear.gather [hbm4b:s16+s3], $0x80, $0x38;
	[tilespmem:$0x1C400] =	vst v63  }
0xb7: {  	_ =	swait.ge [sflag:s26], $0x80  }
0xb8: {  	[sflag:s26] =	ssyncset.done $0x0  }
0xb9: {  	[sflag:s26] =	ssyncadd.s32 $0xFFFFFF80  }
0xba: {  	[tilespmem:s28], [sflag:$0x9] =	stream.indirect.gather [hbm4b:s4+s20], $0x80, s3, s20, $0xb8;
	[tilespmem:$0x1C400] =	vst v63  }
0xbb: {  	_ =	swait.ge [sflag:s5], $0x4000  }
0xbc: {  	[sflag:s5] =	ssyncset.done $0x0  }
0xbd: {  	[sflag:s5] =	ssyncadd.s32 $0xFFFFC000  }
0xbe: {  	_ =	swait.ge [sflag:s10], $0x80  }
0xbf: {  	[sflag:s10] =	ssyncset.done $0x0  }
0xc0: {  	[sflag:s10] =	ssyncadd.s32 $0xFFFFFF80  }
0xc1: {  	[spmem:s2] =	stream.indirect.scatter.add.f32 [tilespmem:s30], [sflag:$0xB], $0x80, s25, s20, $0xb8;
	[tilespmem:$0x1C400] =	vst v63  }
0xc2: {  	_ =	swait.ge [sflag:s18], $0x4000  }
0xc3: {  	p0 =	sne.s32 s13, $0x480;
	s15 =	rddreg [dreg:$0x6];
	[sflag:s18] =	ssyncset.done $0x0  }
0xc4: {  	s16 =	rddreg [dreg:$0x5];
	[sflag:s18] =	ssyncadd.s32 $0xFFFFC000;
	s15 =	sadd.s32 s14, s15  }
0xc5: {  	[tilespmem:s24], [sflag:$0x4] =	stream.linear.gather [hbm4b:s15+s3], $0x80, $0x38;
	[tilespmem:$0x1C400] =	vst v63  }
.Ltmp0:
0xc6: {  	s14 =	sadd.s32 s14, s16;
	(pc) =	sbr.rel @p0 .LBB2_2-.Ltmp0, $4  }
0xc7: {  	[tilespmem:s25], [sflag:$0x8] =	stream.linear.gather [hbm4b:s14+s3], $0x80, $0x38;
	[tilespmem:$0x1C400] =	vst v63  }
0xc8: {  	_ =	swait.ge [sflag:s29], $0x80  }
0xc9: {  	[sflag:s29] =	ssyncset.done $0x0  }
0xca: {  	s13 =	sadd.s32 $0x40, s13;
	[sflag:s29] =	ssyncadd.s32 $0xFFFFFF80  }
0xcb: {  	[tilespmem:s30], [sflag:$0xA] =	stream.indirect.gather [hbm4b:s4+s20], $0x80, s20, s20, $0xb8;
	[tilespmem:$0x1C400] =	vst v63  }
0xcc: {  	_ =	swait.ge [sflag:s31], $0x4000  }
0xcd: {  	[sflag:s31] =	ssyncset.done $0x0  }
0xce: {  	[sflag:s31] =	ssyncadd.s32 $0xFFFFC000  }
0xcf: {  	_ =	swait.ge [sflag:s0], $0x80  }
0xd0: {  	[sflag:s0] =	ssyncset.done $0x0  }
0xd1: {  	[sflag:s0] =	ssyncadd.s32 $0xFFFFFF80  }
0xd2: {  	[spmem:s2] =	stream.indirect.scatter.add.f32 [tilespmem:s28], [sflag:$0xB], $0x80, s19, s20, $0xb8;
	[tilespmem:$0x1C400] =	vst v63  }
0xd3: {  	_ =	swait.ge [sflag:s18], $0x4000  }
0xd4: {  	[sflag:s18] =	ssyncset.done $0x0  }
0xd5: {  	[sflag:s18] =	ssyncadd.s32 $0xFFFFC000  }
0xd6: {  	_ =	swait.ge [sflag:s1], $0x80  }
0xd7: {  	[sflag:s1] =	ssyncset.done $0x0  }
0xd8: {  	[sflag:s1] =	ssyncadd.s32 $0xFFFFFF80  }
0xd9: {  	[tilespmem:s28], [sflag:$0x9] =	stream.indirect.gather [hbm4b:s4+s20], $0x80, s22, s20, $0xb8;
	[tilespmem:$0x1C400] =	vst v63  }
0xda: {  	_ =	swait.ge [sflag:s5], $0x4000  }
0xdb: {  	[sflag:s5] =	ssyncset.done $0x0  }
0xdc: {  	[sflag:s5] =	ssyncadd.s32 $0xFFFFC000  }
0xdd: {  	_ =	swait.ge [sflag:s6], $0x80  }
0xde: {  	[sflag:s6] =	ssyncset.done $0x0  }
0xdf: {  	[sflag:s6] =	ssyncadd.s32 $0xFFFFFF80  }
0xe0: {  	[spmem:s2] =	stream.indirect.scatter.add.f32 [tilespmem:s30], [sflag:$0xB], $0x80, s21, s20, $0xb8;
	[tilespmem:$0x1C400] =	vst v63  }
0xe1: {  	_ =	swait.ge [sflag:s18], $0x4000  }
0xe2: {  	[sflag:s18] =	ssyncset.done $0x0  }
0xe3: {  	[sflag:s18] =	ssyncadd.s32 $0xFFFFC000  }
0xe4: {  	_ =	swait.ge [sflag:s8], $0x80  }
0xe5: {  	[sflag:s8] =	ssyncset.done $0x0  }
0xe6: {  	[sflag:s8] =	ssyncadd.s32 $0xFFFFFF80  }
0xe7: {  	[tilespmem:s30], [sflag:$0xA] =	stream.indirect.gather [hbm4b:s4+s20], $0x80, s24, s20, $0xb8;
	[tilespmem:$0x1C400] =	vst v63  }
0xe8: {  	_ =	swait.ge [sflag:s31], $0x4000  }
0xe9: {  	[sflag:s31] =	ssyncset.done $0x0  }
0xea: {  	[sflag:s31] =	ssyncadd.s32 $0xFFFFC000  }
0xeb: {  	_ =	swait.ge [sflag:s9], $0x80  }
0xec: {  	[sflag:s9] =	ssyncset.done $0x0  }
0xed: {  	[sflag:s9] =	ssyncadd.s32 $0xFFFFFF80  }
0xee: {  	[spmem:s2] =	stream.indirect.scatter.add.f32 [tilespmem:s28], [sflag:$0xB], $0x80, s23, s20, $0xb8;
	[tilespmem:$0x1C400] =	vst v63  }
0xef: {  	_ =	swait.ge [sflag:s18], $0x4000  }
0xf0: {  	[sflag:s18] =	ssyncset.done $0x0  }
0xf1: {  	[sflag:s18] =	ssyncadd.s32 $0xFFFFC000  }
0xf2: {  	_ =	swait.ge [sflag:s5], $0x4000  }
0xf3: {  	[sflag:s5] =	ssyncset.done $0x0  }
0xf4: {  	[sflag:s5] =	ssyncadd.s32 $0xFFFFC000  }
0xf5: {  	_ =	swait.ge [sflag:s10], $0x80  }
0xf6: {  	[sflag:s10] =	ssyncset.done $0x0  }
0xf7: {  	[sflag:s10] =	ssyncadd.s32 $0xFFFFFF80  }
0xf8: {  	[spmem:s2] =	stream.indirect.scatter.add.f32 [tilespmem:s30], [sflag:$0xB], $0x80, s25, s20, $0xb8;
	[tilespmem:$0x1C400] =	vst v63  }
0xf9: {  	_ =	swait.ge [sflag:s18], $0x4000  }
0xfa: {  	[sflag:s18] =	ssyncset.done $0x0  }
0xfb: {  	s11 =	sadd.s32 $0x1, s11;
	[sflag:s18] =	ssyncadd.s32 $0xFFFFC000  }
0xfc: {  	p0 =	sne.s32 s11, s17;
	[bflag:$0x0] =	sbarrier.arrive $0xFFFF  }
.Ltmp1:
0xfd: {  	s13 =	rddreg [dreg:$0x17];
	(pc) =	sbr.rel @p0 .LBB2_1-.Ltmp1, $4  }
0xfe: {  	[hbm:s13], [sflag:s7] =	dma.local [spmem:s12], $0x2800  }
0xff: {  	_ =	swait.ge [sflag:s18], $0x2800  }
0x100: {  	[sflag:s18] =	ssyncset.done $0x0  }
0x101: {  	[sflag:s18] =	ssyncadd.s32 $0xFFFFD800  }
0x102: {  	_ =	sfence.sel $0x180000  }
0x103: {  	[bflag:$0x0] =	sbarrier.arrive $0xFFFF  }
0x104: {  	_ =	strace $0x90000053  }
0x105: {  	s0 =	stileid.u32;
	[bflag:$0x2] =	sbarrier.arrive $0xFFFF  }
0x106: {  	p0 =	sne.s32 s0, $0x0;
	s0 =	rddreg [dreg:$0x4]  }
0x107: {  	s0 =	sadd.s32 @!p0 $0x100000, s0  }
0x108: {  	[sflag:s0] =	ssyncadd.tile.s32 @!p0 $0x1;
	_ =	shalt  }
.Lfunc_end2:
_tile_overlayer_lowered:
.L_overlay_start_2:
0x109: {  	(tag) =	ssettag $0x2  }
0x10a: {  	s0 =	rddreg [dreg:$0x0];
	s2 =	stileid.u32  }
0x10b: {  	s1 =	rddreg [dreg:$0x1];
	p0 =	sne.s32 s2, $0x0  }
0x10c: {  	s3 =	rddreg [dreg:$0x2];
	[bflag:$0x3] =	sbarrier.arrive $0xFFFF;
	s2 =	simm.s32 @!p0 $0x1C0B  }
0x10d: {  	[timem:s3], [sflag:s2] =	dma.local @!p0 [hbm:s0], s1  }
0x10e: {  	s0 =	simm.s32 @!p0 $0xB  }
0x10f: {  	_ =	swait.ge @!p0 [sflag:s0], s1  }
0x110: {  	s1 =	ssub.s32 @!p0 $0x0, s1;
	[sflag:s0] =	ssyncset.done @!p0 $0x0  }
0x111: {  	[sflag:s0] =	ssyncadd.s32 @!p0 s1  }
0x112: {  	[bflag:$0x3] =	sbarrier.arrive $0xFFFF  }
0x113: {  	_ =	shalt  }

// kernel: scatter_offload_async_start.1
scs
__scs_entry_jumppad:
0x0: {  	(pc) =	sbr.rel $0x88, $3  }
0x1: {  	(tag) =	ssettag $0x0;
	lr =	simm.s32 $0x1  }
0x2: {  	[smem:$0x3F99] =	sst lr;
	_ =	strace $0xD0000000  }
0x3: {  	_ = 	snop  }
0x4: {  	_ = 	snop  }
0x5: {  	_ = 	snop  }
0x6: {  	_ = 	snop  }
0x7: {  	_ = 	snop  }
__scs_overlays_trampoline_lowered:
0x8: {  	[smem:$0x3FA8] =	sst s0  }
0x9: {  	[smem:$0x3FA9] =	sst s1  }
0xa: {  	[smem:$0x3FAA] =	sst s2  }
0xb: {  	[smem:$0x3FAB] =	sst s3  }
0xc: {  	[smem:$0x3FAC] =	sst s4  }
0xd: {  	[smem:$0x3FAD] =	sst s5  }
0xe: {  	[smem:$0x3FAE] =	sst s6  }
0xf: {  	[smem:$0x3FAF] =	sst s7  }
0x10: {  	[smem:$0x3FB0] =	sst s8  }
0x11: {  	[smem:$0x3FB1] =	sst s9;
	s0 =	simm.s32 @!p0 $0x0  }
0x12: {  	s1 =	sld [smem:$0x3F97];
	s0 =	simm.s32 @p0 $0x1  }
0x13: {  	[smem:$0x3FB2] =	sst s0;
	s0 =	simm.s32 @!p1 $0x0  }
0x14: {  	s2 =	sld [smem:$0x3F96];
	s0 =	simm.s32 @p1 $0x1  }
0x15: {  	[smem:$0x3FB3] =	sst s0;
	s0 =	simm.s32 @!p2 $0x0  }
0x16: {  	s3 =	sld [smem:$0x3FDB];
	s0 =	simm.s32 @p2 $0x1  }
0x17: {  	s4 =	simm.s32 $0x1BF5;
	[smem:$0x3FB5] =	sst s0  }
0x18: {  	s0 =	sld [smem:$0x3F98];
	_ =	swait.ge [sflag:s4], $0x0  }
0x19: {  	s7 =	sld [smem:$0x3F99]  }
0x1a: {  	s8 =	sadd.s32 $0xFFFFE003, lr  }
0x1b: {  	s9 =	sadd.s32 $0xFFFFFEF7, lr;
	s5 =	simm.s32 $0xFFFFFFFF;
	p2 =	slt.u32 s8, $0xFFFFF086  }
0x1c: {  	p1 =	slt.u32 s9, $0xF7A;
	s5 =	simm.s32 @!p2 $0x0  }
0x1d: {  	s5 =	simm.s32 @p1 $0x1;
	p0 =	seq.s32 s7, s2  }
0x1e: {  	s7 =	smul.u32 @!p0 $0xF7A, s2;
	p2 =	seq.s32 @!p0 s5, $0x0  }
0x1f: {  	s9 =	smul.u32 $0xF7A, s1;
	s8 =	simm.s32 @!p0 $0x1BF5;
	p2 =	por !p2, p0  }
0x20: {  	[sflag:s8] =	ssyncset.s32 @!p0 $0xFFFFF086;
	s6 =	sadd.s32 @!p0 s3, s7;
	s7 =	simm.s32 @!p0 $0x108  }
0x21: {  	s3 =	sadd.s32 s3, s9;
	s6 =	sadd.s32 @!p0 $0x88, s6;
	s7 =	simm.s32 @p2 $0x1082  }
0x22: {  	[simem:s7], [sflag:s8] =	dma.local @!p0 [hbm:s6], $0xF7A  }
0x23: {  	s9 =	sor.u32 $0xD0000000, s2;
	s6 =	simm.s32 $0x108;
	_ =	swait.ge @!p0 [sflag:s8], $0x0  }
0x24: {  	s3 =	sadd.s32 $0x88, s3;
	s6 =	simm.s32 @!p1 $0x1082;
	[sflag:s4] =	ssyncset.s32 $0xFFFFF086  }
0x25: {  	[simem:s6], [sflag:s4] =	dma.local [hbm:s3], $0xF7A  }
0x26: {  	[smem:$0x3F99] =	sst s1;
	(tag) =	ssettag s2;
	_ =	strace s9  }
0x27: {  	s1 =	sld [smem:$0x3FA9]  }
0x28: {  	s2 =	sld [smem:$0x3FAA]  }
0x29: {  	s4 =	sld [smem:$0x3FAC]  }
0x2a: {  	p0 =	seq.s32 s5, $0x0;
	s5 =	sld [smem:$0x3FAD]  }
0x2b: {  	s6 =	sld [smem:$0x3FAE]  }
0x2c: {  	s7 =	sld [smem:$0x3FAF]  }
0x2d: {  	s3 =	simm.s32 $0x108;
	s8 =	sld [smem:$0x3FB0]  }
0x2e: {  	s3 =	simm.s32 @!p0 $0x1082;
	s9 =	sld [smem:$0x3FB1]  }
0x2f: {  	lr =	sadd.s32 s0, s3;
	s0 =	sld [smem:$0x3FA8]  }
0x30: {  	s3 =	sld [smem:$0x3FAB]  }
0x31: {  	[smem:$0x3FB4] =	sst s10  }
0x32: {  	s10 =	sld [smem:$0x3FB2];
	_ =	sdelay $0x3  }
0x33: {  	p0 =	seq.s32 s10, $0x1;
	s10 =	sld [smem:$0x3FB4];
	_ =	sdelay $0x3  }
0x34: {  	[smem:$0x3FB4] =	sst s10  }
0x35: {  	s10 =	sld [smem:$0x3FB3];
	_ =	sdelay $0x3  }
0x36: {  	p1 =	seq.s32 s10, $0x1;
	s10 =	sld [smem:$0x3FB4];
	_ =	sdelay $0x3  }
0x37: {  	[smem:$0x3FB4] =	sst s10  }
0x38: {  	s10 =	sld [smem:$0x3FB5]  }
0x39: {  	_ = 	snop;
	(pc) =	sbr.ind lr, $3  }
0x3a: {  	_ = 	snop  }
0x3b: {  	_ = 	snop  }
0x3c: {  	p2 =	seq.s32 s10, $0x1;
	s10 =	sld [smem:$0x3FB4]  }
0x3d: {  	_ =	shalt  }
0x3e: {  	_ =	shalt  }
0x3f: {  	_ =	shalt  }
0x40: {  	_ =	shalt  }
0x41: {  	_ =	shalt  }
0x42: {  	_ =	shalt  }
0x43: {  	_ =	shalt  }
0x44: {  	_ =	shalt  }
0x45: {  	_ =	shalt  }
0x46: {  	_ =	shalt  }
0x47: {  	_ =	shalt  }
0x48: {  	_ =	shalt  }
0x49: {  	_ =	shalt  }
0x4a: {  	_ =	shalt  }
0x4b: {  	_ =	shalt  }
0x4c: {  	_ =	shalt  }
0x4d: {  	_ =	shalt  }
0x4e: {  	_ =	shalt  }
0x4f: {  	_ =	shalt  }
0x50: {  	_ =	shalt  }
0x51: {  	_ =	shalt  }
0x52: {  	_ =	shalt  }
0x53: {  	_ =	shalt  }
0x54: {  	_ =	shalt  }
0x55: {  	_ =	shalt  }
0x56: {  	_ =	shalt  }
0x57: {  	_ =	shalt  }
0x58: {  	_ =	shalt  }
0x59: {  	_ =	shalt  }
0x5a: {  	_ =	shalt  }
0x5b: {  	_ =	shalt  }
0x5c: {  	_ =	shalt  }
0x5d: {  	_ =	shalt  }
0x5e: {  	_ =	shalt  }
0x5f: {  	_ =	shalt  }
0x60: {  	_ =	shalt  }
0x61: {  	_ =	shalt  }
0x62: {  	_ =	shalt  }
0x63: {  	_ =	shalt  }
0x64: {  	_ =	shalt  }
0x65: {  	_ =	shalt  }
0x66: {  	_ =	shalt  }
0x67: {  	_ =	shalt  }
0x68: {  	_ =	shalt  }
0x69: {  	_ =	shalt  }
0x6a: {  	_ =	shalt  }
0x6b: {  	_ =	shalt  }
0x6c: {  	_ =	shalt  }
0x6d: {  	_ =	shalt  }
0x6e: {  	_ =	shalt  }
0x6f: {  	_ =	shalt  }
0x70: {  	_ =	shalt  }
0x71: {  	_ =	shalt  }
0x72: {  	_ =	shalt  }
0x73: {  	_ =	shalt  }
0x74: {  	_ =	shalt  }
0x75: {  	_ =	shalt  }
0x76: {  	_ =	shalt  }
0x77: {  	_ =	shalt  }
0x78: {  	_ =	shalt  }
0x79: {  	_ =	shalt  }
0x7a: {  	_ =	shalt  }
0x7b: {  	_ =	shalt  }
0x7c: {  	_ =	shalt  }
0x7d: {  	_ =	shalt  }
0x7e: {  	_ =	shalt  }
0x7f: {  	_ =	shalt  }
0x80: {  	_ =	shalt  }
0x81: {  	_ =	shalt  }
0x82: {  	_ =	shalt  }
0x83: {  	_ =	shalt  }
0x84: {  	_ =	shalt  }
0x85: {  	_ =	shalt  }
0x86: {  	_ =	shalt  }
0x87: {  	_ =	shalt  }
.Lfunc_end0:
.L_simem_size_0:
called_computation.1_lowered:
.L_overlay_start_0:
0x88: {  	s0 =	sld [smem:$0x3FD9]  }
0x89: {  	s1 =	sld [smem:$0x3FFE];
	_ =	sdelay $0x3  }
0x8a: {  	s0 =	sadd.s32 s1, s0  }
0x8b: {  	[smem:$0x3FC0] =	sst s0  }
0x8c: {  	_ = 	snop  }
0x8d: {  	(tm) =	ssettm $0x1  }
0x8e: {  	s14 =	sld [smem:$0x3FFB];
	_ =	sdelay $0x3  }
0x8f: {  	_ =	strace s14  }
0x90: {  	s0 =	sld [smem:$0x3FFC];
	_ =	sdelay $0x3  }
0x91: {  	_ =	strace s0  }
0x92: {  	s0 =	sld [smem:$0x3FFD];
	_ =	sdelay $0x3  }
0x93: {  	_ =	strace s0  }
0x94: {  	_ =	strace $0x8FFFFFFF  }
0x95: {  	s15 =	sld [smem:$0x3FDB];
	_ =	sdelay $0x1  }
0x96: {  	s16 =	simm.s32 $_scs_section_size  }
0x97: {  	s2 =	simm.s32 $_size__tile_overlayer_lowered;
	s3 =	simm.s32 $_tile_overlayer_lowered  }
0x98: {  	s4 =	simm.s32 $0x1BFF;
	s17 =	sshll.u32 s3, $0x1;
	s1 =	sadd.s32 s16, s15  }
0x99: {  	s18 =	simm.s32 $0x0;
	s2 =	sshll.u32 s2, $0x1;
	s3 =	sadd.s32 s17, s1  }
0x9a: {  	[timem:s18], [sflag:s4] =	dma.local [hbm:s3], s2  }
0x9b: {  	_ =	swait.ge [sflag:s4], s2  }
0x9c: {  	s2 =	ssub.s32 $0x0, s2;
	[sflag:s4] =	ssyncset.done $0x0  }
0x9d: {  	[sflag:s4] =	ssyncadd.s32 s2;
	_ =	sdelay $0x1  }
0x9e: {  	s19 =	simm.s32 $0x1B8B  }
0x9f: {  	_ =	swait.ge [sflag:s19], $0x1  }
0xa0: {  	[sflag:s19] =	ssyncset.done $0x0  }
0xa1: {  	s21 =	simm.s32 $0x1B8E;
	s20 =	sld [smem:$0x3FFE];
	[sflag:s19] =	ssyncadd.s32 $0xFFFFFFFF  }
0xa2: {  	s22 =	simm.s32 $execute0_lowered;
	[smem:$0x3FD2] =	sst s21  }
0xa3: {  	s3 =	sshll.u32 s22, $0x1;
	_ =	strace $0x8000004C;
	[dreg:$0x1] =	wrdreg $0xFFFFFFFF  }
0xa4: {  	s23 =	simm.s32 $_size_execute0_lowered;
	s3 =	sadd.s32 s1, s3;
	[dreg:$0x0] =	wrdreg $0x0  }
0xa5: {  	s4 =	sshll.u32 s23, $0x1;
	[dreg:$0x2] =	wrdreg s3  }
0xa6: {  	[dreg:$0x3] =	wrdreg s4  }
0xa7: {  	[dreg:$0x4] =	wrdreg $0xC0  }
0xa8: {  	s24 =	simm.s32 $execute1_lowered;
	_ =	task [dreg:s18], $0x5FFFF  }
0xa9: {  	s3 =	sshll.u32 s24, $0x1;
	[dreg:$0x1] =	wrdreg $0xFFFFFFFF  }
0xaa: {  	s1 =	sadd.s32 s1, s3;
	[dreg:$0x0] =	wrdreg $0x60  }
0xab: {  	[dreg:$0x2] =	wrdreg s1  }
0xac: {  	[dreg:$0x3] =	wrdreg s20  }
0xad: {  	[dreg:$0x4] =	wrdreg $0x9  }
0xae: {  	_ =	task.clear_ibuf [dreg:s18], $0x5FFFF;
	_ =	strace $0x9000004C  }
0xaf: {  	s25 =	simm.s32 $0x9;
	_ =	strace $0x8000004E  }
0xb0: {  	_ =	swait.ge [sflag:s25], $0x1  }
0xb1: {  	[sflag:s25] =	ssyncadd.s32 $0xFFFFFFFF  }
0xb2: {  	_ =	strace $0x9000004E  }
0xb3: {  	_ =	strace $0x8000004F;
	[dreg:$0x1] =	wrdreg $0xFFFFFFFF  }
0xb4: {  	[dreg:$0x0] =	wrdreg $0x2030  }
0xb5: {  	[dreg:$0x2] =	wrdreg s20  }
0xb6: {  	[dreg:$0x3] =	wrdreg $0xA  }
0xb7: {  	_ =	task.clear_ibuf [dreg:s18], $0x4FFFF;
	_ =	strace $0x9000004F  }
0xb8: {  	s26 =	simm.s32 $0xA;
	_ =	strace $0x80000051  }
0xb9: {  	_ =	swait.ge [sflag:s26], $0x1  }
0xba: {  	[sflag:s26] =	ssyncadd.s32 $0xFFFFFFFF  }
0xbb: {  	_ =	strace $0x90000051  }
0xbc: {  	_ =	sfence  }
0xbd: {  	s28 =	sld [smem:$0x0];
	_ =	sdelay $0x1  }
0xbe: {  	s29 =	srdreg.scid  }
0xbf: {  	s30 =	sshll.u32 s29, $0xD;
	s31 =	sshrl.u32 s29, $0x2  }
0xc0: {  	s2 =	sand.u32 $0x1, s29;
	s3 =	sand.u32 $0x4000, s30;
	s1 =	sadd.s32 s31, s28  }
0xc1: {  	s2 =	sor.u32 s3, s2;
	s1 =	sshll.u32 s1, $0x11  }
0xc2: {  	s1 =	sor.u32 s1, s2  }
0xc3: {  	s1 =	sadd.s32 $0x8F2B, s1  }
0xc4: {  	[sflag:s1] =	ssyncadd.remote.s32 $0x1  }
0xc5: {  	_ =	sfence.sel $0xFFFF  }
0xc6: {  	[dreg:$0x0] =	wrdreg $0xFFFFFFFF;
	(pc) =	sbr.abs _section_cstart, $3  }
0xc7: {  	[dreg:$0x1] =	wrdreg $0xFFFFFFFF  }
0xc8: {  	_ =	task.clear_ibuf [dreg:s18], $0x2FFFF;
	_ =	strace $0x9FFFFFFF  }
0xc9: {  	(tm) =	ssettm $0x7FFFFFFF  }
tec
execute0_lowered:
.L_overlay_start_1:
0x0: {  	(tag) =	ssettag $0x1  }
0x1: {  	s2 =	rddreg [dreg:$0x0]  }
0x2: {  	s4 =	rddreg [dreg:$0x1]  }
0x3: {  	s0 =	rddreg [dreg:$0x2];
	s3 =	stileid.u32  }
0x4: {  	[bflag:$0x3] =	sbarrier.arrive $0xFFFF;
	s1 =	simm.s32 $_size_execute1_lowered;
	p0 =	sne.s32 s3, $0x0  }
0x5: {  	s1 =	sshll.u32 s1, $0x1;
	s5 =	simm.s32 @!p0 $0x1C3F;
	s6 =	simm.s32 @!p0 $0x4060  }
0x6: {  	[timem:s6], [sflag:s5] =	dma.local @!p0 [hbm:s2], s1  }
0x7: {  	s2 =	smul.u32 $0x280, s3  }
.Ltmp0:
0x8: {  	s31 =	simm.s32 $0x2;
	s7 =	simm.s32 $0x280;
	(pc) =	sbr.rel .LBB2_1-.Ltmp0, $4  }
0x9: {  	s8 =	simm.s32 $0x780;
	s10 =	simm.s32 $0x0;
	s9 =	simm.s32 $0x0  }
0xa: {  	s3 =	simm.s32 $0x1;
	_ =	strace $0x8000004D;
	s30 =	sshrl.u32 s2, $0x3  }
0xb: {  	s6 =	simm.s32 $0x0;
	[sflag:s3] =	ssyncpa.u1 $0x0;
	s5 =	sadd.s32 s30, s4  }
0xc: {  	s4 =	sadd.s32 $0x15200, s4;
	[sflag:s31] =	ssyncpa.u1 $0x0;
	s5 =	sadd.s32 $0x15800, s5  }
.LBB2_8:
0xd: {  	p1 =	seq.s32 s9, $0x2  }
.Ltmp1:
0xe: {  	_ = 	snop;
	(pc) =	sbr.rel @p1 .LBB2_10-.Ltmp1, $1  }
0xf: {  	_ =	sdelay $0x3  }
.LBB2_9:
0x10: {  	s9 =	sadd.s32 $0x1, s9;
	s10 =	smov.u32 s2  }
.LBB2_1:
0x11: {  	p1 =	sne.s32 s9, $0x0  }
.Ltmp2:
0x12: {  	_ = 	snop;
	(pc) =	sbr.rel @!p1 .LBB2_2-.Ltmp2, $1  }
0x13: {  	_ =	sdelay $0x3  }
0x14: {  	s11 =	sand.u32 $0x1, s9  }
0x15: {  	p1 =	seq.s32 s11, $0x0  }
.Ltmp3:
0x16: {  	_ = 	snop;
	(pc) =	sbr.rel @p1 .LBB2_8-.Ltmp3, $1  }
0x17: {  	_ =	sdelay $0x3  }
0x18: {  	_ =	swait.ge [sflag:s3], $0x280  }
0x19: {  	[sflag:s3] =	ssyncset.done $0x0  }
0x1a: {  	s11 =	simm.s32 $0x0;
	p1 =	por $0x1, $0x1;
	[sflag:s3] =	ssyncadd.s32 $0xFFFFFD80  }
.LBB2_5:
0x1b: {  	v0 =	vld [tilespmem:s11+$0x280]  }
0x1c: {  	v1 =	vld [tilespmem:s11+$0x290]  }
0x1d: {  	v2 =	vld [tilespmem:s11+$0x2A0]  }
0x1e: {  	v3 =	vld [tilespmem:s11+$0x2B0]  }
0x1f: {  	v4 =	vld [tilespmem:s11+$0x2C0]  }
0x20: {  	v53 =	vld [tilespmem:s11+$0x2D0];
	[tilespmem:s11+$0x780] =	vst v0  }
0x21: {  	v54 =	vld [tilespmem:s11+$0x2E0];
	[tilespmem:s11+$0x790] =	vst v1  }
0x22: {  	v55 =	vld [tilespmem:s11+$0x2F0];
	[tilespmem:s11+$0x7A0] =	vst v2  }
0x23: {  	v56 =	vld [tilespmem:s11+$0x300];
	[tilespmem:s11+$0x7B0] =	vst v3  }
0x24: {  	v57 =	vld [tilespmem:s11+$0x310];
	[tilespmem:s11+$0x7C0] =	vst v4  }
0x25: {  	v58 =	vld [tilespmem:s11+$0x320];
	[tilespmem:s11+$0x7D0] =	vst v53  }
0x26: {  	v59 =	vld [tilespmem:s11+$0x330];
	[tilespmem:s11+$0x7E0] =	vst v54  }
0x27: {  	v60 =	vld [tilespmem:s11+$0x340];
	[tilespmem:s11+$0x7F0] =	vst v55  }
0x28: {  	v61 =	vld [tilespmem:s11+$0x350];
	[tilespmem:s11+$0x800] =	vst v56  }
0x29: {  	v62 =	vld [tilespmem:s11+$0x360];
	[tilespmem:s11+$0x810] =	vst v57  }
0x2a: {  	v63 =	vld [tilespmem:s11+$0x370];
	p2 =	por p1, p1;
	[tilespmem:s11+$0x820] =	vst v58  }
.Ltmp4:
0x2b: {  	[tilespmem:s11+$0x830] =	vst v59;
	(pc) =	sbr.rel @p2 .LBB2_5-.Ltmp4, $4  }
0x2c: {  	[tilespmem:s11+$0x840] =	vst v60  }
0x2d: {  	[tilespmem:s11+$0x850] =	vst v61  }
0x2e: {  	s12 =	simm.s32 $0x1F0;
	s13 =	simm.s32 $0x980;
	[tilespmem:s11+$0x860] =	vst v62  }
0x2f: {  	s14 =	simm.s32 $0x480;
	p1 =	por $0x0, $0x0;
	[tilespmem:s11+$0x870] =	vst v63;
	s11 =	simm.s32 $0x100  }
.LBB2_6:
0x30: {  	s12 =	sadd.s32 $0x10, s12  }
0x31: {  	v0 =	vld [tilespmem:s14+$0x0];
	p1 =	slt.u32 s12, $0x270  }
.Ltmp5:
0x32: {  	_ = 	snop;
	(pc) =	sbr.rel @p1 .LBB2_6-.Ltmp5, $2  }
0x33: {  	_ =	sdelay $0x2  }
0x34: {  	s14 =	sadd.s32 $0x10, s14;
	[tilespmem:s13+$0x0] =	vst v0;
	s13 =	sadd.s32 $0x10, s13  }
.Ltmp6:
0x35: {  	(pc) =	sbr.rel .LBB2_8-.Ltmp6, $4  }
0x36: {  	_ = 	snop  }
0x37: {  	s10 =	sshrl.u32 s10, $0x3  }
0x38: {  	s10 =	sadd.s32 s4, s10  }
0x39: {  	[hbm4b:s10+s6] =	stream.linear.scatter [tilespmem:s8], [sflag:$0x2], $0x280, $0x38;
	[tilespmem:$0xA00] =	vst v63  }
.LBB2_2:
.Ltmp7:
0x3a: {  	(pc) =	sbr.rel .LBB2_9-.Ltmp7, $2  }
0x3b: {  	_ =	sdelay $0x2  }
0x3c: {  	[tilespmem:s7], [sflag:$0x1] =	stream.linear.gather [hbm4b:s5+s6], $0x280, $0x38;
	[tilespmem:$0xA00] =	vst v63  }
.LBB2_10:
0x3d: {  	s2 =	simm.s32 $0x2  }
0x3e: {  	_ =	swait.ge [sflag:s2], $0x280  }
0x3f: {  	[sflag:s2] =	ssyncset.done $0x0  }
0x40: {  	[sflag:s2] =	ssyncadd.s32 $0xFFFFFD80  }
0x41: {  	_ =	sfence.sel $0x180000  }
0x42: {  	s3 =	simm.s32 $0x1;
	[bflag:$0x0] =	sbarrier.arrive $0xFFFF  }
0x43: {  	[sflag:s3] =	ssyncpa.u1 $0x1  }
0x44: {  	[sflag:s2] =	ssyncpa.u1 $0x1  }
0x45: {  	_ =	strace $0x9000004D  }
0x46: {  	s0 =	sadd.s32 @!p0 $0x100000, s0;
	[bflag:$0x2] =	sbarrier.arrive $0xFFFF  }
0x47: {  	[sflag:s0] =	ssyncadd.tile.s32 @!p0 $0x1;
	s0 =	simm.s32 @!p0 $0x3F  }
0x48: {  	_ =	swait.ge @!p0 [sflag:s0], s1  }
0x49: {  	s1 =	ssub.s32 @!p0 $0x0, s1;
	[sflag:s0] =	ssyncset.done @!p0 $0x0  }
0x4a: {  	[sflag:s0] =	ssyncadd.s32 @!p0 s1  }
0x4b: {  	[bflag:$0x3] =	sbarrier.arrive $0xFFFF  }
0x4c: {  	_ =	shalt  }
.Lfunc_end2:
execute1_lowered:
.L_overlay_start_2:
0x4d: {  	(tag) =	ssettag $0x2  }
0x4e: {  	s7 =	rddreg [dreg:$0x0]  }
0x4f: {  	s0 =	rddreg [dreg:$0x1];
	_ =	strace $0x80000050  }
0x50: {  	s3 =	stileid.u32;
	s4 =	simm.s32 $0x3E;
	s1 =	sadd.s32 $0x15200, s7  }
0x51: {  	p0 =	sne.s32 s3, $0x0;
	[sflag:s4] =	ssyncpa.u1 $0x0;
	s29 =	smin.u32 s3, $0x8  }
0x52: {  	s30 =	sshll.u32 s3, $0x1;
	s2 =	simm.s32 @!p0 $0x1C3E;
	s5 =	simm.s32 @!p0 $0x0  }
0x53: {  	[spmem:s5], [sflag:s2] =	dma.local @!p0 [hbm:s1], $0x500  }
0x54: {  	s2 =	sadd.s32 s29, s30  }
0x55: {  	p1 =	slt.u32 s3, $0x8;
	s3 =	simm.s32 $0x5DC0;
	s2 =	smul.u32 $0x1F40, s2  }
0x56: {  	s3 =	simm.s32 @!p1 $0x3E80  }
0x57: {  	s3 =	sadd.s32 s3, s2  }
0x58: {  	s3 =	smin.u32 s3, $0x4E200  }
0x59: {  	s8 =	ssub.s32 s3, s2  }
0x5a: {  	p1 =	sgt.s32 s8, $0x0  }
0x5b: {  	s8 =	simm.s32 @!p1 $0x0  }
0x5c: {  	s5 =	simm.s32 @!p0 $0x3E;
	s31 =	smulhi.u32 $0x10624DD3, s8  }
0x5d: {  	_ =	swait.ge @!p0 [sflag:s5], $0x500  }
0x5e: {  	s6 =	simm.s32 $0x2;
	[sflag:s5] =	ssyncset.done @!p0 $0x0;
	s9 =	sshrl.u32 s31, $0x9  }
0x5f: {  	s11 =	simm.s32 $0x0;
	[sflag:s5] =	ssyncadd.s32 @!p0 $0xFFFFFB00;
	s10 =	smul.u32 $0x1F40, s9  }
.Ltmp8:
0x60: {  	s5 =	sadd.s32 $0xB400, s7;
	[bflag:$0x0] =	sbarrier.arrive $0xFFFF;
	(pc) =	sbr.rel .LBB3_1-.Ltmp8, $4  }
0x61: {  	s7 =	sadd.s32 $0x15E00, s7;
	[sflag:s4] =	ssyncpa.u1 $0x1;
	s4 =	simm.s32 $0x1  }
0x62: {  	[sflag:s4] =	ssyncpa.u1 $0x0;
	p1 =	sne.s32 s8, s10;
	s8 =	simm.s32 $0x1  }
0x63: {  	(ifvalue) =	ssetifvalue $0x2800;
	[sflag:s6] =	ssyncpa.u1 $0x0;
	s8 =	simm.s32 @!p1 $0x0  }
0x64: {  	vm0 =	vmmov $0xffff;
	s10 =	smov.u32 s2;
	s8 =	sadd.s32 s8, s9;
	s9 =	simm.s32 $0x0  }
.LBB3_5:
0x65: {  	p2 =	sne.s32 s11, s8  }
.Ltmp9:
0x66: {  	_ = 	snop;
	(pc) =	sbr.rel @!p2 .LBB3_6-.Ltmp9, $4  }
0x67: {  	_ = 	snop  }
0x68: {  	s12 =	sadd.s32 $0x1F40, s10  }
0x69: {  	s10 =	smov.u32 s2;
	s13 =	sadd.s32 $0x1, s11;
	p1 =	slt.s32 s12, s3  }
0x6a: {  	s11 =	smov.u32 s13;
	s10 =	smov.u32 @p1 s12  }
.LBB3_1:
0x6b: {  	p1 =	sge.u32 s11, s8  }
0x6c: {  	s12 =	sxor.u32 @!p1 $0xFFFFFFFF, s11  }
0x6d: {  	s12 =	sand.u32 @!p1 $0x1, s12  }
0x6e: {  	s12 =	smul.u32 @!p1 $0x1F40, s12  }
0x6f: {  	s13 =	sshrl.u32 @!p1 s10, $0x3  }
0x70: {  	s16 =	sand.u32 @!p1 $0x7, s10;
	s14 =	sadd.s32 @!p1 s5, s13;
	s15 =	sadd.s32 @!p1 $0x280, s12  }
0x71: {  	[tilespmem:s15], [sflag:$0x2] =	stream.linear.gather @!p1 [hbm4b:s14+s16], $0x1F40, $0x38;
	[tilespmem:$0x7F80] =	vst v63  }
0x72: {  	s13 =	sadd.s32 @!p1 s7, s13;
	s12 =	sadd.s32 @!p1 $0x4100, s12  }
0x73: {  	[tilespmem:s12], [sflag:$0x2] =	stream.linear.gather @!p1 [hbm4b:s13+s16], $0x1F40, $0x38;
	[tilespmem:$0x7F80] =	vst v63  }
0x74: {  	p1 =	seq.s32 s11, $0x0  }
.Ltmp10:
0x75: {  	_ = 	snop;
	(pc) =	sbr.rel @p1 .LBB3_5-.Ltmp10, $1  }
0x76: {  	_ =	sdelay $0x3  }
0x77: {  	s12 =	sand.u32 $0x1, s11  }
0x78: {  	_ =	swait.ge [sflag:s6], $0x3E80;
	p1 =	seq.s32 s12, $0x1;
	s12 =	simm.s32 $0x1F40  }
0x79: {  	[sflag:s6] =	ssyncset.done $0x0;
	s12 =	simm.s32 @!p1 $0x0  }
0x7a: {  	[sflag:s6] =	ssyncadd.s32 $0xFFFFC180;
	s14 =	sadd.s32 $0x280, s12  }
0x7b: {  	v0 =	vld.msk [tilespmem:s14+$0x0 ss:$0x1], $0xffff;
	_ =	sdelay $0x4  }
0x7c: {  	v0 =	vmin.u32 v0, $0x2800;
	_ =	sdelay $0x3  }
0x7d: {  	s13 =	simm.s32 $0x0;
	s12 =	sadd.s32 $0x4100, s12;
	s14 =	sadd.s32 $0x10, s14  }
0x7e: {  	[spmem:s9] =	stream.indirect_vreg.scatter.add.s32 [tilespmem:s12], [sflag:$0x1], $0x1, v0, vm0, $0x4038;
	[tilespmem:$0x7F80] =	vst v63  }
.LBB3_3:
0x7f: {  	v0 =	vld.msk [tilespmem:s14+$0x0 ss:$0x1], $0xffff;
	s13 =	sadd.s32 $0x10, s13  }
0x80: {  	p1 =	slt.u32 s13, $0x1F30;
	_ =	sdelay $0x4  }
0x81: {  	v0 =	vmin.u32 v0, $0x2800  }
.Ltmp11:
0x82: {  	(pc) =	sbr.rel @p1 .LBB3_3-.Ltmp11, $3  }
0x83: {  	_ =	sdelay $0x1  }
0x84: {  	s14 =	sadd.s32 $0x10, s14;
	s12 =	sadd.s32 $0x10, s12  }
0x85: {  	[spmem:s9] =	stream.indirect_vreg.scatter.add.s32 [tilespmem:s12], [sflag:$0x1], $0x1, v0, vm0, $0x4038;
	[tilespmem:$0x7F80] =	vst v63  }
.Ltmp12:
0x86: {  	(pc) =	sbr.rel .LBB3_5-.Ltmp12, $4  }
0x87: {  	_ = 	snop  }
0x88: {  	_ =	swait.ge [sflag:s4], $0x1F40  }
0x89: {  	[sflag:s4] =	ssyncset.done $0x0  }
0x8a: {  	[sflag:s4] =	ssyncadd.s32 $0xFFFFE0C0  }
.LBB3_6:
0x8b: {  	_ =	sfence.sel $0x180000  }
0x8c: {  	s2 =	simm.s32 $0x2;
	[bflag:$0x0] =	sbarrier.arrive $0xFFFF  }
0x8d: {  	s30 =	simm.s32 $0x1;
	[sflag:s2] =	ssyncpa.u1 $0x1  }
0x8e: {  	[sflag:s30] =	ssyncpa.u1 $0x1  }
0x8f: {  	_ =	sfence.stream.spmem  }
0x90: {  	s31 =	simm.s32 $0x3D;
	[bflag:$0x0] =	sbarrier.arrive $0xFFFF  }
0x91: {  	s2 =	simm.s32 @p0 $0x3D;
	[sflag:s31] =	ssyncpa.u1 $0x0  }
0x92: {  	[sflag:s2] =	ssyncpa.u1 @p0 $0x1  }
0x93: {  	[bflag:$0x0] =	sbarrier.arrive @p0 $0xFFFF  }
0x94: {  	_ =	strace @p0 $0x90000050  }
0x95: {  	s3 =	simm.s32 @!p0 $0x1C3D;
	s2 =	simm.s32 @!p0 $0x0;
	[bflag:$0x2] =	sbarrier.arrive @p0 $0xFFFF  }
0x96: {  	[hbm:s1], [sflag:s3] =	dma.local @!p0 [spmem:s2], $0x500  }
0x97: {  	s1 =	simm.s32 @!p0 $0x3D  }
0x98: {  	_ =	swait.ge @!p0 [sflag:s1], $0x500  }
0x99: {  	[sflag:s1] =	ssyncset.done @!p0 $0x0  }
0x9a: {  	[sflag:s1] =	ssyncadd.s32 @!p0 $0xFFFFFB00  }
0x9b: {  	[sflag:s1] =	ssyncpa.u1 @!p0 $0x1  }
0x9c: {  	[bflag:$0x0] =	sbarrier.arrive @!p0 $0xFFFF  }
0x9d: {  	_ =	strace @!p0 $0x90000050  }
0x9e: {  	s0 =	sadd.s32 @!p0 $0x100000, s0;
	[bflag:$0x2] =	sbarrier.arrive @!p0 $0xFFFF  }
0x9f: {  	[sflag:s0] =	ssyncadd.tile.s32 @!p0 $0x1;
	_ =	shalt  }
.Lfunc_end3:
_tile_overlayer_lowered:
.L_overlay_start_3:
0xa0: {  	(tag) =	ssettag $0x3  }
0xa1: {  	s0 =	rddreg [dreg:$0x0];
	s2 =	stileid.u32  }
0xa2: {  	s1 =	rddreg [dreg:$0x1];
	p0 =	sne.s32 s2, $0x0  }
0xa3: {  	s3 =	rddreg [dreg:$0x2];
	[bflag:$0x3] =	sbarrier.arrive $0xFFFF;
	s2 =	simm.s32 @!p0 $0x1C01  }
0xa4: {  	[timem:s3], [sflag:s2] =	dma.local @!p0 [hbm:s0], s1  }
0xa5: {  	s0 =	simm.s32 @!p0 $0x1  }
0xa6: {  	_ =	swait.ge @!p0 [sflag:s0], s1  }
0xa7: {  	s1 =	ssub.s32 @!p0 $0x0, s1;
	[sflag:s0] =	ssyncset.done @!p0 $0x0  }
0xa8: {  	[sflag:s0] =	ssyncadd.s32 @!p0 s1  }
0xa9: {  	[bflag:$0x3] =	sbarrier.arrive $0xFFFF  }
0xaa: {  	_ =	shalt  }

// kernel: scatter_offload_async_start
scs
__scs_entry_jumppad:
0x0: {  	(pc) =	sbr.rel $0x88, $3  }
0x1: {  	(tag) =	ssettag $0x0;
	lr =	simm.s32 $0x1  }
0x2: {  	[smem:$0x3F99] =	sst lr;
	_ =	strace $0xD0000000  }
0x3: {  	_ = 	snop  }
0x4: {  	_ = 	snop  }
0x5: {  	_ = 	snop  }
0x6: {  	_ = 	snop  }
0x7: {  	_ = 	snop  }
__scs_overlays_trampoline_lowered:
0x8: {  	[smem:$0x3FA8] =	sst s0  }
0x9: {  	[smem:$0x3FA9] =	sst s1  }
0xa: {  	[smem:$0x3FAA] =	sst s2  }
0xb: {  	[smem:$0x3FAB] =	sst s3  }
0xc: {  	[smem:$0x3FAC] =	sst s4  }
0xd: {  	[smem:$0x3FAD] =	sst s5  }
0xe: {  	[smem:$0x3FAE] =	sst s6  }
0xf: {  	[smem:$0x3FAF] =	sst s7  }
0x10: {  	[smem:$0x3FB0] =	sst s8  }
0x11: {  	[smem:$0x3FB1] =	sst s9;
	s0 =	simm.s32 @!p0 $0x0  }
0x12: {  	s1 =	sld [smem:$0x3F97];
	s0 =	simm.s32 @p0 $0x1  }
0x13: {  	[smem:$0x3FB2] =	sst s0;
	s0 =	simm.s32 @!p1 $0x0  }
0x14: {  	s2 =	sld [smem:$0x3F96];
	s0 =	simm.s32 @p1 $0x1  }
0x15: {  	[smem:$0x3FB3] =	sst s0;
	s0 =	simm.s32 @!p2 $0x0  }
0x16: {  	s3 =	sld [smem:$0x3FDB];
	s0 =	simm.s32 @p2 $0x1  }
0x17: {  	s4 =	simm.s32 $0x1BF5;
	[smem:$0x3FB5] =	sst s0  }
0x18: {  	s0 =	sld [smem:$0x3F98];
	_ =	swait.ge [sflag:s4], $0x0  }
0x19: {  	s7 =	sld [smem:$0x3F99]  }
0x1a: {  	s8 =	sadd.s32 $0xFFFFE003, lr  }
0x1b: {  	s9 =	sadd.s32 $0xFFFFFEF7, lr;
	s5 =	simm.s32 $0xFFFFFFFF;
	p2 =	slt.u32 s8, $0xFFFFF086  }
0x1c: {  	p1 =	slt.u32 s9, $0xF7A;
	s5 =	simm.s32 @!p2 $0x0  }
0x1d: {  	s5 =	simm.s32 @p1 $0x1;
	p0 =	seq.s32 s7, s2  }
0x1e: {  	s7 =	smul.u32 @!p0 $0xF7A, s2;
	p2 =	seq.s32 @!p0 s5, $0x0  }
0x1f: {  	s9 =	smul.u32 $0xF7A, s1;
	s8 =	simm.s32 @!p0 $0x1BF5;
	p2 =	por !p2, p0  }
0x20: {  	[sflag:s8] =	ssyncset.s32 @!p0 $0xFFFFF086;
	s6 =	sadd.s32 @!p0 s3, s7;
	s7 =	simm.s32 @!p0 $0x108  }
0x21: {  	s3 =	sadd.s32 s3, s9;
	s6 =	sadd.s32 @!p0 $0x88, s6;
	s7 =	simm.s32 @p2 $0x1082  }
0x22: {  	[simem:s7], [sflag:s8] =	dma.local @!p0 [hbm:s6], $0xF7A  }
0x23: {  	s9 =	sor.u32 $0xD0000000, s2;
	s6 =	simm.s32 $0x108;
	_ =	swait.ge @!p0 [sflag:s8], $0x0  }
0x24: {  	s3 =	sadd.s32 $0x88, s3;
	s6 =	simm.s32 @!p1 $0x1082;
	[sflag:s4] =	ssyncset.s32 $0xFFFFF086  }
0x25: {  	[simem:s6], [sflag:s4] =	dma.local [hbm:s3], $0xF7A  }
0x26: {  	[smem:$0x3F99] =	sst s1;
	(tag) =	ssettag s2;
	_ =	strace s9  }
0x27: {  	s1 =	sld [smem:$0x3FA9]  }
0x28: {  	s2 =	sld [smem:$0x3FAA]  }
0x29: {  	s4 =	sld [smem:$0x3FAC]  }
0x2a: {  	p0 =	seq.s32 s5, $0x0;
	s5 =	sld [smem:$0x3FAD]  }
0x2b: {  	s6 =	sld [smem:$0x3FAE]  }
0x2c: {  	s7 =	sld [smem:$0x3FAF]  }
0x2d: {  	s3 =	simm.s32 $0x108;
	s8 =	sld [smem:$0x3FB0]  }
0x2e: {  	s3 =	simm.s32 @!p0 $0x1082;
	s9 =	sld [smem:$0x3FB1]  }
0x2f: {  	lr =	sadd.s32 s0, s3;
	s0 =	sld [smem:$0x3FA8]  }
0x30: {  	s3 =	sld [smem:$0x3FAB]  }
0x31: {  	[smem:$0x3FB4] =	sst s10  }
0x32: {  	s10 =	sld [smem:$0x3FB2];
	_ =	sdelay $0x3  }
0x33: {  	p0 =	seq.s32 s10, $0x1;
	s10 =	sld [smem:$0x3FB4];
	_ =	sdelay $0x3  }
0x34: {  	[smem:$0x3FB4] =	sst s10  }
0x35: {  	s10 =	sld [smem:$0x3FB3];
	_ =	sdelay $0x3  }
0x36: {  	p1 =	seq.s32 s10, $0x1;
	s10 =	sld [smem:$0x3FB4];
	_ =	sdelay $0x3  }
0x37: {  	[smem:$0x3FB4] =	sst s10  }
0x38: {  	s10 =	sld [smem:$0x3FB5]  }
0x39: {  	_ = 	snop;
	(pc) =	sbr.ind lr, $3  }
0x3a: {  	_ = 	snop  }
0x3b: {  	_ = 	snop  }
0x3c: {  	p2 =	seq.s32 s10, $0x1;
	s10 =	sld [smem:$0x3FB4]  }
0x3d: {  	_ =	shalt  }
0x3e: {  	_ =	shalt  }
0x3f: {  	_ =	shalt  }
0x40: {  	_ =	shalt  }
0x41: {  	_ =	shalt  }
0x42: {  	_ =	shalt  }
0x43: {  	_ =	shalt  }
0x44: {  	_ =	shalt  }
0x45: {  	_ =	shalt  }
0x46: {  	_ =	shalt  }
0x47: {  	_ =	shalt  }
0x48: {  	_ =	shalt  }
0x49: {  	_ =	shalt  }
0x4a: {  	_ =	shalt  }
0x4b: {  	_ =	shalt  }
0x4c: {  	_ =	shalt  }
0x4d: {  	_ =	shalt  }
0x4e: {  	_ =	shalt  }
0x4f: {  	_ =	shalt  }
0x50: {  	_ =	shalt  }
0x51: {  	_ =	shalt  }
0x52: {  	_ =	shalt  }
0x53: {  	_ =	shalt  }
0x54: {  	_ =	shalt  }
0x55: {  	_ =	shalt  }
0x56: {  	_ =	shalt  }
0x57: {  	_ =	shalt  }
0x58: {  	_ =	shalt  }
0x59: {  	_ =	shalt  }
0x5a: {  	_ =	shalt  }
0x5b: {  	_ =	shalt  }
0x5c: {  	_ =	shalt  }
0x5d: {  	_ =	shalt  }
0x5e: {  	_ =	shalt  }
0x5f: {  	_ =	shalt  }
0x60: {  	_ =	shalt  }
0x61: {  	_ =	shalt  }
0x62: {  	_ =	shalt  }
0x63: {  	_ =	shalt  }
0x64: {  	_ =	shalt  }
0x65: {  	_ =	shalt  }
0x66: {  	_ =	shalt  }
0x67: {  	_ =	shalt  }
0x68: {  	_ =	shalt  }
0x69: {  	_ =	shalt  }
0x6a: {  	_ =	shalt  }
0x6b: {  	_ =	shalt  }
0x6c: {  	_ =	shalt  }
0x6d: {  	_ =	shalt  }
0x6e: {  	_ =	shalt  }
0x6f: {  	_ =	shalt  }
0x70: {  	_ =	shalt  }
0x71: {  	_ =	shalt  }
0x72: {  	_ =	shalt  }
0x73: {  	_ =	shalt  }
0x74: {  	_ =	shalt  }
0x75: {  	_ =	shalt  }
0x76: {  	_ =	shalt  }
0x77: {  	_ =	shalt  }
0x78: {  	_ =	shalt  }
0x79: {  	_ =	shalt  }
0x7a: {  	_ =	shalt  }
0x7b: {  	_ =	shalt  }
0x7c: {  	_ =	shalt  }
0x7d: {  	_ =	shalt  }
0x7e: {  	_ =	shalt  }
0x7f: {  	_ =	shalt  }
0x80: {  	_ =	shalt  }
0x81: {  	_ =	shalt  }
0x82: {  	_ =	shalt  }
0x83: {  	_ =	shalt  }
0x84: {  	_ =	shalt  }
0x85: {  	_ =	shalt  }
0x86: {  	_ =	shalt  }
0x87: {  	_ =	shalt  }
.Lfunc_end0:
.L_simem_size_0:
called_computation_lowered:
.L_overlay_start_0:
0x88: {  	s0 =	sld [smem:$0x3FD9]  }
0x89: {  	s1 =	sld [smem:$0x3FFE];
	_ =	sdelay $0x3  }
0x8a: {  	s0 =	sadd.s32 s1, s0  }
0x8b: {  	[smem:$0x3FC0] =	sst s0  }
0x8c: {  	_ = 	snop  }
0x8d: {  	(tm) =	ssettm $0x1  }
0x8e: {  	s14 =	sld [smem:$0x3FFB];
	_ =	sdelay $0x3  }
0x8f: {  	_ =	strace s14  }
0x90: {  	s0 =	sld [smem:$0x3FFC];
	_ =	sdelay $0x3  }
0x91: {  	_ =	strace s0  }
0x92: {  	s0 =	sld [smem:$0x3FFD];
	_ =	sdelay $0x3  }
0x93: {  	_ =	strace s0  }
0x94: {  	_ =	strace $0x8FFFFFFF  }
0x95: {  	s15 =	sld [smem:$0x3FDB];
	_ =	sdelay $0x1  }
0x96: {  	s16 =	simm.s32 $_scs_section_size  }
0x97: {  	s2 =	simm.s32 $_size__tile_overlayer_lowered;
	s3 =	simm.s32 $_tile_overlayer_lowered  }
0x98: {  	s4 =	simm.s32 $0x1BFF;
	s17 =	sshll.u32 s3, $0x1;
	s1 =	sadd.s32 s16, s15  }
0x99: {  	s18 =	simm.s32 $0x0;
	s2 =	sshll.u32 s2, $0x1;
	s3 =	sadd.s32 s17, s1  }
0x9a: {  	[timem:s18], [sflag:s4] =	dma.local [hbm:s3], s2  }
0x9b: {  	_ =	swait.ge [sflag:s4], s2  }
0x9c: {  	s2 =	ssub.s32 $0x0, s2;
	[sflag:s4] =	ssyncset.done $0x0  }
0x9d: {  	[sflag:s4] =	ssyncadd.s32 s2;
	_ =	sdelay $0x1  }
0x9e: {  	s19 =	simm.s32 $0x1B8B  }
0x9f: {  	_ =	swait.ge [sflag:s19], $0x1  }
0xa0: {  	[sflag:s19] =	ssyncset.done $0x0  }
0xa1: {  	s21 =	simm.s32 $0x1B8E;
	s20 =	sld [smem:$0x3FFE];
	[sflag:s19] =	ssyncadd.s32 $0xFFFFFFFF  }
0xa2: {  	s22 =	simm.s32 $execute0_lowered;
	[smem:$0x3FD2] =	sst s21  }
0xa3: {  	s3 =	sshll.u32 s22, $0x1;
	_ =	strace $0x80000046;
	[dreg:$0x1] =	wrdreg $0xFFFFFFFF  }
0xa4: {  	s23 =	simm.s32 $_size_execute0_lowered;
	s3 =	sadd.s32 s1, s3;
	[dreg:$0x0] =	wrdreg $0x0  }
0xa5: {  	s4 =	sshll.u32 s23, $0x1;
	[dreg:$0x2] =	wrdreg s3  }
0xa6: {  	[dreg:$0x3] =	wrdreg s4  }
0xa7: {  	[dreg:$0x4] =	wrdreg $0xC0  }
0xa8: {  	s24 =	simm.s32 $execute1_lowered;
	_ =	task [dreg:s18], $0x5FFFF  }
0xa9: {  	s3 =	sshll.u32 s24, $0x1;
	[dreg:$0x1] =	wrdreg $0xFFFFFFFF  }
0xaa: {  	s1 =	sadd.s32 s1, s3;
	[dreg:$0x0] =	wrdreg $0x60  }
0xab: {  	[dreg:$0x2] =	wrdreg s1  }
0xac: {  	[dreg:$0x3] =	wrdreg s20  }
0xad: {  	[dreg:$0x4] =	wrdreg $0xB  }
0xae: {  	_ =	task.clear_ibuf [dreg:s18], $0x5FFFF;
	_ =	strace $0x90000046  }
0xaf: {  	s25 =	simm.s32 $0xB;
	_ =	strace $0x80000048  }
0xb0: {  	_ =	swait.ge [sflag:s25], $0x1  }
0xb1: {  	[sflag:s25] =	ssyncadd.s32 $0xFFFFFFFF  }
0xb2: {  	_ =	strace $0x90000048  }
0xb3: {  	_ =	strace $0x80000049;
	[dreg:$0x1] =	wrdreg $0xFFFFFFFF  }
0xb4: {  	[dreg:$0x0] =	wrdreg $0x2030  }
0xb5: {  	[dreg:$0x2] =	wrdreg s20  }
0xb6: {  	[dreg:$0x3] =	wrdreg $0xC  }
0xb7: {  	_ =	task.clear_ibuf [dreg:s18], $0x4FFFF;
	_ =	strace $0x90000049  }
0xb8: {  	s26 =	simm.s32 $0xC;
	_ =	strace $0x8000004B  }
0xb9: {  	_ =	swait.ge [sflag:s26], $0x1  }
0xba: {  	[sflag:s26] =	ssyncadd.s32 $0xFFFFFFFF  }
0xbb: {  	_ =	strace $0x9000004B  }
0xbc: {  	_ =	sfence  }
0xbd: {  	s28 =	sld [smem:$0x0];
	_ =	sdelay $0x1  }
0xbe: {  	s29 =	srdreg.scid  }
0xbf: {  	s30 =	sshll.u32 s29, $0xD;
	s31 =	sshrl.u32 s29, $0x2  }
0xc0: {  	s2 =	sand.u32 $0x1, s29;
	s3 =	sand.u32 $0x4000, s30;
	s1 =	sadd.s32 s31, s28  }
0xc1: {  	s2 =	sor.u32 s3, s2;
	s1 =	sshll.u32 s1, $0x11  }
0xc2: {  	s1 =	sor.u32 s1, s2  }
0xc3: {  	s1 =	sadd.s32 $0x8F2B, s1  }
0xc4: {  	[sflag:s1] =	ssyncadd.remote.s32 $0x1  }
0xc5: {  	_ =	sfence.sel $0xFFFF  }
0xc6: {  	[dreg:$0x0] =	wrdreg $0xFFFFFFFF;
	(pc) =	sbr.abs _section_cstart, $3  }
0xc7: {  	[dreg:$0x1] =	wrdreg $0xFFFFFFFF  }
0xc8: {  	_ =	task.clear_ibuf [dreg:s18], $0x2FFFF;
	_ =	strace $0x9FFFFFFF  }
0xc9: {  	(tm) =	ssettm $0x7FFFFFFF  }
tec
execute0_lowered:
.L_overlay_start_1:
0x0: {  	(tag) =	ssettag $0x1  }
0x1: {  	s2 =	rddreg [dreg:$0x0]  }
0x2: {  	s4 =	rddreg [dreg:$0x1]  }
0x3: {  	s0 =	rddreg [dreg:$0x2];
	s3 =	stileid.u32  }
0x4: {  	[bflag:$0x3] =	sbarrier.arrive $0xFFFF;
	s1 =	simm.s32 $_size_execute1_lowered;
	p0 =	sne.s32 s3, $0x0  }
0x5: {  	s1 =	sshll.u32 s1, $0x1;
	s5 =	simm.s32 @!p0 $0x1C3F;
	s6 =	simm.s32 @!p0 $0x4060  }
0x6: {  	[timem:s6], [sflag:s5] =	dma.local @!p0 [hbm:s2], s1  }
0x7: {  	s2 =	smul.u32 $0x280, s3  }
.Ltmp0:
0x8: {  	s31 =	simm.s32 $0x2;
	s7 =	simm.s32 $0x280;
	(pc) =	sbr.rel .LBB2_1-.Ltmp0, $4  }
0x9: {  	s8 =	simm.s32 $0x780;
	s10 =	simm.s32 $0x0;
	s9 =	simm.s32 $0x0  }
0xa: {  	s3 =	simm.s32 $0x1;
	_ =	strace $0x80000047;
	s30 =	sshrl.u32 s2, $0x3  }
0xb: {  	s6 =	simm.s32 $0x0;
	[sflag:s3] =	ssyncpa.u1 $0x0;
	s5 =	sadd.s32 s30, s4  }
0xc: {  	s4 =	sadd.s32 $0x1FC00, s4;
	[sflag:s31] =	ssyncpa.u1 $0x0;
	s5 =	sadd.s32 $0x15800, s5  }
.LBB2_8:
0xd: {  	p1 =	seq.s32 s9, $0x2  }
.Ltmp1:
0xe: {  	_ = 	snop;
	(pc) =	sbr.rel @p1 .LBB2_10-.Ltmp1, $1  }
0xf: {  	_ =	sdelay $0x3  }
.LBB2_9:
0x10: {  	s9 =	sadd.s32 $0x1, s9;
	s10 =	smov.u32 s2  }
.LBB2_1:
0x11: {  	p1 =	sne.s32 s9, $0x0  }
.Ltmp2:
0x12: {  	_ = 	snop;
	(pc) =	sbr.rel @!p1 .LBB2_2-.Ltmp2, $1  }
0x13: {  	_ =	sdelay $0x3  }
0x14: {  	s11 =	sand.u32 $0x1, s9  }
0x15: {  	p1 =	seq.s32 s11, $0x0  }
.Ltmp3:
0x16: {  	_ = 	snop;
	(pc) =	sbr.rel @p1 .LBB2_8-.Ltmp3, $1  }
0x17: {  	_ =	sdelay $0x3  }
0x18: {  	_ =	swait.ge [sflag:s3], $0x280  }
0x19: {  	[sflag:s3] =	ssyncset.done $0x0  }
0x1a: {  	s11 =	simm.s32 $0x0;
	p1 =	por $0x1, $0x1;
	[sflag:s3] =	ssyncadd.s32 $0xFFFFFD80  }
.LBB2_5:
0x1b: {  	v0 =	vld [tilespmem:s11+$0x280]  }
0x1c: {  	v1 =	vld [tilespmem:s11+$0x290]  }
0x1d: {  	v2 =	vld [tilespmem:s11+$0x2A0]  }
0x1e: {  	v3 =	vld [tilespmem:s11+$0x2B0]  }
0x1f: {  	v4 =	vld [tilespmem:s11+$0x2C0]  }
0x20: {  	v53 =	vld [tilespmem:s11+$0x2D0];
	[tilespmem:s11+$0x780] =	vst v0  }
0x21: {  	v54 =	vld [tilespmem:s11+$0x2E0];
	[tilespmem:s11+$0x790] =	vst v1  }
0x22: {  	v55 =	vld [tilespmem:s11+$0x2F0];
	[tilespmem:s11+$0x7A0] =	vst v2  }
0x23: {  	v56 =	vld [tilespmem:s11+$0x300];
	[tilespmem:s11+$0x7B0] =	vst v3  }
0x24: {  	v57 =	vld [tilespmem:s11+$0x310];
	[tilespmem:s11+$0x7C0] =	vst v4  }
0x25: {  	v58 =	vld [tilespmem:s11+$0x320];
	[tilespmem:s11+$0x7D0] =	vst v53  }
0x26: {  	v59 =	vld [tilespmem:s11+$0x330];
	[tilespmem:s11+$0x7E0] =	vst v54  }
0x27: {  	v60 =	vld [tilespmem:s11+$0x340];
	[tilespmem:s11+$0x7F0] =	vst v55  }
0x28: {  	v61 =	vld [tilespmem:s11+$0x350];
	[tilespmem:s11+$0x800] =	vst v56  }
0x29: {  	v62 =	vld [tilespmem:s11+$0x360];
	[tilespmem:s11+$0x810] =	vst v57  }
0x2a: {  	v63 =	vld [tilespmem:s11+$0x370];
	p2 =	por p1, p1;
	[tilespmem:s11+$0x820] =	vst v58  }
.Ltmp4:
0x2b: {  	[tilespmem:s11+$0x830] =	vst v59;
	(pc) =	sbr.rel @p2 .LBB2_5-.Ltmp4, $4  }
0x2c: {  	[tilespmem:s11+$0x840] =	vst v60  }
0x2d: {  	[tilespmem:s11+$0x850] =	vst v61  }
0x2e: {  	s12 =	simm.s32 $0x1F0;
	s13 =	simm.s32 $0x980;
	[tilespmem:s11+$0x860] =	vst v62  }
0x2f: {  	s14 =	simm.s32 $0x480;
	p1 =	por $0x0, $0x0;
	[tilespmem:s11+$0x870] =	vst v63;
	s11 =	simm.s32 $0x100  }
.LBB2_6:
0x30: {  	s12 =	sadd.s32 $0x10, s12  }
0x31: {  	v0 =	vld [tilespmem:s14+$0x0];
	p1 =	slt.u32 s12, $0x270  }
.Ltmp5:
0x32: {  	_ = 	snop;
	(pc) =	sbr.rel @p1 .LBB2_6-.Ltmp5, $2  }
0x33: {  	_ =	sdelay $0x2  }
0x34: {  	s14 =	sadd.s32 $0x10, s14;
	[tilespmem:s13+$0x0] =	vst v0;
	s13 =	sadd.s32 $0x10, s13  }
.Ltmp6:
0x35: {  	(pc) =	sbr.rel .LBB2_8-.Ltmp6, $4  }
0x36: {  	_ = 	snop  }
0x37: {  	s10 =	sshrl.u32 s10, $0x3  }
0x38: {  	s10 =	sadd.s32 s4, s10  }
0x39: {  	[hbm4b:s10+s6] =	stream.linear.scatter [tilespmem:s8], [sflag:$0x2], $0x280, $0x38;
	[tilespmem:$0xA00] =	vst v63  }
.LBB2_2:
.Ltmp7:
0x3a: {  	(pc) =	sbr.rel .LBB2_9-.Ltmp7, $2  }
0x3b: {  	_ =	sdelay $0x2  }
0x3c: {  	[tilespmem:s7], [sflag:$0x1] =	stream.linear.gather [hbm4b:s5+s6], $0x280, $0x38;
	[tilespmem:$0xA00] =	vst v63  }
.LBB2_10:
0x3d: {  	s2 =	simm.s32 $0x2  }
0x3e: {  	_ =	swait.ge [sflag:s2], $0x280  }
0x3f: {  	[sflag:s2] =	ssyncset.done $0x0  }
0x40: {  	[sflag:s2] =	ssyncadd.s32 $0xFFFFFD80  }
0x41: {  	_ =	sfence.sel $0x180000  }
0x42: {  	s3 =	simm.s32 $0x1;
	[bflag:$0x0] =	sbarrier.arrive $0xFFFF  }
0x43: {  	[sflag:s3] =	ssyncpa.u1 $0x1  }
0x44: {  	[sflag:s2] =	ssyncpa.u1 $0x1  }
0x45: {  	_ =	strace $0x90000047  }
0x46: {  	s0 =	sadd.s32 @!p0 $0x100000, s0;
	[bflag:$0x2] =	sbarrier.arrive $0xFFFF  }
0x47: {  	[sflag:s0] =	ssyncadd.tile.s32 @!p0 $0x1;
	s0 =	simm.s32 @!p0 $0x3F  }
0x48: {  	_ =	swait.ge @!p0 [sflag:s0], s1  }
0x49: {  	s1 =	ssub.s32 @!p0 $0x0, s1;
	[sflag:s0] =	ssyncset.done @!p0 $0x0  }
0x4a: {  	[sflag:s0] =	ssyncadd.s32 @!p0 s1  }
0x4b: {  	[bflag:$0x3] =	sbarrier.arrive $0xFFFF  }
0x4c: {  	_ =	shalt  }
.Lfunc_end2:
execute1_lowered:
.L_overlay_start_2:
0x4d: {  	(tag) =	ssettag $0x2  }
0x4e: {  	s7 =	rddreg [dreg:$0x0]  }
0x4f: {  	s0 =	rddreg [dreg:$0x1];
	_ =	strace $0x8000004A  }
0x50: {  	s3 =	stileid.u32;
	s4 =	simm.s32 $0x3E;
	s1 =	sadd.s32 $0x1FC00, s7  }
0x51: {  	p0 =	sne.s32 s3, $0x0;
	[sflag:s4] =	ssyncpa.u1 $0x0;
	s29 =	smin.u32 s3, $0x8  }
0x52: {  	s30 =	sshll.u32 s3, $0x1;
	s2 =	simm.s32 @!p0 $0x1C3E;
	s5 =	simm.s32 @!p0 $0x0  }
0x53: {  	[spmem:s5], [sflag:s2] =	dma.local @!p0 [hbm:s1], $0x500  }
0x54: {  	s2 =	sadd.s32 s29, s30  }
0x55: {  	p1 =	slt.u32 s3, $0x8;
	s3 =	simm.s32 $0x5DC0;
	s2 =	smul.u32 $0x1F40, s2  }
0x56: {  	s3 =	simm.s32 @!p1 $0x3E80  }
0x57: {  	s3 =	sadd.s32 s3, s2  }
0x58: {  	s3 =	smin.u32 s3, $0x4E200  }
0x59: {  	s8 =	ssub.s32 s3, s2  }
0x5a: {  	p1 =	sgt.s32 s8, $0x0  }
0x5b: {  	s8 =	simm.s32 @!p1 $0x0  }
0x5c: {  	s5 =	simm.s32 @!p0 $0x3E;
	s31 =	smulhi.u32 $0x10624DD3, s8  }
0x5d: {  	_ =	swait.ge @!p0 [sflag:s5], $0x500  }
0x5e: {  	s6 =	simm.s32 $0x2;
	[sflag:s5] =	ssyncset.done @!p0 $0x0;
	s9 =	sshrl.u32 s31, $0x9  }
0x5f: {  	s11 =	simm.s32 $0x0;
	[sflag:s5] =	ssyncadd.s32 @!p0 $0xFFFFFB00;
	s10 =	smul.u32 $0x1F40, s9  }
.Ltmp8:
0x60: {  	s5 =	sadd.s32 $0x1600, s7;
	[bflag:$0x0] =	sbarrier.arrive $0xFFFF;
	(pc) =	sbr.rel .LBB3_1-.Ltmp8, $4  }
0x61: {  	s7 =	sadd.s32 $0x15E00, s7;
	[sflag:s4] =	ssyncpa.u1 $0x1;
	s4 =	simm.s32 $0x1  }
0x62: {  	[sflag:s4] =	ssyncpa.u1 $0x0;
	p1 =	sne.s32 s8, s10;
	s8 =	simm.s32 $0x1  }
0x63: {  	(ifvalue) =	ssetifvalue $0x2800;
	[sflag:s6] =	ssyncpa.u1 $0x0;
	s8 =	simm.s32 @!p1 $0x0  }
0x64: {  	vm0 =	vmmov $0xffff;
	s10 =	smov.u32 s2;
	s8 =	sadd.s32 s8, s9;
	s9 =	simm.s32 $0x0  }
.LBB3_5:
0x65: {  	p2 =	sne.s32 s11, s8  }
.Ltmp9:
0x66: {  	_ = 	snop;
	(pc) =	sbr.rel @!p2 .LBB3_6-.Ltmp9, $4  }
0x67: {  	_ = 	snop  }
0x68: {  	s12 =	sadd.s32 $0x1F40, s10  }
0x69: {  	s10 =	smov.u32 s2;
	s13 =	sadd.s32 $0x1, s11;
	p1 =	slt.s32 s12, s3  }
0x6a: {  	s11 =	smov.u32 s13;
	s10 =	smov.u32 @p1 s12  }
.LBB3_1:
0x6b: {  	p1 =	sge.u32 s11, s8  }
0x6c: {  	s12 =	sxor.u32 @!p1 $0xFFFFFFFF, s11  }
0x6d: {  	s12 =	sand.u32 @!p1 $0x1, s12  }
0x6e: {  	s12 =	smul.u32 @!p1 $0x1F40, s12  }
0x6f: {  	s13 =	sshrl.u32 @!p1 s10, $0x3  }
0x70: {  	s16 =	sand.u32 @!p1 $0x7, s10;
	s14 =	sadd.s32 @!p1 s5, s13;
	s15 =	sadd.s32 @!p1 $0x280, s12  }
0x71: {  	[tilespmem:s15], [sflag:$0x2] =	stream.linear.gather @!p1 [hbm4b:s14+s16], $0x1F40, $0x38;
	[tilespmem:$0x7F80] =	vst v63  }
0x72: {  	s13 =	sadd.s32 @!p1 s7, s13;
	s12 =	sadd.s32 @!p1 $0x4100, s12  }
0x73: {  	[tilespmem:s12], [sflag:$0x2] =	stream.linear.gather @!p1 [hbm4b:s13+s16], $0x1F40, $0x38;
	[tilespmem:$0x7F80] =	vst v63  }
0x74: {  	p1 =	seq.s32 s11, $0x0  }
.Ltmp10:
0x75: {  	_ = 	snop;
	(pc) =	sbr.rel @p1 .LBB3_5-.Ltmp10, $1  }
0x76: {  	_ =	sdelay $0x3  }
0x77: {  	s12 =	sand.u32 $0x1, s11  }
0x78: {  	_ =	swait.ge [sflag:s6], $0x3E80;
	p1 =	seq.s32 s12, $0x1;
	s12 =	simm.s32 $0x1F40  }
0x79: {  	[sflag:s6] =	ssyncset.done $0x0;
	s12 =	simm.s32 @!p1 $0x0  }
0x7a: {  	[sflag:s6] =	ssyncadd.s32 $0xFFFFC180;
	s14 =	sadd.s32 $0x280, s12  }
0x7b: {  	v0 =	vld.msk [tilespmem:s14+$0x0 ss:$0x1], $0xffff;
	_ =	sdelay $0x4  }
0x7c: {  	v0 =	vmin.u32 v0, $0x2800;
	_ =	sdelay $0x3  }
0x7d: {  	s13 =	simm.s32 $0x0;
	s12 =	sadd.s32 $0x4100, s12;
	s14 =	sadd.s32 $0x10, s14  }
0x7e: {  	[spmem:s9] =	stream.indirect_vreg.scatter.add.s32 [tilespmem:s12], [sflag:$0x1], $0x1, v0, vm0, $0x4038;
	[tilespmem:$0x7F80] =	vst v63  }
.LBB3_3:
0x7f: {  	v0 =	vld.msk [tilespmem:s14+$0x0 ss:$0x1], $0xffff;
	s13 =	sadd.s32 $0x10, s13  }
0x80: {  	p1 =	slt.u32 s13, $0x1F30;
	_ =	sdelay $0x4  }
0x81: {  	v0 =	vmin.u32 v0, $0x2800  }
.Ltmp11:
0x82: {  	(pc) =	sbr.rel @p1 .LBB3_3-.Ltmp11, $3  }
0x83: {  	_ =	sdelay $0x1  }
0x84: {  	s14 =	sadd.s32 $0x10, s14;
	s12 =	sadd.s32 $0x10, s12  }
0x85: {  	[spmem:s9] =	stream.indirect_vreg.scatter.add.s32 [tilespmem:s12], [sflag:$0x1], $0x1, v0, vm0, $0x4038;
	[tilespmem:$0x7F80] =	vst v63  }
.Ltmp12:
0x86: {  	(pc) =	sbr.rel .LBB3_5-.Ltmp12, $4  }
0x87: {  	_ = 	snop  }
0x88: {  	_ =	swait.ge [sflag:s4], $0x1F40  }
0x89: {  	[sflag:s4] =	ssyncset.done $0x0  }
0x8a: {  	[sflag:s4] =	ssyncadd.s32 $0xFFFFE0C0  }
.LBB3_6:
0x8b: {  	_ =	sfence.sel $0x180000  }
0x8c: {  	s2 =	simm.s32 $0x2;
	[bflag:$0x0] =	sbarrier.arrive $0xFFFF  }
0x8d: {  	s30 =	simm.s32 $0x1;
	[sflag:s2] =	ssyncpa.u1 $0x1  }
0x8e: {  	[sflag:s30] =	ssyncpa.u1 $0x1  }
0x8f: {  	_ =	sfence.stream.spmem  }
0x90: {  	s31 =	simm.s32 $0x3D;
	[bflag:$0x0] =	sbarrier.arrive $0xFFFF  }
0x91: {  	s2 =	simm.s32 @p0 $0x3D;
	[sflag:s31] =	ssyncpa.u1 $0x0  }
0x92: {  	[sflag:s2] =	ssyncpa.u1 @p0 $0x1  }
0x93: {  	[bflag:$0x0] =	sbarrier.arrive @p0 $0xFFFF  }
0x94: {  	_ =	strace @p0 $0x9000004A  }
0x95: {  	s3 =	simm.s32 @!p0 $0x1C3D;
	s2 =	simm.s32 @!p0 $0x0;
	[bflag:$0x2] =	sbarrier.arrive @p0 $0xFFFF  }
0x96: {  	[hbm:s1], [sflag:s3] =	dma.local @!p0 [spmem:s2], $0x500  }
0x97: {  	s1 =	simm.s32 @!p0 $0x3D  }
0x98: {  	_ =	swait.ge @!p0 [sflag:s1], $0x500  }
0x99: {  	[sflag:s1] =	ssyncset.done @!p0 $0x0  }
0x9a: {  	[sflag:s1] =	ssyncadd.s32 @!p0 $0xFFFFFB00  }
0x9b: {  	[sflag:s1] =	ssyncpa.u1 @!p0 $0x1  }
0x9c: {  	[bflag:$0x0] =	sbarrier.arrive @!p0 $0xFFFF  }
0x9d: {  	_ =	strace @!p0 $0x9000004A  }
0x9e: {  	s0 =	sadd.s32 @!p0 $0x100000, s0;
	[bflag:$0x2] =	sbarrier.arrive @!p0 $0xFFFF  }
0x9f: {  	[sflag:s0] =	ssyncadd.tile.s32 @!p0 $0x1;
	_ =	shalt  }
.Lfunc_end3:
_tile_overlayer_lowered:
.L_overlay_start_3:
0xa0: {  	(tag) =	ssettag $0x3  }
0xa1: {  	s0 =	rddreg [dreg:$0x0];
	s2 =	stileid.u32  }
0xa2: {  	s1 =	rddreg [dreg:$0x1];
	p0 =	sne.s32 s2, $0x0  }
0xa3: {  	s3 =	rddreg [dreg:$0x2];
	[bflag:$0x3] =	sbarrier.arrive $0xFFFF;
	s2 =	simm.s32 @!p0 $0x1C01  }
0xa4: {  	[timem:s3], [sflag:s2] =	dma.local @!p0 [hbm:s0], s1  }
0xa5: {  	s0 =	simm.s32 @!p0 $0x1  }
0xa6: {  	_ =	swait.ge @!p0 [sflag:s0], s1  }
0xa7: {  	s1 =	ssub.s32 @!p0 $0x0, s1;
	[sflag:s0] =	ssyncset.done @!p0 $0x0  }
0xa8: {  	[sflag:s0] =	ssyncadd.s32 @!p0 s1  }
0xa9: {  	[bflag:$0x3] =	sbarrier.arrive $0xFFFF  }
0xaa: {  	_ =	shalt  }

</sc_bundles>
